<compile_context>
chip_gen: v7x
topology: tpu7x:2x2x1
jax: 0.10.2.dev20260603
libtpu: 0.0.44.dev20260713+nightly
codegen_flags: <defaults>
</compile_context>

<pallas_src>
import functools

import jax
import jax.numpy as jnp
from jax import lax
from jax.experimental import pallas as pl
from jax.experimental.pallas import tpu as pltpu
from jax.experimental.pallas import tpu_sc as plsc

NC, NS = 2, 16
NW = NC * NS
LANES = 16
CHUNK = 128
NBUF = 5
GAT_AHEAD = 3


@functools.lru_cache(maxsize=None)
def _build(batch, seq_len, dim):
    rows = batch * seq_len
    span = seq_len // NW
    nch = (batch * span) // CHUNK
    ch_per_b = span // CHUNK
    nvec = dim // LANES
    mesh = plsc.VectorSubcoreMesh(
        core_axis_name="c", subcore_axis_name="s",
        num_cores=NC, num_subcores=NS)

    @functools.partial(
        pl.kernel,
        out_type=jax.ShapeDtypeStruct((rows, dim), jnp.float32),
        mesh=mesh,
        scratch_types=[
            pltpu.VMEM((batch, span), jnp.int32),
            pltpu.VMEM((span, dim), jnp.float32),
            pltpu.VMEM((NBUF, CHUNK, dim), jnp.float32),
            pltpu.SemaphoreType.DMA,
            pltpu.SemaphoreType.DMA,
            pltpu.SemaphoreType.DMA((2,)),
            pltpu.SemaphoreType.DMA((NBUF,)),
            pltpu.SemaphoreType.DMA((NBUF,)),
        ],
    )
    def emb(ids_hbm, table_hbm, pos_hbm, out_hbm, idx_v, pos_v, bufs,
            hd_sem, id_sem, ld_sem, gat_sem, out_sem):
        wid = lax.axis_index("s") * NC + lax.axis_index("c")
        s0 = wid * span

        idx_head = pltpu.async_copy(
            ids_hbm.at[0, pl.ds(s0, 32)], idx_v.at[0, pl.ds(0, 32)],
            hd_sem)
        idx_rest = pltpu.async_copy(
            ids_hbm.at[:, pl.ds(s0, span)], idx_v, id_sem)
        pos_lds = [
            pltpu.async_copy(pos_hbm.at[pl.ds(s0 + h * CHUNK, CHUNK)],
                             pos_v.at[pl.ds(h * CHUNK, CHUNK)], ld_sem.at[h])
            for h in range(ch_per_b)]

        pend_gat, pend_out = {}, {}

        chunks = [(0, 0, 32), (0, 32, 96)]
        chunks += [(b_row, 0, CHUNK) for b_row in range(1, batch)]
        chunks += [(b_row, CHUNK, CHUNK) for b_row in range(batch - 1)]
        chunks += [(batch - 1, CHUNK, 96), (batch - 1, CHUNK + 96, 32)]
        ncs = len(chunks)

        def start_gather(c):
            b = c % NBUF
            if c - NBUF in pend_out:
                pend_out.pop(c - NBUF).wait()
            b_row, roff, n = chunks[c]
            pend_gat[c] = pltpu.async_copy(
                table_hbm.at[idx_v.at[b_row, pl.ds(roff, n)]],
                bufs.at[b, pl.ds(0, n)], gat_sem.at[b])

        def add_pos(c):
            b = c % NBUF
            _, roff, n = chunks[c]
            buf = bufs.at[b]

            def body(r, carry):
                pr = roff + r
                for j in range(nvec):
                    sl = pl.ds(j * LANES, LANES)
                    plsc.addupdate(buf.at[r, sl], pos_v[pr, sl])
                return carry

            lax.fori_loop(0, n, body, 0)

        def finish_chunk(c):
            b = c % NBUF
            b_row, roff, n = chunks[c]
            half = roff // CHUNK
            if pos_lds[half] is not None:
                pos_lds[half].wait()
                pos_lds[half] = None
            pend_gat.pop(c).wait()
            add_pos(c)
            pend_out[c] = pltpu.async_copy(
                bufs.at[b, pl.ds(0, n)],
                out_hbm.at[pl.ds(b_row * seq_len + s0 + roff, n)],
                out_sem.at[b])

        idx_head.wait()
        start_gather(0)
        idx_rest.wait()
        for c in range(1, GAT_AHEAD):
            start_gather(c)
        for c in range(ncs):
            if c + GAT_AHEAD < ncs:
                start_gather(c + GAT_AHEAD)
            finish_chunk(c)
        for c in sorted(pend_out):
            pend_out.pop(c).wait()

    return emb


def kernel(input_ids, embedding_weight, pos_embedding):
    batch, seq_len = input_ids.shape
    _, dim = embedding_weight.shape
    ids = input_ids.astype(jnp.int32)
    out = _build(batch, seq_len, dim)(ids, embedding_weight, pos_embedding)
    return out.reshape(batch, seq_len, dim)

# --- scband reference (transcript-rebuilt; emitter-appended) ---
"""Pipeline reference for scband-fused-token-positional-embedding-49031346651651 (READ-ONLY COPY).

The authoritative reference and input builder live on the scoring server;
editing this copy changes nothing except your own understanding.
"""

import jax, jax.numpy as jnp
import numpy as np

VOCAB = 100000
EMBED_DIM = 128
MAX_SEQ_LEN = 8192
BATCH = 4
SEQ_LEN = 8192


def setup_inputs(seed: int = 0) -> dict:
    key = jax.random.key(seed)
    k1, k2, k3 = jax.random.split(key, 3)
    input_ids = jax.random.randint(k1, (BATCH, SEQ_LEN), 0, VOCAB, dtype=jnp.int64 if jax.config.jax_enable_x64 else jnp.int32)
    # nn.Embedding weight init: normal(0, embed_dim ** -0.5)
    embedding_weight = jax.random.normal(k2, (VOCAB, EMBED_DIM), dtype=jnp.float32) * (EMBED_DIM ** -0.5)
    # LearnablePositionalEncoding init: normal(0, 0.02)
    pos_embedding = jax.random.normal(k3, (MAX_SEQ_LEN, EMBED_DIM), dtype=jnp.float32) * 0.02
    return {"input_ids": input_ids, "embedding_weight": embedding_weight, "pos_embedding": pos_embedding}


def reference(input_ids, embedding_weight, pos_embedding):
    # OptimizedEmbedding: token embedding lookup (gather)
    tok = jnp.take(embedding_weight, input_ids, axis=0)  # [B, S, D]
    # LearnablePositionalEncoding: seq_len <= max_seq_len branch
    seq_len = tok.shape[1]
    pos = pos_embedding[:seq_len]  # [S, D]
    combined = tok + pos[None, :, :]
    # dropout = 0.0 / eval mode -> identity
    return combined

if __name__ == "__main__":
    import jax
    _d = setup_inputs()
    print(jax.jit(kernel)(*tuple(_d.values())))

</pallas_src>

<mosaic_0001>
#map = affine_map<(d0, d1) -> (0, 0)>
module attributes {stable_mosaic.version = 14 : i64} {
  func.func @emb(%arg0: i32, %arg1: i32, %arg2: memref<4x8192xi32, #tpu.memory_space<hbm>>, %arg3: memref<100000x128xf32, #tpu.memory_space<hbm>>, %arg4: memref<8192x128xf32, #tpu.memory_space<hbm>>, %arg5: memref<32768x128xf32, #tpu.memory_space<hbm>>, %arg6: memref<4x256xi32, #tpu.memory_space<vmem>>, %arg7: memref<256x128xf32, #tpu.memory_space<vmem>>, %arg8: memref<5x128x128xf32, #tpu.memory_space<vmem>>, %arg9: memref<!tpu.dma_semaphore, #tpu.memory_space<semaphore_mem>>, %arg10: memref<!tpu.dma_semaphore, #tpu.memory_space<semaphore_mem>>, %arg11: memref<2x!tpu.dma_semaphore, #tpu.memory_space<semaphore_mem>>, %arg12: memref<5x!tpu.dma_semaphore, #tpu.memory_space<semaphore_mem>>, %arg13: memref<5x!tpu.dma_semaphore, #tpu.memory_space<semaphore_mem>>) attributes {dimension_semantics = [#tpu.dimension_semantics<core_parallel>, #tpu.dimension_semantics<subcore_parallel>], iteration_bounds = array<i64: 2, 16>, scalar_prefetch = 0 : i64, scratch_operands = 8 : i64, tpu.core_type = #tpu.core_type<sc_vector_subcore>, window_params = [{transform_indices = #map}, {transform_indices = #map}, {transform_indices = #map}, {transform_indices = #map}]} {
    %mul3A = arith.constant 2 : i32
    %mul3A_0 = arith.muli %arg1, %mul3A : i32
    %add3A = arith.addi %mul3A_0, %arg0 : i32
    %mul3A_1 = arith.constant 256 : i32
    %mul3A_2 = arith.muli %add3A, %mul3A_1 : i32
    %dma_start3A = arith.constant 0 : i32
    %dma_start3A_3 = arith.constant 0 : i32
    %dma_start3A_4 = arith.constant 0 : i32
    %dma_start3A_5 = tpu.memref_slice %arg6[%dma_start3A_3, %dma_start3A_4] : memref<4x256xi32, #tpu.memory_space<vmem>> -> memref<1x32xi32, #tpu.memory_space<vmem>>
    %dma_start3A_6 = tpu.memref_squeeze %dma_start3A_5 : memref<1x32xi32, #tpu.memory_space<vmem>> -> memref<32xi32, #tpu.memory_space<vmem>>
    %dma_start3A_7 = tpu.memref_slice %arg2[%dma_start3A, %mul3A_2] : memref<4x8192xi32, #tpu.memory_space<hbm>> -> memref<1x32xi32, #tpu.memory_space<hbm>>
    %dma_start3A_8 = tpu.memref_squeeze %dma_start3A_7 : memref<1x32xi32, #tpu.memory_space<hbm>> -> memref<32xi32, #tpu.memory_space<hbm>>
    %dma_start3A_9 = arith.constant 0 : i32
    %dma_start3A_10 = tpu.memref_slice %arg6[%dma_start3A_3, %dma_start3A_9] : memref<4x256xi32, #tpu.memory_space<vmem>> -> memref<1x32xi32, #tpu.memory_space<vmem>>
    %dma_start3A_11 = tpu.memref_squeeze %dma_start3A_10 : memref<1x32xi32, #tpu.memory_space<vmem>> -> memref<32xi32, #tpu.memory_space<vmem>>
    %dma_start3A_12 = tpu.memref_slice %arg2[%dma_start3A, %mul3A_2] : memref<4x8192xi32, #tpu.memory_space<hbm>> -> memref<1x32xi32, #tpu.memory_space<hbm>>
    %dma_start3A_13 = tpu.memref_squeeze %dma_start3A_12 : memref<1x32xi32, #tpu.memory_space<hbm>> -> memref<32xi32, #tpu.memory_space<hbm>>
    tpu.enqueue_dma source(%dma_start3A_13 : memref<32xi32, #tpu.memory_space<hbm>>) target(%dma_start3A_11 : memref<32xi32, #tpu.memory_space<vmem>>) target_semaphore(%arg9 : memref<!tpu.dma_semaphore, #tpu.memory_space<semaphore_mem>>)
    %dma_start3A_14 = arith.constant 0 : i32
    %dma_start3A_15 = tpu.memref_slice %arg2[%dma_start3A_14, %mul3A_2] : memref<4x8192xi32, #tpu.memory_space<hbm>> -> memref<4x256xi32, #tpu.memory_space<hbm>>
    %dma_start3A_16 = arith.constant 0 : i32
    %dma_start3A_17 = tpu.memref_slice %arg2[%dma_start3A_16, %mul3A_2] : memref<4x8192xi32, #tpu.memory_space<hbm>> -> memref<4x256xi32, #tpu.memory_space<hbm>>
    tpu.enqueue_dma source(%dma_start3A_17 : memref<4x256xi32, #tpu.memory_space<hbm>>) target(%arg6 : memref<4x256xi32, #tpu.memory_space<vmem>>) target_semaphore(%arg10 : memref<!tpu.dma_semaphore, #tpu.memory_space<semaphore_mem>>)
    %add3A_18 = arith.constant 0 : i32
    %add3A_19 = arith.addi %mul3A_2, %add3A_18 : i32
    %dma_start3A_20 = arith.constant 0 : i32
    %dma_start3A_21 = arith.constant 0 : i32
    %dma_start3A_22 = arith.constant 0 : i32
    %dma_start3A_23 = tpu.memref_slice %arg7[%dma_start3A_21, %dma_start3A_22] : memref<256x128xf32, #tpu.memory_space<vmem>> -> memref<128x128xf32, #tpu.memory_space<vmem>>
    %dma_start3A_24 = arith.constant 0 : i32
    %dma_start3A_25 = tpu.memref_slice %arg4[%add3A_19, %dma_start3A_24] : memref<8192x128xf32, #tpu.memory_space<hbm>> -> memref<128x128xf32, #tpu.memory_space<hbm>>
    %dma_start3A_26 = tpu.memref_slice %arg11[%dma_start3A_20] : memref<2x!tpu.dma_semaphore, #tpu.memory_space<semaphore_mem>> -> memref<1x!tpu.dma_semaphore, #tpu.memory_space<semaphore_mem>>
    %dma_start3A_27 = tpu.memref_squeeze %dma_start3A_26 : memref<1x!tpu.dma_semaphore, #tpu.memory_space<semaphore_mem>> -> memref<!tpu.dma_semaphore, #tpu.memory_space<semaphore_mem>>
    %dma_start3A_28 = arith.constant 0 : i32
    %dma_start3A_29 = arith.constant 0 : i32
    %dma_start3A_30 = tpu.memref_slice %arg7[%dma_start3A_28, %dma_start3A_29] : memref<256x128xf32, #tpu.memory_space<vmem>> -> memref<128x128xf32, #tpu.memory_space<vmem>>
    %dma_start3A_31 = arith.constant 0 : i32
    %dma_start3A_32 = tpu.memref_slice %arg4[%add3A_19, %dma_start3A_31] : memref<8192x128xf32, #tpu.memory_space<hbm>> -> memref<128x128xf32, #tpu.memory_space<hbm>>
    tpu.enqueue_dma source(%dma_start3A_32 : memref<128x128xf32, #tpu.memory_space<hbm>>) target(%dma_start3A_30 : memref<128x128xf32, #tpu.memory_space<vmem>>) target_semaphore(%dma_start3A_27 : memref<!tpu.dma_semaphore, #tpu.memory_space<semaphore_mem>>)
    %add3A_33 = arith.constant 128 : i32
    %add3A_34 = arith.addi %mul3A_2, %add3A_33 : i32
    %dma_start3A_35 = arith.constant 1 : i32
    %dma_start3A_36 = arith.constant 128 : i32
    %dma_start3A_37 = arith.constant 0 : i32
    %dma_start3A_38 = tpu.memref_slice %arg7[%dma_start3A_36, %dma_start3A_37] : memref<256x128xf32, #tpu.memory_space<vmem>> -> memref<128x128xf32, #tpu.memory_space<vmem>>
    %dma_start3A_39 = arith.constant 0 : i32
    %dma_start3A_40 = tpu.memref_slice %arg4[%add3A_34, %dma_start3A_39] : memref<8192x128xf32, #tpu.memory_space<hbm>> -> memref<128x128xf32, #tpu.memory_space<hbm>>
    %dma_start3A_41 = tpu.memref_slice %arg11[%dma_start3A_35] : memref<2x!tpu.dma_semaphore, #tpu.memory_space<semaphore_mem>> -> memref<1x!tpu.dma_semaphore, #tpu.memory_space<semaphore_mem>>
    %dma_start3A_42 = tpu.memref_squeeze %dma_start3A_41 : memref<1x!tpu.dma_semaphore, #tpu.memory_space<semaphore_mem>> -> memref<!tpu.dma_semaphore, #tpu.memory_space<semaphore_mem>>
    %dma_start3A_43 = arith.constant 128 : i32
    %dma_start3A_44 = arith.constant 0 : i32
    %dma_start3A_45 = tpu.memref_slice %arg7[%dma_start3A_43, %dma_start3A_44] : memref<256x128xf32, #tpu.memory_space<vmem>> -> memref<128x128xf32, #tpu.memory_space<vmem>>
    %dma_start3A_46 = arith.constant 0 : i32
    %dma_start3A_47 = tpu.memref_slice %arg4[%add3A_34, %dma_start3A_46] : memref<8192x128xf32, #tpu.memory_space<hbm>> -> memref<128x128xf32, #tpu.memory_space<hbm>>
    tpu.enqueue_dma source(%dma_start3A_47 : memref<128x128xf32, #tpu.memory_space<hbm>>) target(%dma_start3A_45 : memref<128x128xf32, #tpu.memory_space<vmem>>) target_semaphore(%dma_start3A_42 : memref<!tpu.dma_semaphore, #tpu.memory_space<semaphore_mem>>)
    %dma_wait3A = arith.constant 0 : i32
    %dma_wait3A_48 = arith.constant 0 : i32
    %dma_wait3A_49 = arith.constant 0 : i32
    %dma_wait3A_50 = tpu.memref_slice %arg6[%dma_wait3A_48, %dma_wait3A_49] : memref<4x256xi32, #tpu.memory_space<vmem>> -> memref<1x32xi32, #tpu.memory_space<vmem>>
    %dma_wait3A_51 = tpu.memref_squeeze %dma_wait3A_50 : memref<1x32xi32, #tpu.memory_space<vmem>> -> memref<32xi32, #tpu.memory_space<vmem>>
    %dma_wait3A_52 = tpu.memref_slice %arg2[%dma_wait3A, %mul3A_2] : memref<4x8192xi32, #tpu.memory_space<hbm>> -> memref<1x32xi32, #tpu.memory_space<hbm>>
    %dma_wait3A_53 = tpu.memref_squeeze %dma_wait3A_52 : memref<1x32xi32, #tpu.memory_space<hbm>> -> memref<32xi32, #tpu.memory_space<hbm>>
    %dma_wait3A_54 = arith.constant 0 : i32
    %dma_wait3A_55 = tpu.memref_slice %arg6[%dma_wait3A_48, %dma_wait3A_54] : memref<4x256xi32, #tpu.memory_space<vmem>> -> memref<1x32xi32, #tpu.memory_space<vmem>>
    %dma_wait3A_56 = tpu.memref_squeeze %dma_wait3A_55 : memref<1x32xi32, #tpu.memory_space<vmem>> -> memref<32xi32, #tpu.memory_space<vmem>>
    %dma_wait3A_57 = tpu.memref_slice %arg2[%dma_wait3A, %mul3A_2] : memref<4x8192xi32, #tpu.memory_space<hbm>> -> memref<1x32xi32, #tpu.memory_space<hbm>>
    %dma_wait3A_58 = tpu.memref_squeeze %dma_wait3A_57 : memref<1x32xi32, #tpu.memory_space<hbm>> -> memref<32xi32, #tpu.memory_space<hbm>>
    tpu.wait_dma2 semaphore(%arg9 : memref<!tpu.dma_semaphore, #tpu.memory_space<semaphore_mem>>) src(%dma_wait3A_58 : memref<32xi32, #tpu.memory_space<hbm>>) dst(%dma_wait3A_56 : memref<32xi32, #tpu.memory_space<vmem>>)
    %dma_start3A_59 = arith.constant 0 : i32
    %dma_start3A_60 = arith.constant 0 : i32
    %dma_start3A_61 = arith.constant 0 : i32
    %dma_start3A_62 = arith.constant 0 : i32
    %dma_start3A_63 = arith.constant 0 : i32
    %dma_start3A_64 = tpu.memref_slice %arg8[%dma_start3A_60, %dma_start3A_62, %dma_start3A_63] : memref<5x128x128xf32, #tpu.memory_space<vmem>> -> memref<1x32x128xf32, #tpu.memory_space<vmem>>
    %dma_start3A_65 = tpu.memref_squeeze %dma_start3A_64 : memref<1x32x128xf32, #tpu.memory_space<vmem>> -> memref<32x128xf32, #tpu.memory_space<vmem>>
    %dma_start3A_66 = arith.constant 0 : i32
    %dma_start3A_67 = tpu.memref_slice %arg6[%dma_start3A_59, %dma_start3A_66] : memref<4x256xi32, #tpu.memory_space<vmem>> -> memref<1x32xi32, #tpu.memory_space<vmem>>
    %dma_start3A_68 = tpu.memref_squeeze %dma_start3A_67 : memref<1x32xi32, #tpu.memory_space<vmem>> -> memref<32xi32, #tpu.memory_space<vmem>>
    %dma_start3A_69 = arith.constant 0 : i32
    %dma_start3A_70 = arith.constant 0 : i32
    %dma_start3A_71 = tpu.memref_slice %arg3[%dma_start3A_69, %dma_start3A_70] : memref<100000x128xf32, #tpu.memory_space<hbm>> -> memref<100000x128xf32, #tpu.memory_space<hbm>>
    %dma_start3A_72 = tpu.memref_slice %arg12[%dma_start3A_61] : memref<5x!tpu.dma_semaphore, #tpu.memory_space<semaphore_mem>> -> memref<1x!tpu.dma_semaphore, #tpu.memory_space<semaphore_mem>>
    %dma_start3A_73 = tpu.memref_squeeze %dma_start3A_72 : memref<1x!tpu.dma_semaphore, #tpu.memory_space<semaphore_mem>> -> memref<!tpu.dma_semaphore, #tpu.memory_space<semaphore_mem>>
    tpu.enqueue_indirect_dma source(%dma_start3A_71 : memref<100000x128xf32, #tpu.memory_space<hbm>>) target(%dma_start3A_65 : memref<32x128xf32, #tpu.memory_space<vmem>>) offsets(%dma_start3A_68 : memref<32xi32, #tpu.memory_space<vmem>>) semaphore(%dma_start3A_73 : memref<!tpu.dma_semaphore, #tpu.memory_space<semaphore_mem>>)
    %dma_wait3A_74 = arith.constant 0 : i32
    %dma_wait3A_75 = tpu.memref_slice %arg2[%dma_wait3A_74, %mul3A_2] : memref<4x8192xi32, #tpu.memory_space<hbm>> -> memref<4x256xi32, #tpu.memory_space<hbm>>
    %dma_wait3A_76 = arith.constant 0 : i32
    %dma_wait3A_77 = tpu.memref_slice %arg2[%dma_wait3A_76, %mul3A_2] : memref<4x8192xi32, #tpu.memory_space<hbm>> -> memref<4x256xi32, #tpu.memory_space<hbm>>
    tpu.wait_dma2 semaphore(%arg10 : memref<!tpu.dma_semaphore, #tpu.memory_space<semaphore_mem>>) src(%dma_wait3A_77 : memref<4x256xi32, #tpu.memory_space<hbm>>) dst(%arg6 : memref<4x256xi32, #tpu.memory_space<vmem>>)
    %dma_start3A_78 = arith.constant 0 : i32
    %dma_start3A_79 = arith.constant 1 : i32
    %dma_start3A_80 = arith.constant 1 : i32
    %dma_start3A_81 = arith.constant 0 : i32
    %dma_start3A_82 = arith.constant 0 : i32
    %dma_start3A_83 = tpu.memref_slice %arg8[%dma_start3A_79, %dma_start3A_81, %dma_start3A_82] : memref<5x128x128xf32, #tpu.memory_space<vmem>> -> memref<1x96x128xf32, #tpu.memory_space<vmem>>
    %dma_start3A_84 = tpu.memref_squeeze %dma_start3A_83 : memref<1x96x128xf32, #tpu.memory_space<vmem>> -> memref<96x128xf32, #tpu.memory_space<vmem>>
    %dma_start3A_85 = arith.constant 32 : i32
    %dma_start3A_86 = tpu.memref_slice %arg6[%dma_start3A_78, %dma_start3A_85] : memref<4x256xi32, #tpu.memory_space<vmem>> -> memref<1x96xi32, #tpu.memory_space<vmem>>
    %dma_start3A_87 = tpu.memref_squeeze %dma_start3A_86 : memref<1x96xi32, #tpu.memory_space<vmem>> -> memref<96xi32, #tpu.memory_space<vmem>>
    %dma_start3A_88 = arith.constant 0 : i32
    %dma_start3A_89 = arith.constant 0 : i32
    %dma_start3A_90 = tpu.memref_slice %arg3[%dma_start3A_88, %dma_start3A_89] : memref<100000x128xf32, #tpu.memory_space<hbm>> -> memref<100000x128xf32, #tpu.memory_space<hbm>>
    %dma_start3A_91 = tpu.memref_slice %arg12[%dma_start3A_80] : memref<5x!tpu.dma_semaphore, #tpu.memory_space<semaphore_mem>> -> memref<1x!tpu.dma_semaphore, #tpu.memory_space<semaphore_mem>>
    %dma_start3A_92 = tpu.memref_squeeze %dma_start3A_91 : memref<1x!tpu.dma_semaphore, #tpu.memory_space<semaphore_mem>> -> memref<!tpu.dma_semaphore, #tpu.memory_space<semaphore_mem>>
    tpu.enqueue_indirect_dma source(%dma_start3A_90 : memref<100000x128xf32, #tpu.memory_space<hbm>>) target(%dma_start3A_84 : memref<96x128xf32, #tpu.memory_space<vmem>>) offsets(%dma_start3A_87 : memref<96xi32, #tpu.memory_space<vmem>>) semaphore(%dma_start3A_92 : memref<!tpu.dma_semaphore, #tpu.memory_space<semaphore_mem>>)
    %dma_start3A_93 = arith.constant 1 : i32
    %dma_start3A_94 = arith.constant 2 : i32
    %dma_start3A_95 = arith.constant 2 : i32
    %dma_start3A_96 = arith.constant 0 : i32
    %dma_start3A_97 = arith.constant 0 : i32
    %dma_start3A_98 = tpu.memref_slice %arg8[%dma_start3A_94, %dma_start3A_96, %dma_start3A_97] : memref<5x128x128xf32, #tpu.memory_space<vmem>> -> memref<1x128x128xf32, #tpu.memory_space<vmem>>
    %dma_start3A_99 = tpu.memref_squeeze %dma_start3A_98 : memref<1x128x128xf32, #tpu.memory_space<vmem>> -> memref<128x128xf32, #tpu.memory_space<vmem>>
    %dma_start3A_100 = arith.constant 0 : i32
    %dma_start3A_101 = tpu.memref_slice %arg6[%dma_start3A_93, %dma_start3A_100] : memref<4x256xi32, #tpu.memory_space<vmem>> -> memref<1x128xi32, #tpu.memory_space<vmem>>
    %dma_start3A_102 = tpu.memref_squeeze %dma_start3A_101 : memref<1x128xi32, #tpu.memory_space<vmem>> -> memref<128xi32, #tpu.memory_space<vmem>>
    %dma_start3A_103 = arith.constant 0 : i32
    %dma_start3A_104 = arith.constant 0 : i32
    %dma_start3A_105 = tpu.memref_slice %arg3[%dma_start3A_103, %dma_start3A_104] : memref<100000x128xf32, #tpu.memory_space<hbm>> -> memref<100000x128xf32, #tpu.memory_space<hbm>>
    %dma_start3A_106 = tpu.memref_slice %arg12[%dma_start3A_95] : memref<5x!tpu.dma_semaphore, #tpu.memory_space<semaphore_mem>> -> memref<1x!tpu.dma_semaphore, #tpu.memory_space<semaphore_mem>>
    %dma_start3A_107 = tpu.memref_squeeze %dma_start3A_106 : memref<1x!tpu.dma_semaphore, #tpu.memory_space<semaphore_mem>> -> memref<!tpu.dma_semaphore, #tpu.memory_space<semaphore_mem>>
    tpu.enqueue_indirect_dma source(%dma_start3A_105 : memref<100000x128xf32, #tpu.memory_space<hbm>>) target(%dma_start3A_99 : memref<128x128xf32, #tpu.memory_space<vmem>>) offsets(%dma_start3A_102 : memref<128xi32, #tpu.memory_space<vmem>>) semaphore(%dma_start3A_107 : memref<!tpu.dma_semaphore, #tpu.memory_space<semaphore_mem>>)
    %dma_start3A_108 = arith.constant 2 : i32
    %dma_start3A_109 = arith.constant 3 : i32
    %dma_start3A_110 = arith.constant 3 : i32
    %dma_start3A_111 = arith.constant 0 : i32
    %dma_start3A_112 = arith.constant 0 : i32
    %dma_start3A_113 = tpu.memref_slice %arg8[%dma_start3A_109, %dma_start3A_111, %dma_start3A_112] : memref<5x128x128xf32, #tpu.memory_space<vmem>> -> memref<1x128x128xf32, #tpu.memory_space<vmem>>
    %dma_start3A_114 = tpu.memref_squeeze %dma_start3A_113 : memref<1x128x128xf32, #tpu.memory_space<vmem>> -> memref<128x128xf32, #tpu.memory_space<vmem>>
    %dma_start3A_115 = arith.constant 0 : i32
    %dma_start3A_116 = tpu.memref_slice %arg6[%dma_start3A_108, %dma_start3A_115] : memref<4x256xi32, #tpu.memory_space<vmem>> -> memref<1x128xi32, #tpu.memory_space<vmem>>
    %dma_start3A_117 = tpu.memref_squeeze %dma_start3A_116 : memref<1x128xi32, #tpu.memory_space<vmem>> -> memref<128xi32, #tpu.memory_space<vmem>>
    %dma_start3A_118 = arith.constant 0 : i32
    %dma_start3A_119 = arith.constant 0 : i32
    %dma_start3A_120 = tpu.memref_slice %arg3[%dma_start3A_118, %dma_start3A_119] : memref<100000x128xf32, #tpu.memory_space<hbm>> -> memref<100000x128xf32, #tpu.memory_space<hbm>>
    %dma_start3A_121 = tpu.memref_slice %arg12[%dma_start3A_110] : memref<5x!tpu.dma_semaphore, #tpu.memory_space<semaphore_mem>> -> memref<1x!tpu.dma_semaphore, #tpu.memory_space<semaphore_mem>>
    %dma_start3A_122 = tpu.memref_squeeze %dma_start3A_121 : memref<1x!tpu.dma_semaphore, #tpu.memory_space<semaphore_mem>> -> memref<!tpu.dma_semaphore, #tpu.memory_space<semaphore_mem>>
    tpu.enqueue_indirect_dma source(%dma_start3A_120 : memref<100000x128xf32, #tpu.memory_space<hbm>>) target(%dma_start3A_114 : memref<128x128xf32, #tpu.memory_space<vmem>>) offsets(%dma_start3A_117 : memref<128xi32, #tpu.memory_space<vmem>>) semaphore(%dma_start3A_122 : memref<!tpu.dma_semaphore, #tpu.memory_space<semaphore_mem>>)
    %dma_wait3A_123 = arith.constant 0 : i32
    %dma_wait3A_124 = arith.constant 0 : i32
    %dma_wait3A_125 = arith.constant 0 : i32
    %dma_wait3A_126 = tpu.memref_slice %arg7[%dma_wait3A_124, %dma_wait3A_125] : memref<256x128xf32, #tpu.memory_space<vmem>> -> memref<128x128xf32, #tpu.memory_space<vmem>>
    %dma_wait3A_127 = arith.constant 0 : i32
    %dma_wait3A_128 = tpu.memref_slice %arg4[%add3A_19, %dma_wait3A_127] : memref<8192x128xf32, #tpu.memory_space<hbm>> -> memref<128x128xf32, #tpu.memory_space<hbm>>
    %dma_wait3A_129 = tpu.memref_slice %arg11[%dma_wait3A_123] : memref<2x!tpu.dma_semaphore, #tpu.memory_space<semaphore_mem>> -> memref<1x!tpu.dma_semaphore, #tpu.memory_space<semaphore_mem>>
    %dma_wait3A_130 = tpu.memref_squeeze %dma_wait3A_129 : memref<1x!tpu.dma_semaphore, #tpu.memory_space<semaphore_mem>> -> memref<!tpu.dma_semaphore, #tpu.memory_space<semaphore_mem>>
    %dma_wait3A_131 = arith.constant 0 : i32
    %dma_wait3A_132 = arith.constant 0 : i32
    %dma_wait3A_133 = tpu.memref_slice %arg7[%dma_wait3A_131, %dma_wait3A_132] : memref<256x128xf32, #tpu.memory_space<vmem>> -> memref<128x128xf32, #tpu.memory_space<vmem>>
    %dma_wait3A_134 = arith.constant 0 : i32
    %dma_wait3A_135 = tpu.memref_slice %arg4[%add3A_19, %dma_wait3A_134] : memref<8192x128xf32, #tpu.memory_space<hbm>> -> memref<128x128xf32, #tpu.memory_space<hbm>>
    tpu.wait_dma2 semaphore(%dma_wait3A_130 : memref<!tpu.dma_semaphore, #tpu.memory_space<semaphore_mem>>) src(%dma_wait3A_135 : memref<128x128xf32, #tpu.memory_space<hbm>>) dst(%dma_wait3A_133 : memref<128x128xf32, #tpu.memory_space<vmem>>)
    %dma_wait3A_136 = arith.constant 0 : i32
    %dma_wait3A_137 = arith.constant 0 : i32
    %dma_wait3A_138 = arith.constant 0 : i32
    %dma_wait3A_139 = arith.constant 0 : i32
    %dma_wait3A_140 = arith.constant 0 : i32
    %dma_wait3A_141 = tpu.memref_slice %arg8[%dma_wait3A_137, %dma_wait3A_139, %dma_wait3A_140] : memref<5x128x128xf32, #tpu.memory_space<vmem>> -> memref<1x32x128xf32, #tpu.memory_space<vmem>>
    %dma_wait3A_142 = tpu.memref_squeeze %dma_wait3A_141 : memref<1x32x128xf32, #tpu.memory_space<vmem>> -> memref<32x128xf32, #tpu.memory_space<vmem>>
    %dma_wait3A_143 = arith.constant 0 : i32
    %dma_wait3A_144 = tpu.memref_slice %arg6[%dma_wait3A_136, %dma_wait3A_143] : memref<4x256xi32, #tpu.memory_space<vmem>> -> memref<1x32xi32, #tpu.memory_space<vmem>>
    %dma_wait3A_145 = tpu.memref_squeeze %dma_wait3A_144 : memref<1x32xi32, #tpu.memory_space<vmem>> -> memref<32xi32, #tpu.memory_space<vmem>>
    %dma_wait3A_146 = arith.constant 0 : i32
    %dma_wait3A_147 = arith.constant 0 : i32
    %dma_wait3A_148 = tpu.memref_slice %arg3[%dma_wait3A_146, %dma_wait3A_147] : memref<100000x128xf32, #tpu.memory_space<hbm>> -> memref<100000x128xf32, #tpu.memory_space<hbm>>
    %dma_wait3A_149 = tpu.memref_slice %arg12[%dma_wait3A_138] : memref<5x!tpu.dma_semaphore, #tpu.memory_space<semaphore_mem>> -> memref<1x!tpu.dma_semaphore, #tpu.memory_space<semaphore_mem>>
    %dma_wait3A_150 = tpu.memref_squeeze %dma_wait3A_149 : memref<1x!tpu.dma_semaphore, #tpu.memory_space<semaphore_mem>> -> memref<!tpu.dma_semaphore, #tpu.memory_space<semaphore_mem>>
    tpu.wait_indirect_dma semaphore(%dma_wait3A_150 : memref<!tpu.dma_semaphore, #tpu.memory_space<semaphore_mem>>) src(%dma_wait3A_148 : memref<100000x128xf32, #tpu.memory_space<hbm>>) dst(%dma_wait3A_142 : memref<32x128xf32, #tpu.memory_space<vmem>>)
    %scan3A = arith.constant 0 : i32
    %scan3A_151 = arith.constant 0 : i32
    %scan3A_152 = arith.constant 0 : i32
    %scan3A_153 = arith.constant 32 : i32
    %scan3A_154 = arith.addi %scan3A_152, %scan3A_153 : i32
    %scan3A_155 = arith.constant 1 : i32
    scf.for %scan3A_818 = %scan3A_152 to %scan3A_154 step %scan3A_155  : i32 {
      %add3A_819 = arith.constant 0 : i32
      %add3A_820 = arith.addi %add3A_819, %scan3A_818 : i32
      %get3A = arith.index_cast %add3A_820 : i32 to index
      %get3A_821 = arith.constant 0 : index
      %get3A_822 = tpu.vector_load %arg7[%get3A, %get3A_821] {strides = array<i32>} : memref<256x128xf32, #tpu.memory_space<vmem>>, vector<1x16xf32>,
      %get3A_823 = vector.shape_cast %get3A_822 : vector<1x16xf32> to vector<16xf32>
      %swap3A = arith.constant 0 : i32
      %swap3A_824 = arith.constant 0 : i32
      %swap3A_825 = tpu.memref_slice %arg8[%scan3A_151, %swap3A, %swap3A_824] : memref<5x128x128xf32, #tpu.memory_space<vmem>> -> memref<1x128x128xf32, #tpu.memory_space<vmem>>
      %swap3A_826 = tpu.memref_squeeze %swap3A_825 : memref<1x128x128xf32, #tpu.memory_space<vmem>> -> memref<128x128xf32, #tpu.memory_space<vmem>>
      %swap3A_827 = arith.index_cast %scan3A_818 : i32 to index
      %swap3A_828 = arith.constant 0 : index
      %swap3A_829 = tpu.vector_load %swap3A_826[%swap3A_827, %swap3A_828] {strides = array<i32>} : memref<128x128xf32, #tpu.memory_space<vmem>>, vector<1x16xf32>,
      %swap3A_830 = vector.shape_cast %swap3A_829 : vector<1x16xf32> to vector<16xf32>
      %swap3A_831 = vector.shape_cast %get3A_823 : vector<16xf32> to vector<1x16xf32>
      tpu.vector_store %swap3A_826[%swap3A_827, %swap3A_828], %swap3A_831 {add = true, strides = array<i32>} : memref<128x128xf32, #tpu.memory_space<vmem>>, vector<1x16xf32>,
      %get3A_832 = arith.index_cast %add3A_820 : i32 to index
      %get3A_833 = arith.constant 16 : index
      %get3A_834 = tpu.vector_load %arg7[%get3A_832, %get3A_833] {strides = array<i32>} : memref<256x128xf32, #tpu.memory_space<vmem>>, vector<1x16xf32>,
      %get3A_835 = vector.shape_cast %get3A_834 : vector<1x16xf32> to vector<16xf32>
      %swap3A_836 = arith.constant 0 : i32
      %swap3A_837 = arith.constant 0 : i32
      %swap3A_838 = tpu.memref_slice %arg8[%scan3A_151, %swap3A_836, %swap3A_837] : memref<5x128x128xf32, #tpu.memory_space<vmem>> -> memref<1x128x128xf32, #tpu.memory_space<vmem>>
      %swap3A_839 = tpu.memref_squeeze %swap3A_838 : memref<1x128x128xf32, #tpu.memory_space<vmem>> -> memref<128x128xf32, #tpu.memory_space<vmem>>
      %swap3A_840 = arith.index_cast %scan3A_818 : i32 to index
      %swap3A_841 = arith.constant 16 : index
      %swap3A_842 = tpu.vector_load %swap3A_839[%swap3A_840, %swap3A_841] {strides = array<i32>} : memref<128x128xf32, #tpu.memory_space<vmem>>, vector<1x16xf32>,
      %swap3A_843 = vector.shape_cast %swap3A_842 : vector<1x16xf32> to vector<16xf32>
      %swap3A_844 = vector.shape_cast %get3A_835 : vector<16xf32> to vector<1x16xf32>
      tpu.vector_store %swap3A_839[%swap3A_840, %swap3A_841], %swap3A_844 {add = true, strides = array<i32>} : memref<128x128xf32, #tpu.memory_space<vmem>>, vector<1x16xf32>,
      %get3A_845 = arith.index_cast %add3A_820 : i32 to index
      %get3A_846 = arith.constant 32 : index
      %get3A_847 = tpu.vector_load %arg7[%get3A_845, %get3A_846] {strides = array<i32>} : memref<256x128xf32, #tpu.memory_space<vmem>>, vector<1x16xf32>,
      %get3A_848 = vector.shape_cast %get3A_847 : vector<1x16xf32> to vector<16xf32>
      %swap3A_849 = arith.constant 0 : i32
      %swap3A_850 = arith.constant 0 : i32
      %swap3A_851 = tpu.memref_slice %arg8[%scan3A_151, %swap3A_849, %swap3A_850] : memref<5x128x128xf32, #tpu.memory_space<vmem>> -> memref<1x128x128xf32, #tpu.memory_space<vmem>>
      %swap3A_852 = tpu.memref_squeeze %swap3A_851 : memref<1x128x128xf32, #tpu.memory_space<vmem>> -> memref<128x128xf32, #tpu.memory_space<vmem>>
      %swap3A_853 = arith.index_cast %scan3A_818 : i32 to index
      %swap3A_854 = arith.constant 32 : index
      %swap3A_855 = tpu.vector_load %swap3A_852[%swap3A_853, %swap3A_854] {strides = array<i32>} : memref<128x128xf32, #tpu.memory_space<vmem>>, vector<1x16xf32>,
      %swap3A_856 = vector.shape_cast %swap3A_855 : vector<1x16xf32> to vector<16xf32>
      %swap3A_857 = vector.shape_cast %get3A_848 : vector<16xf32> to vector<1x16xf32>
      tpu.vector_store %swap3A_852[%swap3A_853, %swap3A_854], %swap3A_857 {add = true, strides = array<i32>} : memref<128x128xf32, #tpu.memory_space<vmem>>, vector<1x16xf32>,
      %get3A_858 = arith.index_cast %add3A_820 : i32 to index
      %get3A_859 = arith.constant 48 : index
      %get3A_860 = tpu.vector_load %arg7[%get3A_858, %get3A_859] {strides = array<i32>} : memref<256x128xf32, #tpu.memory_space<vmem>>, vector<1x16xf32>,
      %get3A_861 = vector.shape_cast %get3A_860 : vector<1x16xf32> to vector<16xf32>
      %swap3A_862 = arith.constant 0 : i32
      %swap3A_863 = arith.constant 0 : i32
      %swap3A_864 = tpu.memref_slice %arg8[%scan3A_151, %swap3A_862, %swap3A_863] : memref<5x128x128xf32, #tpu.memory_space<vmem>> -> memref<1x128x128xf32, #tpu.memory_space<vmem>>
      %swap3A_865 = tpu.memref_squeeze %swap3A_864 : memref<1x128x128xf32, #tpu.memory_space<vmem>> -> memref<128x128xf32, #tpu.memory_space<vmem>>
      %swap3A_866 = arith.index_cast %scan3A_818 : i32 to index
      %swap3A_867 = arith.constant 48 : index
      %swap3A_868 = tpu.vector_load %swap3A_865[%swap3A_866, %swap3A_867] {strides = array<i32>} : memref<128x128xf32, #tpu.memory_space<vmem>>, vector<1x16xf32>,
      %swap3A_869 = vector.shape_cast %swap3A_868 : vector<1x16xf32> to vector<16xf32>
      %swap3A_870 = vector.shape_cast %get3A_861 : vector<16xf32> to vector<1x16xf32>
      tpu.vector_store %swap3A_865[%swap3A_866, %swap3A_867], %swap3A_870 {add = true, strides = array<i32>} : memref<128x128xf32, #tpu.memory_space<vmem>>, vector<1x16xf32>,
      %get3A_871 = arith.index_cast %add3A_820 : i32 to index
      %get3A_872 = arith.constant 64 : index
      %get3A_873 = tpu.vector_load %arg7[%get3A_871, %get3A_872] {strides = array<i32>} : memref<256x128xf32, #tpu.memory_space<vmem>>, vector<1x16xf32>,
      %get3A_874 = vector.shape_cast %get3A_873 : vector<1x16xf32> to vector<16xf32>
      %swap3A_875 = arith.constant 0 : i32
      %swap3A_876 = arith.constant 0 : i32
      %swap3A_877 = tpu.memref_slice %arg8[%scan3A_151, %swap3A_875, %swap3A_876] : memref<5x128x128xf32, #tpu.memory_space<vmem>> -> memref<1x128x128xf32, #tpu.memory_space<vmem>>
      %swap3A_878 = tpu.memref_squeeze %swap3A_877 : memref<1x128x128xf32, #tpu.memory_space<vmem>> -> memref<128x128xf32, #tpu.memory_space<vmem>>
      %swap3A_879 = arith.index_cast %scan3A_818 : i32 to index
      %swap3A_880 = arith.constant 64 : index
      %swap3A_881 = tpu.vector_load %swap3A_878[%swap3A_879, %swap3A_880] {strides = array<i32>} : memref<128x128xf32, #tpu.memory_space<vmem>>, vector<1x16xf32>,
      %swap3A_882 = vector.shape_cast %swap3A_881 : vector<1x16xf32> to vector<16xf32>
      %swap3A_883 = vector.shape_cast %get3A_874 : vector<16xf32> to vector<1x16xf32>
      tpu.vector_store %swap3A_878[%swap3A_879, %swap3A_880], %swap3A_883 {add = true, strides = array<i32>} : memref<128x128xf32, #tpu.memory_space<vmem>>, vector<1x16xf32>,
      %get3A_884 = arith.index_cast %add3A_820 : i32 to index
      %get3A_885 = arith.constant 80 : index
      %get3A_886 = tpu.vector_load %arg7[%get3A_884, %get3A_885] {strides = array<i32>} : memref<256x128xf32, #tpu.memory_space<vmem>>, vector<1x16xf32>,
      %get3A_887 = vector.shape_cast %get3A_886 : vector<1x16xf32> to vector<16xf32>
      %swap3A_888 = arith.constant 0 : i32
      %swap3A_889 = arith.constant 0 : i32
      %swap3A_890 = tpu.memref_slice %arg8[%scan3A_151, %swap3A_888, %swap3A_889] : memref<5x128x128xf32, #tpu.memory_space<vmem>> -> memref<1x128x128xf32, #tpu.memory_space<vmem>>
      %swap3A_891 = tpu.memref_squeeze %swap3A_890 : memref<1x128x128xf32, #tpu.memory_space<vmem>> -> memref<128x128xf32, #tpu.memory_space<vmem>>
      %swap3A_892 = arith.index_cast %scan3A_818 : i32 to index
      %swap3A_893 = arith.constant 80 : index
      %swap3A_894 = tpu.vector_load %swap3A_891[%swap3A_892, %swap3A_893] {strides = array<i32>} : memref<128x128xf32, #tpu.memory_space<vmem>>, vector<1x16xf32>,
      %swap3A_895 = vector.shape_cast %swap3A_894 : vector<1x16xf32> to vector<16xf32>
      %swap3A_896 = vector.shape_cast %get3A_887 : vector<16xf32> to vector<1x16xf32>
      tpu.vector_store %swap3A_891[%swap3A_892, %swap3A_893], %swap3A_896 {add = true, strides = array<i32>} : memref<128x128xf32, #tpu.memory_space<vmem>>, vector<1x16xf32>,
      %get3A_897 = arith.index_cast %add3A_820 : i32 to index
      %get3A_898 = arith.constant 96 : index
      %get3A_899 = tpu.vector_load %arg7[%get3A_897, %get3A_898] {strides = array<i32>} : memref<256x128xf32, #tpu.memory_space<vmem>>, vector<1x16xf32>,
      %get3A_900 = vector.shape_cast %get3A_899 : vector<1x16xf32> to vector<16xf32>
      %swap3A_901 = arith.constant 0 : i32
      %swap3A_902 = arith.constant 0 : i32
      %swap3A_903 = tpu.memref_slice %arg8[%scan3A_151, %swap3A_901, %swap3A_902] : memref<5x128x128xf32, #tpu.memory_space<vmem>> -> memref<1x128x128xf32, #tpu.memory_space<vmem>>
      %swap3A_904 = tpu.memref_squeeze %swap3A_903 : memref<1x128x128xf32, #tpu.memory_space<vmem>> -> memref<128x128xf32, #tpu.memory_space<vmem>>
      %swap3A_905 = arith.index_cast %scan3A_818 : i32 to index
      %swap3A_906 = arith.constant 96 : index
      %swap3A_907 = tpu.vector_load %swap3A_904[%swap3A_905, %swap3A_906] {strides = array<i32>} : memref<128x128xf32, #tpu.memory_space<vmem>>, vector<1x16xf32>,
      %swap3A_908 = vector.shape_cast %swap3A_907 : vector<1x16xf32> to vector<16xf32>
      %swap3A_909 = vector.shape_cast %get3A_900 : vector<16xf32> to vector<1x16xf32>
      tpu.vector_store %swap3A_904[%swap3A_905, %swap3A_906], %swap3A_909 {add = true, strides = array<i32>} : memref<128x128xf32, #tpu.memory_space<vmem>>, vector<1x16xf32>,
      %get3A_910 = arith.index_cast %add3A_820 : i32 to index
      %get3A_911 = arith.constant 112 : index
      %get3A_912 = tpu.vector_load %arg7[%get3A_910, %get3A_911] {strides = array<i32>} : memref<256x128xf32, #tpu.memory_space<vmem>>, vector<1x16xf32>,
      %get3A_913 = vector.shape_cast %get3A_912 : vector<1x16xf32> to vector<16xf32>
      %swap3A_914 = arith.constant 0 : i32
      %swap3A_915 = arith.constant 0 : i32
      %swap3A_916 = tpu.memref_slice %arg8[%scan3A_151, %swap3A_914, %swap3A_915] : memref<5x128x128xf32, #tpu.memory_space<vmem>> -> memref<1x128x128xf32, #tpu.memory_space<vmem>>
      %swap3A_917 = tpu.memref_squeeze %swap3A_916 : memref<1x128x128xf32, #tpu.memory_space<vmem>> -> memref<128x128xf32, #tpu.memory_space<vmem>>
      %swap3A_918 = arith.index_cast %scan3A_818 : i32 to index
      %swap3A_919 = arith.constant 112 : index
      %swap3A_920 = tpu.vector_load %swap3A_917[%swap3A_918, %swap3A_919] {strides = array<i32>} : memref<128x128xf32, #tpu.memory_space<vmem>>, vector<1x16xf32>,
      %swap3A_921 = vector.shape_cast %swap3A_920 : vector<1x16xf32> to vector<16xf32>
      %swap3A_922 = vector.shape_cast %get3A_913 : vector<16xf32> to vector<1x16xf32>
      tpu.vector_store %swap3A_917[%swap3A_918, %swap3A_919], %swap3A_922 {add = true, strides = array<i32>} : memref<128x128xf32, #tpu.memory_space<vmem>>, vector<1x16xf32>,
    }
    %scan3A_156 = arith.constant 32 : i32
    %add3A_157 = arith.constant 0 : i32
    %add3A_158 = arith.addi %add3A_157, %mul3A_2 : i32
    %add3A_159 = arith.constant 0 : i32
    %add3A_160 = arith.addi %add3A_158, %add3A_159 : i32
    %dma_start3A_161 = arith.constant 0 : i32
    %dma_start3A_162 = arith.constant 0 : i32
    %dma_start3A_163 = arith.constant 0 : i32
    %dma_start3A_164 = arith.constant 0 : i32
    %dma_start3A_165 = tpu.memref_slice %arg8[%dma_start3A_161, %dma_start3A_163, %dma_start3A_164] : memref<5x128x128xf32, #tpu.memory_space<vmem>> -> memref<1x32x128xf32, #tpu.memory_space<vmem>>
    %dma_start3A_166 = tpu.memref_squeeze %dma_start3A_165 : memref<1x32x128xf32, #tpu.memory_space<vmem>> -> memref<32x128xf32, #tpu.memory_space<vmem>>
    %dma_start3A_167 = arith.constant 0 : i32
    %dma_start3A_168 = tpu.memref_slice %arg5[%add3A_160, %dma_start3A_167] : memref<32768x128xf32, #tpu.memory_space<hbm>> -> memref<32x128xf32, #tpu.memory_space<hbm>>
    %dma_start3A_169 = tpu.memref_slice %arg13[%dma_start3A_162] : memref<5x!tpu.dma_semaphore, #tpu.memory_space<semaphore_mem>> -> memref<1x!tpu.dma_semaphore, #tpu.memory_space<semaphore_mem>>
    %dma_start3A_170 = tpu.memref_squeeze %dma_start3A_169 : memref<1x!tpu.dma_semaphore, #tpu.memory_space<semaphore_mem>> -> memref<!tpu.dma_semaphore, #tpu.memory_space<semaphore_mem>>
    %dma_start3A_171 = arith.constant 0 : i32
    %dma_start3A_172 = tpu.memref_slice %arg5[%add3A_160, %dma_start3A_171] : memref<32768x128xf32, #tpu.memory_space<hbm>> -> memref<32x128xf32, #tpu.memory_space<hbm>>
    %dma_start3A_173 = arith.constant 0 : i32
    %dma_start3A_174 = arith.constant 0 : i32
    %dma_start3A_175 = tpu.memref_slice %arg8[%dma_start3A_161, %dma_start3A_173, %dma_start3A_174] : memref<5x128x128xf32, #tpu.memory_space<vmem>> -> memref<1x32x128xf32, #tpu.memory_space<vmem>>
    %dma_start3A_176 = tpu.memref_squeeze %dma_start3A_175 : memref<1x32x128xf32, #tpu.memory_space<vmem>> -> memref<32x128xf32, #tpu.memory_space<vmem>>
    tpu.enqueue_dma source(%dma_start3A_176 : memref<32x128xf32, #tpu.memory_space<vmem>>) target(%dma_start3A_172 : memref<32x128xf32, #tpu.memory_space<hbm>>) target_semaphore(%dma_start3A_170 : memref<!tpu.dma_semaphore, #tpu.memory_space<semaphore_mem>>)
    %dma_start3A_177 = arith.constant 3 : i32
    %dma_start3A_178 = arith.constant 4 : i32
    %dma_start3A_179 = arith.constant 4 : i32
    %dma_start3A_180 = arith.constant 0 : i32
    %dma_start3A_181 = arith.constant 0 : i32
    %dma_start3A_182 = tpu.memref_slice %arg8[%dma_start3A_178, %dma_start3A_180, %dma_start3A_181] : memref<5x128x128xf32, #tpu.memory_space<vmem>> -> memref<1x128x128xf32, #tpu.memory_space<vmem>>
    %dma_start3A_183 = tpu.memref_squeeze %dma_start3A_182 : memref<1x128x128xf32, #tpu.memory_space<vmem>> -> memref<128x128xf32, #tpu.memory_space<vmem>>
    %dma_start3A_184 = arith.constant 0 : i32
    %dma_start3A_185 = tpu.memref_slice %arg6[%dma_start3A_177, %dma_start3A_184] : memref<4x256xi32, #tpu.memory_space<vmem>> -> memref<1x128xi32, #tpu.memory_space<vmem>>
    %dma_start3A_186 = tpu.memref_squeeze %dma_start3A_185 : memref<1x128xi32, #tpu.memory_space<vmem>> -> memref<128xi32, #tpu.memory_space<vmem>>
    %dma_start3A_187 = arith.constant 0 : i32
    %dma_start3A_188 = arith.constant 0 : i32
    %dma_start3A_189 = tpu.memref_slice %arg3[%dma_start3A_187, %dma_start3A_188] : memref<100000x128xf32, #tpu.memory_space<hbm>> -> memref<100000x128xf32, #tpu.memory_space<hbm>>
    %dma_start3A_190 = tpu.memref_slice %arg12[%dma_start3A_179] : memref<5x!tpu.dma_semaphore, #tpu.memory_space<semaphore_mem>> -> memref<1x!tpu.dma_semaphore, #tpu.memory_space<semaphore_mem>>
    %dma_start3A_191 = tpu.memref_squeeze %dma_start3A_190 : memref<1x!tpu.dma_semaphore, #tpu.memory_space<semaphore_mem>> -> memref<!tpu.dma_semaphore, #tpu.memory_space<semaphore_mem>>
    tpu.enqueue_indirect_dma source(%dma_start3A_189 : memref<100000x128xf32, #tpu.memory_space<hbm>>) target(%dma_start3A_183 : memref<128x128xf32, #tpu.memory_space<vmem>>) offsets(%dma_start3A_186 : memref<128xi32, #tpu.memory_space<vmem>>) semaphore(%dma_start3A_191 : memref<!tpu.dma_semaphore, #tpu.memory_space<semaphore_mem>>)
    %dma_wait3A_192 = arith.constant 0 : i32
    %dma_wait3A_193 = arith.constant 1 : i32
    %dma_wait3A_194 = arith.constant 1 : i32
    %dma_wait3A_195 = arith.constant 0 : i32
    %dma_wait3A_196 = arith.constant 0 : i32
    %dma_wait3A_197 = tpu.memref_slice %arg8[%dma_wait3A_193, %dma_wait3A_195, %dma_wait3A_196] : memref<5x128x128xf32, #tpu.memory_space<vmem>> -> memref<1x96x128xf32, #tpu.memory_space<vmem>>
    %dma_wait3A_198 = tpu.memref_squeeze %dma_wait3A_197 : memref<1x96x128xf32, #tpu.memory_space<vmem>> -> memref<96x128xf32, #tpu.memory_space<vmem>>
    %dma_wait3A_199 = arith.constant 32 : i32
    %dma_wait3A_200 = tpu.memref_slice %arg6[%dma_wait3A_192, %dma_wait3A_199] : memref<4x256xi32, #tpu.memory_space<vmem>> -> memref<1x96xi32, #tpu.memory_space<vmem>>
    %dma_wait3A_201 = tpu.memref_squeeze %dma_wait3A_200 : memref<1x96xi32, #tpu.memory_space<vmem>> -> memref<96xi32, #tpu.memory_space<vmem>>
    %dma_wait3A_202 = arith.constant 0 : i32
    %dma_wait3A_203 = arith.constant 0 : i32
    %dma_wait3A_204 = tpu.memref_slice %arg3[%dma_wait3A_202, %dma_wait3A_203] : memref<100000x128xf32, #tpu.memory_space<hbm>> -> memref<100000x128xf32, #tpu.memory_space<hbm>>
    %dma_wait3A_205 = tpu.memref_slice %arg12[%dma_wait3A_194] : memref<5x!tpu.dma_semaphore, #tpu.memory_space<semaphore_mem>> -> memref<1x!tpu.dma_semaphore, #tpu.memory_space<semaphore_mem>>
    %dma_wait3A_206 = tpu.memref_squeeze %dma_wait3A_205 : memref<1x!tpu.dma_semaphore, #tpu.memory_space<semaphore_mem>> -> memref<!tpu.dma_semaphore, #tpu.memory_space<semaphore_mem>>
    tpu.wait_indirect_dma semaphore(%dma_wait3A_206 : memref<!tpu.dma_semaphore, #tpu.memory_space<semaphore_mem>>) src(%dma_wait3A_204 : memref<100000x128xf32, #tpu.memory_space<hbm>>) dst(%dma_wait3A_198 : memref<96x128xf32, #tpu.memory_space<vmem>>)
    %scan3A_207 = arith.constant 0 : i32
    %scan3A_208 = arith.constant 1 : i32
    %scan3A_209 = arith.constant 0 : i32
    %scan3A_210 = arith.constant 96 : i32
    %scan3A_211 = arith.addi %scan3A_209, %scan3A_210 : i32
    %scan3A_212 = arith.constant 1 : i32
    scf.for %scan3A_818 = %scan3A_209 to %scan3A_211 step %scan3A_212  : i32 {
      %add3A_819 = arith.constant 32 : i32
      %add3A_820 = arith.addi %add3A_819, %scan3A_818 : i32
      %get3A = arith.index_cast %add3A_820 : i32 to index
      %get3A_821 = arith.constant 0 : index
      %get3A_822 = tpu.vector_load %arg7[%get3A, %get3A_821] {strides = array<i32>} : memref<256x128xf32, #tpu.memory_space<vmem>>, vector<1x16xf32>,
      %get3A_823 = vector.shape_cast %get3A_822 : vector<1x16xf32> to vector<16xf32>
      %swap3A = arith.constant 0 : i32
      %swap3A_824 = arith.constant 0 : i32
      %swap3A_825 = tpu.memref_slice %arg8[%scan3A_208, %swap3A, %swap3A_824] : memref<5x128x128xf32, #tpu.memory_space<vmem>> -> memref<1x128x128xf32, #tpu.memory_space<vmem>>
      %swap3A_826 = tpu.memref_squeeze %swap3A_825 : memref<1x128x128xf32, #tpu.memory_space<vmem>> -> memref<128x128xf32, #tpu.memory_space<vmem>>
      %swap3A_827 = arith.index_cast %scan3A_818 : i32 to index
      %swap3A_828 = arith.constant 0 : index
      %swap3A_829 = tpu.vector_load %swap3A_826[%swap3A_827, %swap3A_828] {strides = array<i32>} : memref<128x128xf32, #tpu.memory_space<vmem>>, vector<1x16xf32>,
      %swap3A_830 = vector.shape_cast %swap3A_829 : vector<1x16xf32> to vector<16xf32>
      %swap3A_831 = vector.shape_cast %get3A_823 : vector<16xf32> to vector<1x16xf32>
      tpu.vector_store %swap3A_826[%swap3A_827, %swap3A_828], %swap3A_831 {add = true, strides = array<i32>} : memref<128x128xf32, #tpu.memory_space<vmem>>, vector<1x16xf32>,
      %get3A_832 = arith.index_cast %add3A_820 : i32 to index
      %get3A_833 = arith.constant 16 : index
      %get3A_834 = tpu.vector_load %arg7[%get3A_832, %get3A_833] {strides = array<i32>} : memref<256x128xf32, #tpu.memory_space<vmem>>, vector<1x16xf32>,
      %get3A_835 = vector.shape_cast %get3A_834 : vector<1x16xf32> to vector<16xf32>
      %swap3A_836 = arith.constant 0 : i32
      %swap3A_837 = arith.constant 0 : i32
      %swap3A_838 = tpu.memref_slice %arg8[%scan3A_208, %swap3A_836, %swap3A_837] : memref<5x128x128xf32, #tpu.memory_space<vmem>> -> memref<1x128x128xf32, #tpu.memory_space<vmem>>
      %swap3A_839 = tpu.memref_squeeze %swap3A_838 : memref<1x128x128xf32, #tpu.memory_space<vmem>> -> memref<128x128xf32, #tpu.memory_space<vmem>>
      %swap3A_840 = arith.index_cast %scan3A_818 : i32 to index
      %swap3A_841 = arith.constant 16 : index
      %swap3A_842 = tpu.vector_load %swap3A_839[%swap3A_840, %swap3A_841] {strides = array<i32>} : memref<128x128xf32, #tpu.memory_space<vmem>>, vector<1x16xf32>,
      %swap3A_843 = vector.shape_cast %swap3A_842 : vector<1x16xf32> to vector<16xf32>
      %swap3A_844 = vector.shape_cast %get3A_835 : vector<16xf32> to vector<1x16xf32>
      tpu.vector_store %swap3A_839[%swap3A_840, %swap3A_841], %swap3A_844 {add = true, strides = array<i32>} : memref<128x128xf32, #tpu.memory_space<vmem>>, vector<1x16xf32>,
      %get3A_845 = arith.index_cast %add3A_820 : i32 to index
      %get3A_846 = arith.constant 32 : index
      %get3A_847 = tpu.vector_load %arg7[%get3A_845, %get3A_846] {strides = array<i32>} : memref<256x128xf32, #tpu.memory_space<vmem>>, vector<1x16xf32>,
      %get3A_848 = vector.shape_cast %get3A_847 : vector<1x16xf32> to vector<16xf32>
      %swap3A_849 = arith.constant 0 : i32
      %swap3A_850 = arith.constant 0 : i32
      %swap3A_851 = tpu.memref_slice %arg8[%scan3A_208, %swap3A_849, %swap3A_850] : memref<5x128x128xf32, #tpu.memory_space<vmem>> -> memref<1x128x128xf32, #tpu.memory_space<vmem>>
      %swap3A_852 = tpu.memref_squeeze %swap3A_851 : memref<1x128x128xf32, #tpu.memory_space<vmem>> -> memref<128x128xf32, #tpu.memory_space<vmem>>
      %swap3A_853 = arith.index_cast %scan3A_818 : i32 to index
      %swap3A_854 = arith.constant 32 : index
      %swap3A_855 = tpu.vector_load %swap3A_852[%swap3A_853, %swap3A_854] {strides = array<i32>} : memref<128x128xf32, #tpu.memory_space<vmem>>, vector<1x16xf32>,
      %swap3A_856 = vector.shape_cast %swap3A_855 : vector<1x16xf32> to vector<16xf32>
      %swap3A_857 = vector.shape_cast %get3A_848 : vector<16xf32> to vector<1x16xf32>
      tpu.vector_store %swap3A_852[%swap3A_853, %swap3A_854], %swap3A_857 {add = true, strides = array<i32>} : memref<128x128xf32, #tpu.memory_space<vmem>>, vector<1x16xf32>,
      %get3A_858 = arith.index_cast %add3A_820 : i32 to index
      %get3A_859 = arith.constant 48 : index
      %get3A_860 = tpu.vector_load %arg7[%get3A_858, %get3A_859] {strides = array<i32>} : memref<256x128xf32, #tpu.memory_space<vmem>>, vector<1x16xf32>,
      %get3A_861 = vector.shape_cast %get3A_860 : vector<1x16xf32> to vector<16xf32>
      %swap3A_862 = arith.constant 0 : i32
      %swap3A_863 = arith.constant 0 : i32
      %swap3A_864 = tpu.memref_slice %arg8[%scan3A_208, %swap3A_862, %swap3A_863] : memref<5x128x128xf32, #tpu.memory_space<vmem>> -> memref<1x128x128xf32, #tpu.memory_space<vmem>>
      %swap3A_865 = tpu.memref_squeeze %swap3A_864 : memref<1x128x128xf32, #tpu.memory_space<vmem>> -> memref<128x128xf32, #tpu.memory_space<vmem>>
      %swap3A_866 = arith.index_cast %scan3A_818 : i32 to index
      %swap3A_867 = arith.constant 48 : index
      %swap3A_868 = tpu.vector_load %swap3A_865[%swap3A_866, %swap3A_867] {strides = array<i32>} : memref<128x128xf32, #tpu.memory_space<vmem>>, vector<1x16xf32>,
      %swap3A_869 = vector.shape_cast %swap3A_868 : vector<1x16xf32> to vector<16xf32>
      %swap3A_870 = vector.shape_cast %get3A_861 : vector<16xf32> to vector<1x16xf32>
      tpu.vector_store %swap3A_865[%swap3A_866, %swap3A_867], %swap3A_870 {add = true, strides = array<i32>} : memref<128x128xf32, #tpu.memory_space<vmem>>, vector<1x16xf32>,
      %get3A_871 = arith.index_cast %add3A_820 : i32 to index
      %get3A_872 = arith.constant 64 : index
      %get3A_873 = tpu.vector_load %arg7[%get3A_871, %get3A_872] {strides = array<i32>} : memref<256x128xf32, #tpu.memory_space<vmem>>, vector<1x16xf32>,
      %get3A_874 = vector.shape_cast %get3A_873 : vector<1x16xf32> to vector<16xf32>
      %swap3A_875 = arith.constant 0 : i32
      %swap3A_876 = arith.constant 0 : i32
      %swap3A_877 = tpu.memref_slice %arg8[%scan3A_208, %swap3A_875, %swap3A_876] : memref<5x128x128xf32, #tpu.memory_space<vmem>> -> memref<1x128x128xf32, #tpu.memory_space<vmem>>
      %swap3A_878 = tpu.memref_squeeze %swap3A_877 : memref<1x128x128xf32, #tpu.memory_space<vmem>> -> memref<128x128xf32, #tpu.memory_space<vmem>>
      %swap3A_879 = arith.index_cast %scan3A_818 : i32 to index
      %swap3A_880 = arith.constant 64 : index
      %swap3A_881 = tpu.vector_load %swap3A_878[%swap3A_879, %swap3A_880] {strides = array<i32>} : memref<128x128xf32, #tpu.memory_space<vmem>>, vector<1x16xf32>,
      %swap3A_882 = vector.shape_cast %swap3A_881 : vector<1x16xf32> to vector<16xf32>
      %swap3A_883 = vector.shape_cast %get3A_874 : vector<16xf32> to vector<1x16xf32>
      tpu.vector_store %swap3A_878[%swap3A_879, %swap3A_880], %swap3A_883 {add = true, strides = array<i32>} : memref<128x128xf32, #tpu.memory_space<vmem>>, vector<1x16xf32>,
      %get3A_884 = arith.index_cast %add3A_820 : i32 to index
      %get3A_885 = arith.constant 80 : index
      %get3A_886 = tpu.vector_load %arg7[%get3A_884, %get3A_885] {strides = array<i32>} : memref<256x128xf32, #tpu.memory_space<vmem>>, vector<1x16xf32>,
      %get3A_887 = vector.shape_cast %get3A_886 : vector<1x16xf32> to vector<16xf32>
      %swap3A_888 = arith.constant 0 : i32
      %swap3A_889 = arith.constant 0 : i32
      %swap3A_890 = tpu.memref_slice %arg8[%scan3A_208, %swap3A_888, %swap3A_889] : memref<5x128x128xf32, #tpu.memory_space<vmem>> -> memref<1x128x128xf32, #tpu.memory_space<vmem>>
      %swap3A_891 = tpu.memref_squeeze %swap3A_890 : memref<1x128x128xf32, #tpu.memory_space<vmem>> -> memref<128x128xf32, #tpu.memory_space<vmem>>
      %swap3A_892 = arith.index_cast %scan3A_818 : i32 to index
      %swap3A_893 = arith.constant 80 : index
      %swap3A_894 = tpu.vector_load %swap3A_891[%swap3A_892, %swap3A_893] {strides = array<i32>} : memref<128x128xf32, #tpu.memory_space<vmem>>, vector<1x16xf32>,
      %swap3A_895 = vector.shape_cast %swap3A_894 : vector<1x16xf32> to vector<16xf32>
      %swap3A_896 = vector.shape_cast %get3A_887 : vector<16xf32> to vector<1x16xf32>
      tpu.vector_store %swap3A_891[%swap3A_892, %swap3A_893], %swap3A_896 {add = true, strides = array<i32>} : memref<128x128xf32, #tpu.memory_space<vmem>>, vector<1x16xf32>,
      %get3A_897 = arith.index_cast %add3A_820 : i32 to index
      %get3A_898 = arith.constant 96 : index
      %get3A_899 = tpu.vector_load %arg7[%get3A_897, %get3A_898] {strides = array<i32>} : memref<256x128xf32, #tpu.memory_space<vmem>>, vector<1x16xf32>,
      %get3A_900 = vector.shape_cast %get3A_899 : vector<1x16xf32> to vector<16xf32>
      %swap3A_901 = arith.constant 0 : i32
      %swap3A_902 = arith.constant 0 : i32
      %swap3A_903 = tpu.memref_slice %arg8[%scan3A_208, %swap3A_901, %swap3A_902] : memref<5x128x128xf32, #tpu.memory_space<vmem>> -> memref<1x128x128xf32, #tpu.memory_space<vmem>>
      %swap3A_904 = tpu.memref_squeeze %swap3A_903 : memref<1x128x128xf32, #tpu.memory_space<vmem>> -> memref<128x128xf32, #tpu.memory_space<vmem>>
      %swap3A_905 = arith.index_cast %scan3A_818 : i32 to index
      %swap3A_906 = arith.constant 96 : index
      %swap3A_907 = tpu.vector_load %swap3A_904[%swap3A_905, %swap3A_906] {strides = array<i32>} : memref<128x128xf32, #tpu.memory_space<vmem>>, vector<1x16xf32>,
      %swap3A_908 = vector.shape_cast %swap3A_907 : vector<1x16xf32> to vector<16xf32>
      %swap3A_909 = vector.shape_cast %get3A_900 : vector<16xf32> to vector<1x16xf32>
      tpu.vector_store %swap3A_904[%swap3A_905, %swap3A_906], %swap3A_909 {add = true, strides = array<i32>} : memref<128x128xf32, #tpu.memory_space<vmem>>, vector<1x16xf32>,
      %get3A_910 = arith.index_cast %add3A_820 : i32 to index
      %get3A_911 = arith.constant 112 : index
      %get3A_912 = tpu.vector_load %arg7[%get3A_910, %get3A_911] {strides = array<i32>} : memref<256x128xf32, #tpu.memory_space<vmem>>, vector<1x16xf32>,
      %get3A_913 = vector.shape_cast %get3A_912 : vector<1x16xf32> to vector<16xf32>
      %swap3A_914 = arith.constant 0 : i32
      %swap3A_915 = arith.constant 0 : i32
      %swap3A_916 = tpu.memref_slice %arg8[%scan3A_208, %swap3A_914, %swap3A_915] : memref<5x128x128xf32, #tpu.memory_space<vmem>> -> memref<1x128x128xf32, #tpu.memory_space<vmem>>
      %swap3A_917 = tpu.memref_squeeze %swap3A_916 : memref<1x128x128xf32, #tpu.memory_space<vmem>> -> memref<128x128xf32, #tpu.memory_space<vmem>>
      %swap3A_918 = arith.index_cast %scan3A_818 : i32 to index
      %swap3A_919 = arith.constant 112 : index
      %swap3A_920 = tpu.vector_load %swap3A_917[%swap3A_918, %swap3A_919] {strides = array<i32>} : memref<128x128xf32, #tpu.memory_space<vmem>>, vector<1x16xf32>,
      %swap3A_921 = vector.shape_cast %swap3A_920 : vector<1x16xf32> to vector<16xf32>
      %swap3A_922 = vector.shape_cast %get3A_913 : vector<16xf32> to vector<1x16xf32>
      tpu.vector_store %swap3A_917[%swap3A_918, %swap3A_919], %swap3A_922 {add = true, strides = array<i32>} : memref<128x128xf32, #tpu.memory_space<vmem>>, vector<1x16xf32>,
    }
    %scan3A_213 = arith.constant 96 : i32
    %add3A_214 = arith.constant 0 : i32
    %add3A_215 = arith.addi %add3A_214, %mul3A_2 : i32
    %add3A_216 = arith.constant 32 : i32
    %add3A_217 = arith.addi %add3A_215, %add3A_216 : i32
    %dma_start3A_218 = arith.constant 1 : i32
    %dma_start3A_219 = arith.constant 1 : i32
    %dma_start3A_220 = arith.constant 0 : i32
    %dma_start3A_221 = arith.constant 0 : i32
    %dma_start3A_222 = tpu.memref_slice %arg8[%dma_start3A_218, %dma_start3A_220, %dma_start3A_221] : memref<5x128x128xf32, #tpu.memory_space<vmem>> -> memref<1x96x128xf32, #tpu.memory_space<vmem>>
    %dma_start3A_223 = tpu.memref_squeeze %dma_start3A_222 : memref<1x96x128xf32, #tpu.memory_space<vmem>> -> memref<96x128xf32, #tpu.memory_space<vmem>>
    %dma_start3A_224 = arith.constant 0 : i32
    %dma_start3A_225 = tpu.memref_slice %arg5[%add3A_217, %dma_start3A_224] : memref<32768x128xf32, #tpu.memory_space<hbm>> -> memref<96x128xf32, #tpu.memory_space<hbm>>
    %dma_start3A_226 = tpu.memref_slice %arg13[%dma_start3A_219] : memref<5x!tpu.dma_semaphore, #tpu.memory_space<semaphore_mem>> -> memref<1x!tpu.dma_semaphore, #tpu.memory_space<semaphore_mem>>
    %dma_start3A_227 = tpu.memref_squeeze %dma_start3A_226 : memref<1x!tpu.dma_semaphore, #tpu.memory_space<semaphore_mem>> -> memref<!tpu.dma_semaphore, #tpu.memory_space<semaphore_mem>>
    %dma_start3A_228 = arith.constant 0 : i32
    %dma_start3A_229 = tpu.memref_slice %arg5[%add3A_217, %dma_start3A_228] : memref<32768x128xf32, #tpu.memory_space<hbm>> -> memref<96x128xf32, #tpu.memory_space<hbm>>
    %dma_start3A_230 = arith.constant 0 : i32
    %dma_start3A_231 = arith.constant 0 : i32
    %dma_start3A_232 = tpu.memref_slice %arg8[%dma_start3A_218, %dma_start3A_230, %dma_start3A_231] : memref<5x128x128xf32, #tpu.memory_space<vmem>> -> memref<1x96x128xf32, #tpu.memory_space<vmem>>
    %dma_start3A_233 = tpu.memref_squeeze %dma_start3A_232 : memref<1x96x128xf32, #tpu.memory_space<vmem>> -> memref<96x128xf32, #tpu.memory_space<vmem>>
    tpu.enqueue_dma source(%dma_start3A_233 : memref<96x128xf32, #tpu.memory_space<vmem>>) target(%dma_start3A_229 : memref<96x128xf32, #tpu.memory_space<hbm>>) target_semaphore(%dma_start3A_227 : memref<!tpu.dma_semaphore, #tpu.memory_space<semaphore_mem>>)
    %dma_wait3A_234 = arith.constant 0 : i32
    %dma_wait3A_235 = arith.constant 0 : i32
    %dma_wait3A_236 = arith.constant 0 : i32
    %dma_wait3A_237 = arith.constant 0 : i32
    %dma_wait3A_238 = tpu.memref_slice %arg8[%dma_wait3A_234, %dma_wait3A_236, %dma_wait3A_237] : memref<5x128x128xf32, #tpu.memory_space<vmem>> -> memref<1x32x128xf32, #tpu.memory_space<vmem>>
    %dma_wait3A_239 = tpu.memref_squeeze %dma_wait3A_238 : memref<1x32x128xf32, #tpu.memory_space<vmem>> -> memref<32x128xf32, #tpu.memory_space<vmem>>
    %dma_wait3A_240 = arith.constant 0 : i32
    %dma_wait3A_241 = tpu.memref_slice %arg5[%add3A_160, %dma_wait3A_240] : memref<32768x128xf32, #tpu.memory_space<hbm>> -> memref<32x128xf32, #tpu.memory_space<hbm>>
    %dma_wait3A_242 = tpu.memref_slice %arg13[%dma_wait3A_235] : memref<5x!tpu.dma_semaphore, #tpu.memory_space<semaphore_mem>> -> memref<1x!tpu.dma_semaphore, #tpu.memory_space<semaphore_mem>>
    %dma_wait3A_243 = tpu.memref_squeeze %dma_wait3A_242 : memref<1x!tpu.dma_semaphore, #tpu.memory_space<semaphore_mem>> -> memref<!tpu.dma_semaphore, #tpu.memory_space<semaphore_mem>>
    %dma_wait3A_244 = arith.constant 0 : i32
    %dma_wait3A_245 = tpu.memref_slice %arg5[%add3A_160, %dma_wait3A_244] : memref<32768x128xf32, #tpu.memory_space<hbm>> -> memref<32x128xf32, #tpu.memory_space<hbm>>
    %dma_wait3A_246 = arith.constant 0 : i32
    %dma_wait3A_247 = arith.constant 0 : i32
    %dma_wait3A_248 = tpu.memref_slice %arg8[%dma_wait3A_234, %dma_wait3A_246, %dma_wait3A_247] : memref<5x128x128xf32, #tpu.memory_space<vmem>> -> memref<1x32x128xf32, #tpu.memory_space<vmem>>
    %dma_wait3A_249 = tpu.memref_squeeze %dma_wait3A_248 : memref<1x32x128xf32, #tpu.memory_space<vmem>> -> memref<32x128xf32, #tpu.memory_space<vmem>>
    tpu.wait_dma2 semaphore(%dma_wait3A_243 : memref<!tpu.dma_semaphore, #tpu.memory_space<semaphore_mem>>) src(%dma_wait3A_249 : memref<32x128xf32, #tpu.memory_space<vmem>>) dst(%dma_wait3A_245 : memref<32x128xf32, #tpu.memory_space<hbm>>)
    %dma_start3A_250 = arith.constant 0 : i32
    %dma_start3A_251 = arith.constant 0 : i32
    %dma_start3A_252 = arith.constant 0 : i32
    %dma_start3A_253 = arith.constant 0 : i32
    %dma_start3A_254 = arith.constant 0 : i32
    %dma_start3A_255 = tpu.memref_slice %arg8[%dma_start3A_251, %dma_start3A_253, %dma_start3A_254] : memref<5x128x128xf32, #tpu.memory_space<vmem>> -> memref<1x128x128xf32, #tpu.memory_space<vmem>>
    %dma_start3A_256 = tpu.memref_squeeze %dma_start3A_255 : memref<1x128x128xf32, #tpu.memory_space<vmem>> -> memref<128x128xf32, #tpu.memory_space<vmem>>
    %dma_start3A_257 = arith.constant 128 : i32
    %dma_start3A_258 = tpu.memref_slice %arg6[%dma_start3A_250, %dma_start3A_257] : memref<4x256xi32, #tpu.memory_space<vmem>> -> memref<1x128xi32, #tpu.memory_space<vmem>>
    %dma_start3A_259 = tpu.memref_squeeze %dma_start3A_258 : memref<1x128xi32, #tpu.memory_space<vmem>> -> memref<128xi32, #tpu.memory_space<vmem>>
    %dma_start3A_260 = arith.constant 0 : i32
    %dma_start3A_261 = arith.constant 0 : i32
    %dma_start3A_262 = tpu.memref_slice %arg3[%dma_start3A_260, %dma_start3A_261] : memref<100000x128xf32, #tpu.memory_space<hbm>> -> memref<100000x128xf32, #tpu.memory_space<hbm>>
    %dma_start3A_263 = tpu.memref_slice %arg12[%dma_start3A_252] : memref<5x!tpu.dma_semaphore, #tpu.memory_space<semaphore_mem>> -> memref<1x!tpu.dma_semaphore, #tpu.memory_space<semaphore_mem>>
    %dma_start3A_264 = tpu.memref_squeeze %dma_start3A_263 : memref<1x!tpu.dma_semaphore, #tpu.memory_space<semaphore_mem>> -> memref<!tpu.dma_semaphore, #tpu.memory_space<semaphore_mem>>
    tpu.enqueue_indirect_dma source(%dma_start3A_262 : memref<100000x128xf32, #tpu.memory_space<hbm>>) target(%dma_start3A_256 : memref<128x128xf32, #tpu.memory_space<vmem>>) offsets(%dma_start3A_259 : memref<128xi32, #tpu.memory_space<vmem>>) semaphore(%dma_start3A_264 : memref<!tpu.dma_semaphore, #tpu.memory_space<semaphore_mem>>)
    %dma_wait3A_265 = arith.constant 1 : i32
    %dma_wait3A_266 = arith.constant 2 : i32
    %dma_wait3A_267 = arith.constant 2 : i32
    %dma_wait3A_268 = arith.constant 0 : i32
    %dma_wait3A_269 = arith.constant 0 : i32
    %dma_wait3A_270 = tpu.memref_slice %arg8[%dma_wait3A_266, %dma_wait3A_268, %dma_wait3A_269] : memref<5x128x128xf32, #tpu.memory_space<vmem>> -> memref<1x128x128xf32, #tpu.memory_space<vmem>>
    %dma_wait3A_271 = tpu.memref_squeeze %dma_wait3A_270 : memref<1x128x128xf32, #tpu.memory_space<vmem>> -> memref<128x128xf32, #tpu.memory_space<vmem>>
    %dma_wait3A_272 = arith.constant 0 : i32
    %dma_wait3A_273 = tpu.memref_slice %arg6[%dma_wait3A_265, %dma_wait3A_272] : memref<4x256xi32, #tpu.memory_space<vmem>> -> memref<1x128xi32, #tpu.memory_space<vmem>>
    %dma_wait3A_274 = tpu.memref_squeeze %dma_wait3A_273 : memref<1x128xi32, #tpu.memory_space<vmem>> -> memref<128xi32, #tpu.memory_space<vmem>>
    %dma_wait3A_275 = arith.constant 0 : i32
    %dma_wait3A_276 = arith.constant 0 : i32
    %dma_wait3A_277 = tpu.memref_slice %arg3[%dma_wait3A_275, %dma_wait3A_276] : memref<100000x128xf32, #tpu.memory_space<hbm>> -> memref<100000x128xf32, #tpu.memory_space<hbm>>
    %dma_wait3A_278 = tpu.memref_slice %arg12[%dma_wait3A_267] : memref<5x!tpu.dma_semaphore, #tpu.memory_space<semaphore_mem>> -> memref<1x!tpu.dma_semaphore, #tpu.memory_space<semaphore_mem>>
    %dma_wait3A_279 = tpu.memref_squeeze %dma_wait3A_278 : memref<1x!tpu.dma_semaphore, #tpu.memory_space<semaphore_mem>> -> memref<!tpu.dma_semaphore, #tpu.memory_space<semaphore_mem>>
    tpu.wait_indirect_dma semaphore(%dma_wait3A_279 : memref<!tpu.dma_semaphore, #tpu.memory_space<semaphore_mem>>) src(%dma_wait3A_277 : memref<100000x128xf32, #tpu.memory_space<hbm>>) dst(%dma_wait3A_271 : memref<128x128xf32, #tpu.memory_space<vmem>>)
    %scan3A_280 = arith.constant 0 : i32
    %scan3A_281 = arith.constant 2 : i32
    %scan3A_282 = arith.constant 0 : i32
    %scan3A_283 = arith.constant 128 : i32
    %scan3A_284 = arith.addi %scan3A_282, %scan3A_283 : i32
    %scan3A_285 = arith.constant 1 : i32
    scf.for %scan3A_818 = %scan3A_282 to %scan3A_284 step %scan3A_285  : i32 {
      %add3A_819 = arith.constant 0 : i32
      %add3A_820 = arith.addi %add3A_819, %scan3A_818 : i32
      %get3A = arith.index_cast %add3A_820 : i32 to index
      %get3A_821 = arith.constant 0 : index
      %get3A_822 = tpu.vector_load %arg7[%get3A, %get3A_821] {strides = array<i32>} : memref<256x128xf32, #tpu.memory_space<vmem>>, vector<1x16xf32>,
      %get3A_823 = vector.shape_cast %get3A_822 : vector<1x16xf32> to vector<16xf32>
      %swap3A = arith.constant 0 : i32
      %swap3A_824 = arith.constant 0 : i32
      %swap3A_825 = tpu.memref_slice %arg8[%scan3A_281, %swap3A, %swap3A_824] : memref<5x128x128xf32, #tpu.memory_space<vmem>> -> memref<1x128x128xf32, #tpu.memory_space<vmem>>
      %swap3A_826 = tpu.memref_squeeze %swap3A_825 : memref<1x128x128xf32, #tpu.memory_space<vmem>> -> memref<128x128xf32, #tpu.memory_space<vmem>>
      %swap3A_827 = arith.index_cast %scan3A_818 : i32 to index
      %swap3A_828 = arith.constant 0 : index
      %swap3A_829 = tpu.vector_load %swap3A_826[%swap3A_827, %swap3A_828] {strides = array<i32>} : memref<128x128xf32, #tpu.memory_space<vmem>>, vector<1x16xf32>,
      %swap3A_830 = vector.shape_cast %swap3A_829 : vector<1x16xf32> to vector<16xf32>
      %swap3A_831 = vector.shape_cast %get3A_823 : vector<16xf32> to vector<1x16xf32>
      tpu.vector_store %swap3A_826[%swap3A_827, %swap3A_828], %swap3A_831 {add = true, strides = array<i32>} : memref<128x128xf32, #tpu.memory_space<vmem>>, vector<1x16xf32>,
      %get3A_832 = arith.index_cast %add3A_820 : i32 to index
      %get3A_833 = arith.constant 16 : index
      %get3A_834 = tpu.vector_load %arg7[%get3A_832, %get3A_833] {strides = array<i32>} : memref<256x128xf32, #tpu.memory_space<vmem>>, vector<1x16xf32>,
      %get3A_835 = vector.shape_cast %get3A_834 : vector<1x16xf32> to vector<16xf32>
      %swap3A_836 = arith.constant 0 : i32
      %swap3A_837 = arith.constant 0 : i32
      %swap3A_838 = tpu.memref_slice %arg8[%scan3A_281, %swap3A_836, %swap3A_837] : memref<5x128x128xf32, #tpu.memory_space<vmem>> -> memref<1x128x128xf32, #tpu.memory_space<vmem>>
      %swap3A_839 = tpu.memref_squeeze %swap3A_838 : memref<1x128x128xf32, #tpu.memory_space<vmem>> -> memref<128x128xf32, #tpu.memory_space<vmem>>
      %swap3A_840 = arith.index_cast %scan3A_818 : i32 to index
      %swap3A_841 = arith.constant 16 : index
      %swap3A_842 = tpu.vector_load %swap3A_839[%swap3A_840, %swap3A_841] {strides = array<i32>} : memref<128x128xf32, #tpu.memory_space<vmem>>, vector<1x16xf32>,
      %swap3A_843 = vector.shape_cast %swap3A_842 : vector<1x16xf32> to vector<16xf32>
      %swap3A_844 = vector.shape_cast %get3A_835 : vector<16xf32> to vector<1x16xf32>
      tpu.vector_store %swap3A_839[%swap3A_840, %swap3A_841], %swap3A_844 {add = true, strides = array<i32>} : memref<128x128xf32, #tpu.memory_space<vmem>>, vector<1x16xf32>,
      %get3A_845 = arith.index_cast %add3A_820 : i32 to index
      %get3A_846 = arith.constant 32 : index
      %get3A_847 = tpu.vector_load %arg7[%get3A_845, %get3A_846] {strides = array<i32>} : memref<256x128xf32, #tpu.memory_space<vmem>>, vector<1x16xf32>,
      %get3A_848 = vector.shape_cast %get3A_847 : vector<1x16xf32> to vector<16xf32>
      %swap3A_849 = arith.constant 0 : i32
      %swap3A_850 = arith.constant 0 : i32
      %swap3A_851 = tpu.memref_slice %arg8[%scan3A_281, %swap3A_849, %swap3A_850] : memref<5x128x128xf32, #tpu.memory_space<vmem>> -> memref<1x128x128xf32, #tpu.memory_space<vmem>>
      %swap3A_852 = tpu.memref_squeeze %swap3A_851 : memref<1x128x128xf32, #tpu.memory_space<vmem>> -> memref<128x128xf32, #tpu.memory_space<vmem>>
      %swap3A_853 = arith.index_cast %scan3A_818 : i32 to index
      %swap3A_854 = arith.constant 32 : index
      %swap3A_855 = tpu.vector_load %swap3A_852[%swap3A_853, %swap3A_854] {strides = array<i32>} : memref<128x128xf32, #tpu.memory_space<vmem>>, vector<1x16xf32>,
      %swap3A_856 = vector.shape_cast %swap3A_855 : vector<1x16xf32> to vector<16xf32>
      %swap3A_857 = vector.shape_cast %get3A_848 : vector<16xf32> to vector<1x16xf32>
      tpu.vector_store %swap3A_852[%swap3A_853, %swap3A_854], %swap3A_857 {add = true, strides = array<i32>} : memref<128x128xf32, #tpu.memory_space<vmem>>, vector<1x16xf32>,
      %get3A_858 = arith.index_cast %add3A_820 : i32 to index
      %get3A_859 = arith.constant 48 : index
      %get3A_860 = tpu.vector_load %arg7[%get3A_858, %get3A_859] {strides = array<i32>} : memref<256x128xf32, #tpu.memory_space<vmem>>, vector<1x16xf32>,
      %get3A_861 = vector.shape_cast %get3A_860 : vector<1x16xf32> to vector<16xf32>
      %swap3A_862 = arith.constant 0 : i32
      %swap3A_863 = arith.constant 0 : i32
      %swap3A_864 = tpu.memref_slice %arg8[%scan3A_281, %swap3A_862, %swap3A_863] : memref<5x128x128xf32, #tpu.memory_space<vmem>> -> memref<1x128x128xf32, #tpu.memory_space<vmem>>
      %swap3A_865 = tpu.memref_squeeze %swap3A_864 : memref<1x128x128xf32, #tpu.memory_space<vmem>> -> memref<128x128xf32, #tpu.memory_space<vmem>>
      %swap3A_866 = arith.index_cast %scan3A_818 : i32 to index
      %swap3A_867 = arith.constant 48 : index
      %swap3A_868 = tpu.vector_load %swap3A_865[%swap3A_866, %swap3A_867] {strides = array<i32>} : memref<128x128xf32, #tpu.memory_space<vmem>>, vector<1x16xf32>,
      %swap3A_869 = vector.shape_cast %swap3A_868 : vector<1x16xf32> to vector<16xf32>
      %swap3A_870 = vector.shape_cast %get3A_861 : vector<16xf32> to vector<1x16xf32>
      tpu.vector_store %swap3A_865[%swap3A_866, %swap3A_867], %swap3A_870 {add = true, strides = array<i32>} : memref<128x128xf32, #tpu.memory_space<vmem>>, vector<1x16xf32>,
      %get3A_871 = arith.index_cast %add3A_820 : i32 to index
      %get3A_872 = arith.constant 64 : index
      %get3A_873 = tpu.vector_load %arg7[%get3A_871, %get3A_872] {strides = array<i32>} : memref<256x128xf32, #tpu.memory_space<vmem>>, vector<1x16xf32>,
      %get3A_874 = vector.shape_cast %get3A_873 : vector<1x16xf32> to vector<16xf32>
      %swap3A_875 = arith.constant 0 : i32
      %swap3A_876 = arith.constant 0 : i32
      %swap3A_877 = tpu.memref_slice %arg8[%scan3A_281, %swap3A_875, %swap3A_876] : memref<5x128x128xf32, #tpu.memory_space<vmem>> -> memref<1x128x128xf32, #tpu.memory_space<vmem>>
      %swap3A_878 = tpu.memref_squeeze %swap3A_877 : memref<1x128x128xf32, #tpu.memory_space<vmem>> -> memref<128x128xf32, #tpu.memory_space<vmem>>
      %swap3A_879 = arith.index_cast %scan3A_818 : i32 to index
      %swap3A_880 = arith.constant 64 : index
      %swap3A_881 = tpu.vector_load %swap3A_878[%swap3A_879, %swap3A_880] {strides = array<i32>} : memref<128x128xf32, #tpu.memory_space<vmem>>, vector<1x16xf32>,
      %swap3A_882 = vector.shape_cast %swap3A_881 : vector<1x16xf32> to vector<16xf32>
      %swap3A_883 = vector.shape_cast %get3A_874 : vector<16xf32> to vector<1x16xf32>
      tpu.vector_store %swap3A_878[%swap3A_879, %swap3A_880], %swap3A_883 {add = true, strides = array<i32>} : memref<128x128xf32, #tpu.memory_space<vmem>>, vector<1x16xf32>,
      %get3A_884 = arith.index_cast %add3A_820 : i32 to index
      %get3A_885 = arith.constant 80 : index
      %get3A_886 = tpu.vector_load %arg7[%get3A_884, %get3A_885] {strides = array<i32>} : memref<256x128xf32, #tpu.memory_space<vmem>>, vector<1x16xf32>,
      %get3A_887 = vector.shape_cast %get3A_886 : vector<1x16xf32> to vector<16xf32>
      %swap3A_888 = arith.constant 0 : i32
      %swap3A_889 = arith.constant 0 : i32
      %swap3A_890 = tpu.memref_slice %arg8[%scan3A_281, %swap3A_888, %swap3A_889] : memref<5x128x128xf32, #tpu.memory_space<vmem>> -> memref<1x128x128xf32, #tpu.memory_space<vmem>>
      %swap3A_891 = tpu.memref_squeeze %swap3A_890 : memref<1x128x128xf32, #tpu.memory_space<vmem>> -> memref<128x128xf32, #tpu.memory_space<vmem>>
      %swap3A_892 = arith.index_cast %scan3A_818 : i32 to index
      %swap3A_893 = arith.constant 80 : index
      %swap3A_894 = tpu.vector_load %swap3A_891[%swap3A_892, %swap3A_893] {strides = array<i32>} : memref<128x128xf32, #tpu.memory_space<vmem>>, vector<1x16xf32>,
      %swap3A_895 = vector.shape_cast %swap3A_894 : vector<1x16xf32> to vector<16xf32>
      %swap3A_896 = vector.shape_cast %get3A_887 : vector<16xf32> to vector<1x16xf32>
      tpu.vector_store %swap3A_891[%swap3A_892, %swap3A_893], %swap3A_896 {add = true, strides = array<i32>} : memref<128x128xf32, #tpu.memory_space<vmem>>, vector<1x16xf32>,
      %get3A_897 = arith.index_cast %add3A_820 : i32 to index
      %get3A_898 = arith.constant 96 : index
      %get3A_899 = tpu.vector_load %arg7[%get3A_897, %get3A_898] {strides = array<i32>} : memref<256x128xf32, #tpu.memory_space<vmem>>, vector<1x16xf32>,
      %get3A_900 = vector.shape_cast %get3A_899 : vector<1x16xf32> to vector<16xf32>
      %swap3A_901 = arith.constant 0 : i32
      %swap3A_902 = arith.constant 0 : i32
      %swap3A_903 = tpu.memref_slice %arg8[%scan3A_281, %swap3A_901, %swap3A_902] : memref<5x128x128xf32, #tpu.memory_space<vmem>> -> memref<1x128x128xf32, #tpu.memory_space<vmem>>
      %swap3A_904 = tpu.memref_squeeze %swap3A_903 : memref<1x128x128xf32, #tpu.memory_space<vmem>> -> memref<128x128xf32, #tpu.memory_space<vmem>>
      %swap3A_905 = arith.index_cast %scan3A_818 : i32 to index
      %swap3A_906 = arith.constant 96 : index
      %swap3A_907 = tpu.vector_load %swap3A_904[%swap3A_905, %swap3A_906] {strides = array<i32>} : memref<128x128xf32, #tpu.memory_space<vmem>>, vector<1x16xf32>,
      %swap3A_908 = vector.shape_cast %swap3A_907 : vector<1x16xf32> to vector<16xf32>
      %swap3A_909 = vector.shape_cast %get3A_900 : vector<16xf32> to vector<1x16xf32>
      tpu.vector_store %swap3A_904[%swap3A_905, %swap3A_906], %swap3A_909 {add = true, strides = array<i32>} : memref<128x128xf32, #tpu.memory_space<vmem>>, vector<1x16xf32>,
      %get3A_910 = arith.index_cast %add3A_820 : i32 to index
      %get3A_911 = arith.constant 112 : index
      %get3A_912 = tpu.vector_load %arg7[%get3A_910, %get3A_911] {strides = array<i32>} : memref<256x128xf32, #tpu.memory_space<vmem>>, vector<1x16xf32>,
      %get3A_913 = vector.shape_cast %get3A_912 : vector<1x16xf32> to vector<16xf32>
      %swap3A_914 = arith.constant 0 : i32
      %swap3A_915 = arith.constant 0 : i32
      %swap3A_916 = tpu.memref_slice %arg8[%scan3A_281, %swap3A_914, %swap3A_915] : memref<5x128x128xf32, #tpu.memory_space<vmem>> -> memref<1x128x128xf32, #tpu.memory_space<vmem>>
      %swap3A_917 = tpu.memref_squeeze %swap3A_916 : memref<1x128x128xf32, #tpu.memory_space<vmem>> -> memref<128x128xf32, #tpu.memory_space<vmem>>
      %swap3A_918 = arith.index_cast %scan3A_818 : i32 to index
      %swap3A_919 = arith.constant 112 : index
      %swap3A_920 = tpu.vector_load %swap3A_917[%swap3A_918, %swap3A_919] {strides = array<i32>} : memref<128x128xf32, #tpu.memory_space<vmem>>, vector<1x16xf32>,
      %swap3A_921 = vector.shape_cast %swap3A_920 : vector<1x16xf32> to vector<16xf32>
      %swap3A_922 = vector.shape_cast %get3A_913 : vector<16xf32> to vector<1x16xf32>
      tpu.vector_store %swap3A_917[%swap3A_918, %swap3A_919], %swap3A_922 {add = true, strides = array<i32>} : memref<128x128xf32, #tpu.memory_space<vmem>>, vector<1x16xf32>,
    }
    %scan3A_286 = arith.constant 128 : i32
    %add3A_287 = arith.constant 8192 : i32
    %add3A_288 = arith.addi %add3A_287, %mul3A_2 : i32
    %add3A_289 = arith.constant 0 : i32
    %add3A_290 = arith.addi %add3A_288, %add3A_289 : i32
    %dma_start3A_291 = arith.constant 2 : i32
    %dma_start3A_292 = arith.constant 2 : i32
    %dma_start3A_293 = arith.constant 0 : i32
    %dma_start3A_294 = arith.constant 0 : i32
    %dma_start3A_295 = tpu.memref_slice %arg8[%dma_start3A_291, %dma_start3A_293, %dma_start3A_294] : memref<5x128x128xf32, #tpu.memory_space<vmem>> -> memref<1x128x128xf32, #tpu.memory_space<vmem>>
    %dma_start3A_296 = tpu.memref_squeeze %dma_start3A_295 : memref<1x128x128xf32, #tpu.memory_space<vmem>> -> memref<128x128xf32, #tpu.memory_space<vmem>>
    %dma_start3A_297 = arith.constant 0 : i32
    %dma_start3A_298 = tpu.memref_slice %arg5[%add3A_290, %dma_start3A_297] : memref<32768x128xf32, #tpu.memory_space<hbm>> -> memref<128x128xf32, #tpu.memory_space<hbm>>
    %dma_start3A_299 = tpu.memref_slice %arg13[%dma_start3A_292] : memref<5x!tpu.dma_semaphore, #tpu.memory_space<semaphore_mem>> -> memref<1x!tpu.dma_semaphore, #tpu.memory_space<semaphore_mem>>
    %dma_start3A_300 = tpu.memref_squeeze %dma_start3A_299 : memref<1x!tpu.dma_semaphore, #tpu.memory_space<semaphore_mem>> -> memref<!tpu.dma_semaphore, #tpu.memory_space<semaphore_mem>>
    %dma_start3A_301 = arith.constant 0 : i32
    %dma_start3A_302 = tpu.memref_slice %arg5[%add3A_290, %dma_start3A_301] : memref<32768x128xf32, #tpu.memory_space<hbm>> -> memref<128x128xf32, #tpu.memory_space<hbm>>
    %dma_start3A_303 = arith.constant 0 : i32
    %dma_start3A_304 = arith.constant 0 : i32
    %dma_start3A_305 = tpu.memref_slice %arg8[%dma_start3A_291, %dma_start3A_303, %dma_start3A_304] : memref<5x128x128xf32, #tpu.memory_space<vmem>> -> memref<1x128x128xf32, #tpu.memory_space<vmem>>
    %dma_start3A_306 = tpu.memref_squeeze %dma_start3A_305 : memref<1x128x128xf32, #tpu.memory_space<vmem>> -> memref<128x128xf32, #tpu.memory_space<vmem>>
    tpu.enqueue_dma source(%dma_start3A_306 : memref<128x128xf32, #tpu.memory_space<vmem>>) target(%dma_start3A_302 : memref<128x128xf32, #tpu.memory_space<hbm>>) target_semaphore(%dma_start3A_300 : memref<!tpu.dma_semaphore, #tpu.memory_space<semaphore_mem>>)
    %dma_wait3A_307 = arith.constant 1 : i32
    %dma_wait3A_308 = arith.constant 1 : i32
    %dma_wait3A_309 = arith.constant 0 : i32
    %dma_wait3A_310 = arith.constant 0 : i32
    %dma_wait3A_311 = tpu.memref_slice %arg8[%dma_wait3A_307, %dma_wait3A_309, %dma_wait3A_310] : memref<5x128x128xf32, #tpu.memory_space<vmem>> -> memref<1x96x128xf32, #tpu.memory_space<vmem>>
    %dma_wait3A_312 = tpu.memref_squeeze %dma_wait3A_311 : memref<1x96x128xf32, #tpu.memory_space<vmem>> -> memref<96x128xf32, #tpu.memory_space<vmem>>
    %dma_wait3A_313 = arith.constant 0 : i32
    %dma_wait3A_314 = tpu.memref_slice %arg5[%add3A_217, %dma_wait3A_313] : memref<32768x128xf32, #tpu.memory_space<hbm>> -> memref<96x128xf32, #tpu.memory_space<hbm>>
    %dma_wait3A_315 = tpu.memref_slice %arg13[%dma_wait3A_308] : memref<5x!tpu.dma_semaphore, #tpu.memory_space<semaphore_mem>> -> memref<1x!tpu.dma_semaphore, #tpu.memory_space<semaphore_mem>>
    %dma_wait3A_316 = tpu.memref_squeeze %dma_wait3A_315 : memref<1x!tpu.dma_semaphore, #tpu.memory_space<semaphore_mem>> -> memref<!tpu.dma_semaphore, #tpu.memory_space<semaphore_mem>>
    %dma_wait3A_317 = arith.constant 0 : i32
    %dma_wait3A_318 = tpu.memref_slice %arg5[%add3A_217, %dma_wait3A_317] : memref<32768x128xf32, #tpu.memory_space<hbm>> -> memref<96x128xf32, #tpu.memory_space<hbm>>
    %dma_wait3A_319 = arith.constant 0 : i32
    %dma_wait3A_320 = arith.constant 0 : i32
    %dma_wait3A_321 = tpu.memref_slice %arg8[%dma_wait3A_307, %dma_wait3A_319, %dma_wait3A_320] : memref<5x128x128xf32, #tpu.memory_space<vmem>> -> memref<1x96x128xf32, #tpu.memory_space<vmem>>
    %dma_wait3A_322 = tpu.memref_squeeze %dma_wait3A_321 : memref<1x96x128xf32, #tpu.memory_space<vmem>> -> memref<96x128xf32, #tpu.memory_space<vmem>>
    tpu.wait_dma2 semaphore(%dma_wait3A_316 : memref<!tpu.dma_semaphore, #tpu.memory_space<semaphore_mem>>) src(%dma_wait3A_322 : memref<96x128xf32, #tpu.memory_space<vmem>>) dst(%dma_wait3A_318 : memref<96x128xf32, #tpu.memory_space<hbm>>)
    %dma_start3A_323 = arith.constant 1 : i32
    %dma_start3A_324 = arith.constant 1 : i32
    %dma_start3A_325 = arith.constant 1 : i32
    %dma_start3A_326 = arith.constant 0 : i32
    %dma_start3A_327 = arith.constant 0 : i32
    %dma_start3A_328 = tpu.memref_slice %arg8[%dma_start3A_324, %dma_start3A_326, %dma_start3A_327] : memref<5x128x128xf32, #tpu.memory_space<vmem>> -> memref<1x128x128xf32, #tpu.memory_space<vmem>>
    %dma_start3A_329 = tpu.memref_squeeze %dma_start3A_328 : memref<1x128x128xf32, #tpu.memory_space<vmem>> -> memref<128x128xf32, #tpu.memory_space<vmem>>
    %dma_start3A_330 = arith.constant 128 : i32
    %dma_start3A_331 = tpu.memref_slice %arg6[%dma_start3A_323, %dma_start3A_330] : memref<4x256xi32, #tpu.memory_space<vmem>> -> memref<1x128xi32, #tpu.memory_space<vmem>>
    %dma_start3A_332 = tpu.memref_squeeze %dma_start3A_331 : memref<1x128xi32, #tpu.memory_space<vmem>> -> memref<128xi32, #tpu.memory_space<vmem>>
    %dma_start3A_333 = arith.constant 0 : i32
    %dma_start3A_334 = arith.constant 0 : i32
    %dma_start3A_335 = tpu.memref_slice %arg3[%dma_start3A_333, %dma_start3A_334] : memref<100000x128xf32, #tpu.memory_space<hbm>> -> memref<100000x128xf32, #tpu.memory_space<hbm>>
    %dma_start3A_336 = tpu.memref_slice %arg12[%dma_start3A_325] : memref<5x!tpu.dma_semaphore, #tpu.memory_space<semaphore_mem>> -> memref<1x!tpu.dma_semaphore, #tpu.memory_space<semaphore_mem>>
    %dma_start3A_337 = tpu.memref_squeeze %dma_start3A_336 : memref<1x!tpu.dma_semaphore, #tpu.memory_space<semaphore_mem>> -> memref<!tpu.dma_semaphore, #tpu.memory_space<semaphore_mem>>
    tpu.enqueue_indirect_dma source(%dma_start3A_335 : memref<100000x128xf32, #tpu.memory_space<hbm>>) target(%dma_start3A_329 : memref<128x128xf32, #tpu.memory_space<vmem>>) offsets(%dma_start3A_332 : memref<128xi32, #tpu.memory_space<vmem>>) semaphore(%dma_start3A_337 : memref<!tpu.dma_semaphore, #tpu.memory_space<semaphore_mem>>)
    %dma_wait3A_338 = arith.constant 2 : i32
    %dma_wait3A_339 = arith.constant 3 : i32
    %dma_wait3A_340 = arith.constant 3 : i32
    %dma_wait3A_341 = arith.constant 0 : i32
    %dma_wait3A_342 = arith.constant 0 : i32
    %dma_wait3A_343 = tpu.memref_slice %arg8[%dma_wait3A_339, %dma_wait3A_341, %dma_wait3A_342] : memref<5x128x128xf32, #tpu.memory_space<vmem>> -> memref<1x128x128xf32, #tpu.memory_space<vmem>>
    %dma_wait3A_344 = tpu.memref_squeeze %dma_wait3A_343 : memref<1x128x128xf32, #tpu.memory_space<vmem>> -> memref<128x128xf32, #tpu.memory_space<vmem>>
    %dma_wait3A_345 = arith.constant 0 : i32
    %dma_wait3A_346 = tpu.memref_slice %arg6[%dma_wait3A_338, %dma_wait3A_345] : memref<4x256xi32, #tpu.memory_space<vmem>> -> memref<1x128xi32, #tpu.memory_space<vmem>>
    %dma_wait3A_347 = tpu.memref_squeeze %dma_wait3A_346 : memref<1x128xi32, #tpu.memory_space<vmem>> -> memref<128xi32, #tpu.memory_space<vmem>>
    %dma_wait3A_348 = arith.constant 0 : i32
    %dma_wait3A_349 = arith.constant 0 : i32
    %dma_wait3A_350 = tpu.memref_slice %arg3[%dma_wait3A_348, %dma_wait3A_349] : memref<100000x128xf32, #tpu.memory_space<hbm>> -> memref<100000x128xf32, #tpu.memory_space<hbm>>
    %dma_wait3A_351 = tpu.memref_slice %arg12[%dma_wait3A_340] : memref<5x!tpu.dma_semaphore, #tpu.memory_space<semaphore_mem>> -> memref<1x!tpu.dma_semaphore, #tpu.memory_space<semaphore_mem>>
    %dma_wait3A_352 = tpu.memref_squeeze %dma_wait3A_351 : memref<1x!tpu.dma_semaphore, #tpu.memory_space<semaphore_mem>> -> memref<!tpu.dma_semaphore, #tpu.memory_space<semaphore_mem>>
    tpu.wait_indirect_dma semaphore(%dma_wait3A_352 : memref<!tpu.dma_semaphore, #tpu.memory_space<semaphore_mem>>) src(%dma_wait3A_350 : memref<100000x128xf32, #tpu.memory_space<hbm>>) dst(%dma_wait3A_344 : memref<128x128xf32, #tpu.memory_space<vmem>>)
    %scan3A_353 = arith.constant 0 : i32
    %scan3A_354 = arith.constant 3 : i32
    %scan3A_355 = arith.constant 0 : i32
    %scan3A_356 = arith.constant 128 : i32
    %scan3A_357 = arith.addi %scan3A_355, %scan3A_356 : i32
    %scan3A_358 = arith.constant 1 : i32
    scf.for %scan3A_818 = %scan3A_355 to %scan3A_357 step %scan3A_358  : i32 {
      %add3A_819 = arith.constant 0 : i32
      %add3A_820 = arith.addi %add3A_819, %scan3A_818 : i32
      %get3A = arith.index_cast %add3A_820 : i32 to index
      %get3A_821 = arith.constant 0 : index
      %get3A_822 = tpu.vector_load %arg7[%get3A, %get3A_821] {strides = array<i32>} : memref<256x128xf32, #tpu.memory_space<vmem>>, vector<1x16xf32>,
      %get3A_823 = vector.shape_cast %get3A_822 : vector<1x16xf32> to vector<16xf32>
      %swap3A = arith.constant 0 : i32
      %swap3A_824 = arith.constant 0 : i32
      %swap3A_825 = tpu.memref_slice %arg8[%scan3A_354, %swap3A, %swap3A_824] : memref<5x128x128xf32, #tpu.memory_space<vmem>> -> memref<1x128x128xf32, #tpu.memory_space<vmem>>
      %swap3A_826 = tpu.memref_squeeze %swap3A_825 : memref<1x128x128xf32, #tpu.memory_space<vmem>> -> memref<128x128xf32, #tpu.memory_space<vmem>>
      %swap3A_827 = arith.index_cast %scan3A_818 : i32 to index
      %swap3A_828 = arith.constant 0 : index
      %swap3A_829 = tpu.vector_load %swap3A_826[%swap3A_827, %swap3A_828] {strides = array<i32>} : memref<128x128xf32, #tpu.memory_space<vmem>>, vector<1x16xf32>,
      %swap3A_830 = vector.shape_cast %swap3A_829 : vector<1x16xf32> to vector<16xf32>
      %swap3A_831 = vector.shape_cast %get3A_823 : vector<16xf32> to vector<1x16xf32>
      tpu.vector_store %swap3A_826[%swap3A_827, %swap3A_828], %swap3A_831 {add = true, strides = array<i32>} : memref<128x128xf32, #tpu.memory_space<vmem>>, vector<1x16xf32>,
      %get3A_832 = arith.index_cast %add3A_820 : i32 to index
      %get3A_833 = arith.constant 16 : index
      %get3A_834 = tpu.vector_load %arg7[%get3A_832, %get3A_833] {strides = array<i32>} : memref<256x128xf32, #tpu.memory_space<vmem>>, vector<1x16xf32>,
      %get3A_835 = vector.shape_cast %get3A_834 : vector<1x16xf32> to vector<16xf32>
      %swap3A_836 = arith.constant 0 : i32
      %swap3A_837 = arith.constant 0 : i32
      %swap3A_838 = tpu.memref_slice %arg8[%scan3A_354, %swap3A_836, %swap3A_837] : memref<5x128x128xf32, #tpu.memory_space<vmem>> -> memref<1x128x128xf32, #tpu.memory_space<vmem>>
      %swap3A_839 = tpu.memref_squeeze %swap3A_838 : memref<1x128x128xf32, #tpu.memory_space<vmem>> -> memref<128x128xf32, #tpu.memory_space<vmem>>
      %swap3A_840 = arith.index_cast %scan3A_818 : i32 to index
      %swap3A_841 = arith.constant 16 : index
      %swap3A_842 = tpu.vector_load %swap3A_839[%swap3A_840, %swap3A_841] {strides = array<i32>} : memref<128x128xf32, #tpu.memory_space<vmem>>, vector<1x16xf32>,
      %swap3A_843 = vector.shape_cast %swap3A_842 : vector<1x16xf32> to vector<16xf32>
      %swap3A_844 = vector.shape_cast %get3A_835 : vector<16xf32> to vector<1x16xf32>
      tpu.vector_store %swap3A_839[%swap3A_840, %swap3A_841], %swap3A_844 {add = true, strides = array<i32>} : memref<128x128xf32, #tpu.memory_space<vmem>>, vector<1x16xf32>,
      %get3A_845 = arith.index_cast %add3A_820 : i32 to index
      %get3A_846 = arith.constant 32 : index
      %get3A_847 = tpu.vector_load %arg7[%get3A_845, %get3A_846] {strides = array<i32>} : memref<256x128xf32, #tpu.memory_space<vmem>>, vector<1x16xf32>,
      %get3A_848 = vector.shape_cast %get3A_847 : vector<1x16xf32> to vector<16xf32>
      %swap3A_849 = arith.constant 0 : i32
      %swap3A_850 = arith.constant 0 : i32
      %swap3A_851 = tpu.memref_slice %arg8[%scan3A_354, %swap3A_849, %swap3A_850] : memref<5x128x128xf32, #tpu.memory_space<vmem>> -> memref<1x128x128xf32, #tpu.memory_space<vmem>>
      %swap3A_852 = tpu.memref_squeeze %swap3A_851 : memref<1x128x128xf32, #tpu.memory_space<vmem>> -> memref<128x128xf32, #tpu.memory_space<vmem>>
      %swap3A_853 = arith.index_cast %scan3A_818 : i32 to index
      %swap3A_854 = arith.constant 32 : index
      %swap3A_855 = tpu.vector_load %swap3A_852[%swap3A_853, %swap3A_854] {strides = array<i32>} : memref<128x128xf32, #tpu.memory_space<vmem>>, vector<1x16xf32>,
      %swap3A_856 = vector.shape_cast %swap3A_855 : vector<1x16xf32> to vector<16xf32>
      %swap3A_857 = vector.shape_cast %get3A_848 : vector<16xf32> to vector<1x16xf32>
      tpu.vector_store %swap3A_852[%swap3A_853, %swap3A_854], %swap3A_857 {add = true, strides = array<i32>} : memref<128x128xf32, #tpu.memory_space<vmem>>, vector<1x16xf32>,
      %get3A_858 = arith.index_cast %add3A_820 : i32 to index
      %get3A_859 = arith.constant 48 : index
      %get3A_860 = tpu.vector_load %arg7[%get3A_858, %get3A_859] {strides = array<i32>} : memref<256x128xf32, #tpu.memory_space<vmem>>, vector<1x16xf32>,
      %get3A_861 = vector.shape_cast %get3A_860 : vector<1x16xf32> to vector<16xf32>
      %swap3A_862 = arith.constant 0 : i32
      %swap3A_863 = arith.constant 0 : i32
      %swap3A_864 = tpu.memref_slice %arg8[%scan3A_354, %swap3A_862, %swap3A_863] : memref<5x128x128xf32, #tpu.memory_space<vmem>> -> memref<1x128x128xf32, #tpu.memory_space<vmem>>
      %swap3A_865 = tpu.memref_squeeze %swap3A_864 : memref<1x128x128xf32, #tpu.memory_space<vmem>> -> memref<128x128xf32, #tpu.memory_space<vmem>>
      %swap3A_866 = arith.index_cast %scan3A_818 : i32 to index
      %swap3A_867 = arith.constant 48 : index
      %swap3A_868 = tpu.vector_load %swap3A_865[%swap3A_866, %swap3A_867] {strides = array<i32>} : memref<128x128xf32, #tpu.memory_space<vmem>>, vector<1x16xf32>,
      %swap3A_869 = vector.shape_cast %swap3A_868 : vector<1x16xf32> to vector<16xf32>
      %swap3A_870 = vector.shape_cast %get3A_861 : vector<16xf32> to vector<1x16xf32>
      tpu.vector_store %swap3A_865[%swap3A_866, %swap3A_867], %swap3A_870 {add = true, strides = array<i32>} : memref<128x128xf32, #tpu.memory_space<vmem>>, vector<1x16xf32>,
      %get3A_871 = arith.index_cast %add3A_820 : i32 to index
      %get3A_872 = arith.constant 64 : index
      %get3A_873 = tpu.vector_load %arg7[%get3A_871, %get3A_872] {strides = array<i32>} : memref<256x128xf32, #tpu.memory_space<vmem>>, vector<1x16xf32>,
      %get3A_874 = vector.shape_cast %get3A_873 : vector<1x16xf32> to vector<16xf32>
      %swap3A_875 = arith.constant 0 : i32
      %swap3A_876 = arith.constant 0 : i32
      %swap3A_877 = tpu.memref_slice %arg8[%scan3A_354, %swap3A_875, %swap3A_876] : memref<5x128x128xf32, #tpu.memory_space<vmem>> -> memref<1x128x128xf32, #tpu.memory_space<vmem>>
      %swap3A_878 = tpu.memref_squeeze %swap3A_877 : memref<1x128x128xf32, #tpu.memory_space<vmem>> -> memref<128x128xf32, #tpu.memory_space<vmem>>
      %swap3A_879 = arith.index_cast %scan3A_818 : i32 to index
      %swap3A_880 = arith.constant 64 : index
      %swap3A_881 = tpu.vector_load %swap3A_878[%swap3A_879, %swap3A_880] {strides = array<i32>} : memref<128x128xf32, #tpu.memory_space<vmem>>, vector<1x16xf32>,
      %swap3A_882 = vector.shape_cast %swap3A_881 : vector<1x16xf32> to vector<16xf32>
      %swap3A_883 = vector.shape_cast %get3A_874 : vector<16xf32> to vector<1x16xf32>
      tpu.vector_store %swap3A_878[%swap3A_879, %swap3A_880], %swap3A_883 {add = true, strides = array<i32>} : memref<128x128xf32, #tpu.memory_space<vmem>>, vector<1x16xf32>,
      %get3A_884 = arith.index_cast %add3A_820 : i32 to index
      %get3A_885 = arith.constant 80 : index
      %get3A_886 = tpu.vector_load %arg7[%get3A_884, %get3A_885] {strides = array<i32>} : memref<256x128xf32, #tpu.memory_space<vmem>>, vector<1x16xf32>,
      %get3A_887 = vector.shape_cast %get3A_886 : vector<1x16xf32> to vector<16xf32>
      %swap3A_888 = arith.constant 0 : i32
      %swap3A_889 = arith.constant 0 : i32
      %swap3A_890 = tpu.memref_slice %arg8[%scan3A_354, %swap3A_888, %swap3A_889] : memref<5x128x128xf32, #tpu.memory_space<vmem>> -> memref<1x128x128xf32, #tpu.memory_space<vmem>>
      %swap3A_891 = tpu.memref_squeeze %swap3A_890 : memref<1x128x128xf32, #tpu.memory_space<vmem>> -> memref<128x128xf32, #tpu.memory_space<vmem>>
      %swap3A_892 = arith.index_cast %scan3A_818 : i32 to index
      %swap3A_893 = arith.constant 80 : index
      %swap3A_894 = tpu.vector_load %swap3A_891[%swap3A_892, %swap3A_893] {strides = array<i32>} : memref<128x128xf32, #tpu.memory_space<vmem>>, vector<1x16xf32>,
      %swap3A_895 = vector.shape_cast %swap3A_894 : vector<1x16xf32> to vector<16xf32>
      %swap3A_896 = vector.shape_cast %get3A_887 : vector<16xf32> to vector<1x16xf32>
      tpu.vector_store %swap3A_891[%swap3A_892, %swap3A_893], %swap3A_896 {add = true, strides = array<i32>} : memref<128x128xf32, #tpu.memory_space<vmem>>, vector<1x16xf32>,
      %get3A_897 = arith.index_cast %add3A_820 : i32 to index
      %get3A_898 = arith.constant 96 : index
      %get3A_899 = tpu.vector_load %arg7[%get3A_897, %get3A_898] {strides = array<i32>} : memref<256x128xf32, #tpu.memory_space<vmem>>, vector<1x16xf32>,
      %get3A_900 = vector.shape_cast %get3A_899 : vector<1x16xf32> to vector<16xf32>
      %swap3A_901 = arith.constant 0 : i32
      %swap3A_902 = arith.constant 0 : i32
      %swap3A_903 = tpu.memref_slice %arg8[%scan3A_354, %swap3A_901, %swap3A_902] : memref<5x128x128xf32, #tpu.memory_space<vmem>> -> memref<1x128x128xf32, #tpu.memory_space<vmem>>
      %swap3A_904 = tpu.memref_squeeze %swap3A_903 : memref<1x128x128xf32, #tpu.memory_space<vmem>> -> memref<128x128xf32, #tpu.memory_space<vmem>>
      %swap3A_905 = arith.index_cast %scan3A_818 : i32 to index
      %swap3A_906 = arith.constant 96 : index
      %swap3A_907 = tpu.vector_load %swap3A_904[%swap3A_905, %swap3A_906] {strides = array<i32>} : memref<128x128xf32, #tpu.memory_space<vmem>>, vector<1x16xf32>,
      %swap3A_908 = vector.shape_cast %swap3A_907 : vector<1x16xf32> to vector<16xf32>
      %swap3A_909 = vector.shape_cast %get3A_900 : vector<16xf32> to vector<1x16xf32>
      tpu.vector_store %swap3A_904[%swap3A_905, %swap3A_906], %swap3A_909 {add = true, strides = array<i32>} : memref<128x128xf32, #tpu.memory_space<vmem>>, vector<1x16xf32>,
      %get3A_910 = arith.index_cast %add3A_820 : i32 to index
      %get3A_911 = arith.constant 112 : index
      %get3A_912 = tpu.vector_load %arg7[%get3A_910, %get3A_911] {strides = array<i32>} : memref<256x128xf32, #tpu.memory_space<vmem>>, vector<1x16xf32>,
      %get3A_913 = vector.shape_cast %get3A_912 : vector<1x16xf32> to vector<16xf32>
      %swap3A_914 = arith.constant 0 : i32
      %swap3A_915 = arith.constant 0 : i32
      %swap3A_916 = tpu.memref_slice %arg8[%scan3A_354, %swap3A_914, %swap3A_915] : memref<5x128x128xf32, #tpu.memory_space<vmem>> -> memref<1x128x128xf32, #tpu.memory_space<vmem>>
      %swap3A_917 = tpu.memref_squeeze %swap3A_916 : memref<1x128x128xf32, #tpu.memory_space<vmem>> -> memref<128x128xf32, #tpu.memory_space<vmem>>
      %swap3A_918 = arith.index_cast %scan3A_818 : i32 to index
      %swap3A_919 = arith.constant 112 : index
      %swap3A_920 = tpu.vector_load %swap3A_917[%swap3A_918, %swap3A_919] {strides = array<i32>} : memref<128x128xf32, #tpu.memory_space<vmem>>, vector<1x16xf32>,
      %swap3A_921 = vector.shape_cast %swap3A_920 : vector<1x16xf32> to vector<16xf32>
      %swap3A_922 = vector.shape_cast %get3A_913 : vector<16xf32> to vector<1x16xf32>
      tpu.vector_store %swap3A_917[%swap3A_918, %swap3A_919], %swap3A_922 {add = true, strides = array<i32>} : memref<128x128xf32, #tpu.memory_space<vmem>>, vector<1x16xf32>,
    }
    %scan3A_359 = arith.constant 128 : i32
    %add3A_360 = arith.constant 16384 : i32
    %add3A_361 = arith.addi %add3A_360, %mul3A_2 : i32
    %add3A_362 = arith.constant 0 : i32
    %add3A_363 = arith.addi %add3A_361, %add3A_362 : i32
    %dma_start3A_364 = arith.constant 3 : i32
    %dma_start3A_365 = arith.constant 3 : i32
    %dma_start3A_366 = arith.constant 0 : i32
    %dma_start3A_367 = arith.constant 0 : i32
    %dma_start3A_368 = tpu.memref_slice %arg8[%dma_start3A_364, %dma_start3A_366, %dma_start3A_367] : memref<5x128x128xf32, #tpu.memory_space<vmem>> -> memref<1x128x128xf32, #tpu.memory_space<vmem>>
    %dma_start3A_369 = tpu.memref_squeeze %dma_start3A_368 : memref<1x128x128xf32, #tpu.memory_space<vmem>> -> memref<128x128xf32, #tpu.memory_space<vmem>>
    %dma_start3A_370 = arith.constant 0 : i32
    %dma_start3A_371 = tpu.memref_slice %arg5[%add3A_363, %dma_start3A_370] : memref<32768x128xf32, #tpu.memory_space<hbm>> -> memref<128x128xf32, #tpu.memory_space<hbm>>
    %dma_start3A_372 = tpu.memref_slice %arg13[%dma_start3A_365] : memref<5x!tpu.dma_semaphore, #tpu.memory_space<semaphore_mem>> -> memref<1x!tpu.dma_semaphore, #tpu.memory_space<semaphore_mem>>
    %dma_start3A_373 = tpu.memref_squeeze %dma_start3A_372 : memref<1x!tpu.dma_semaphore, #tpu.memory_space<semaphore_mem>> -> memref<!tpu.dma_semaphore, #tpu.memory_space<semaphore_mem>>
    %dma_start3A_374 = arith.constant 0 : i32
    %dma_start3A_375 = tpu.memref_slice %arg5[%add3A_363, %dma_start3A_374] : memref<32768x128xf32, #tpu.memory_space<hbm>> -> memref<128x128xf32, #tpu.memory_space<hbm>>
    %dma_start3A_376 = arith.constant 0 : i32
    %dma_start3A_377 = arith.constant 0 : i32
    %dma_start3A_378 = tpu.memref_slice %arg8[%dma_start3A_364, %dma_start3A_376, %dma_start3A_377] : memref<5x128x128xf32, #tpu.memory_space<vmem>> -> memref<1x128x128xf32, #tpu.memory_space<vmem>>
    %dma_start3A_379 = tpu.memref_squeeze %dma_start3A_378 : memref<1x128x128xf32, #tpu.memory_space<vmem>> -> memref<128x128xf32, #tpu.memory_space<vmem>>
    tpu.enqueue_dma source(%dma_start3A_379 : memref<128x128xf32, #tpu.memory_space<vmem>>) target(%dma_start3A_375 : memref<128x128xf32, #tpu.memory_space<hbm>>) target_semaphore(%dma_start3A_373 : memref<!tpu.dma_semaphore, #tpu.memory_space<semaphore_mem>>)
    %dma_wait3A_380 = arith.constant 2 : i32
    %dma_wait3A_381 = arith.constant 2 : i32
    %dma_wait3A_382 = arith.constant 0 : i32
    %dma_wait3A_383 = arith.constant 0 : i32
    %dma_wait3A_384 = tpu.memref_slice %arg8[%dma_wait3A_380, %dma_wait3A_382, %dma_wait3A_383] : memref<5x128x128xf32, #tpu.memory_space<vmem>> -> memref<1x128x128xf32, #tpu.memory_space<vmem>>
    %dma_wait3A_385 = tpu.memref_squeeze %dma_wait3A_384 : memref<1x128x128xf32, #tpu.memory_space<vmem>> -> memref<128x128xf32, #tpu.memory_space<vmem>>
    %dma_wait3A_386 = arith.constant 0 : i32
    %dma_wait3A_387 = tpu.memref_slice %arg5[%add3A_290, %dma_wait3A_386] : memref<32768x128xf32, #tpu.memory_space<hbm>> -> memref<128x128xf32, #tpu.memory_space<hbm>>
    %dma_wait3A_388 = tpu.memref_slice %arg13[%dma_wait3A_381] : memref<5x!tpu.dma_semaphore, #tpu.memory_space<semaphore_mem>> -> memref<1x!tpu.dma_semaphore, #tpu.memory_space<semaphore_mem>>
    %dma_wait3A_389 = tpu.memref_squeeze %dma_wait3A_388 : memref<1x!tpu.dma_semaphore, #tpu.memory_space<semaphore_mem>> -> memref<!tpu.dma_semaphore, #tpu.memory_space<semaphore_mem>>
    %dma_wait3A_390 = arith.constant 0 : i32
    %dma_wait3A_391 = tpu.memref_slice %arg5[%add3A_290, %dma_wait3A_390] : memref<32768x128xf32, #tpu.memory_space<hbm>> -> memref<128x128xf32, #tpu.memory_space<hbm>>
    %dma_wait3A_392 = arith.constant 0 : i32
    %dma_wait3A_393 = arith.constant 0 : i32
    %dma_wait3A_394 = tpu.memref_slice %arg8[%dma_wait3A_380, %dma_wait3A_392, %dma_wait3A_393] : memref<5x128x128xf32, #tpu.memory_space<vmem>> -> memref<1x128x128xf32, #tpu.memory_space<vmem>>
    %dma_wait3A_395 = tpu.memref_squeeze %dma_wait3A_394 : memref<1x128x128xf32, #tpu.memory_space<vmem>> -> memref<128x128xf32, #tpu.memory_space<vmem>>
    tpu.wait_dma2 semaphore(%dma_wait3A_389 : memref<!tpu.dma_semaphore, #tpu.memory_space<semaphore_mem>>) src(%dma_wait3A_395 : memref<128x128xf32, #tpu.memory_space<vmem>>) dst(%dma_wait3A_391 : memref<128x128xf32, #tpu.memory_space<hbm>>)
    %dma_start3A_396 = arith.constant 2 : i32
    %dma_start3A_397 = arith.constant 2 : i32
    %dma_start3A_398 = arith.constant 2 : i32
    %dma_start3A_399 = arith.constant 0 : i32
    %dma_start3A_400 = arith.constant 0 : i32
    %dma_start3A_401 = tpu.memref_slice %arg8[%dma_start3A_397, %dma_start3A_399, %dma_start3A_400] : memref<5x128x128xf32, #tpu.memory_space<vmem>> -> memref<1x128x128xf32, #tpu.memory_space<vmem>>
    %dma_start3A_402 = tpu.memref_squeeze %dma_start3A_401 : memref<1x128x128xf32, #tpu.memory_space<vmem>> -> memref<128x128xf32, #tpu.memory_space<vmem>>
    %dma_start3A_403 = arith.constant 128 : i32
    %dma_start3A_404 = tpu.memref_slice %arg6[%dma_start3A_396, %dma_start3A_403] : memref<4x256xi32, #tpu.memory_space<vmem>> -> memref<1x128xi32, #tpu.memory_space<vmem>>
    %dma_start3A_405 = tpu.memref_squeeze %dma_start3A_404 : memref<1x128xi32, #tpu.memory_space<vmem>> -> memref<128xi32, #tpu.memory_space<vmem>>
    %dma_start3A_406 = arith.constant 0 : i32
    %dma_start3A_407 = arith.constant 0 : i32
    %dma_start3A_408 = tpu.memref_slice %arg3[%dma_start3A_406, %dma_start3A_407] : memref<100000x128xf32, #tpu.memory_space<hbm>> -> memref<100000x128xf32, #tpu.memory_space<hbm>>
    %dma_start3A_409 = tpu.memref_slice %arg12[%dma_start3A_398] : memref<5x!tpu.dma_semaphore, #tpu.memory_space<semaphore_mem>> -> memref<1x!tpu.dma_semaphore, #tpu.memory_space<semaphore_mem>>
    %dma_start3A_410 = tpu.memref_squeeze %dma_start3A_409 : memref<1x!tpu.dma_semaphore, #tpu.memory_space<semaphore_mem>> -> memref<!tpu.dma_semaphore, #tpu.memory_space<semaphore_mem>>
    tpu.enqueue_indirect_dma source(%dma_start3A_408 : memref<100000x128xf32, #tpu.memory_space<hbm>>) target(%dma_start3A_402 : memref<128x128xf32, #tpu.memory_space<vmem>>) offsets(%dma_start3A_405 : memref<128xi32, #tpu.memory_space<vmem>>) semaphore(%dma_start3A_410 : memref<!tpu.dma_semaphore, #tpu.memory_space<semaphore_mem>>)
    %dma_wait3A_411 = arith.constant 3 : i32
    %dma_wait3A_412 = arith.constant 4 : i32
    %dma_wait3A_413 = arith.constant 4 : i32
    %dma_wait3A_414 = arith.constant 0 : i32
    %dma_wait3A_415 = arith.constant 0 : i32
    %dma_wait3A_416 = tpu.memref_slice %arg8[%dma_wait3A_412, %dma_wait3A_414, %dma_wait3A_415] : memref<5x128x128xf32, #tpu.memory_space<vmem>> -> memref<1x128x128xf32, #tpu.memory_space<vmem>>
    %dma_wait3A_417 = tpu.memref_squeeze %dma_wait3A_416 : memref<1x128x128xf32, #tpu.memory_space<vmem>> -> memref<128x128xf32, #tpu.memory_space<vmem>>
    %dma_wait3A_418 = arith.constant 0 : i32
    %dma_wait3A_419 = tpu.memref_slice %arg6[%dma_wait3A_411, %dma_wait3A_418] : memref<4x256xi32, #tpu.memory_space<vmem>> -> memref<1x128xi32, #tpu.memory_space<vmem>>
    %dma_wait3A_420 = tpu.memref_squeeze %dma_wait3A_419 : memref<1x128xi32, #tpu.memory_space<vmem>> -> memref<128xi32, #tpu.memory_space<vmem>>
    %dma_wait3A_421 = arith.constant 0 : i32
    %dma_wait3A_422 = arith.constant 0 : i32
    %dma_wait3A_423 = tpu.memref_slice %arg3[%dma_wait3A_421, %dma_wait3A_422] : memref<100000x128xf32, #tpu.memory_space<hbm>> -> memref<100000x128xf32, #tpu.memory_space<hbm>>
    %dma_wait3A_424 = tpu.memref_slice %arg12[%dma_wait3A_413] : memref<5x!tpu.dma_semaphore, #tpu.memory_space<semaphore_mem>> -> memref<1x!tpu.dma_semaphore, #tpu.memory_space<semaphore_mem>>
    %dma_wait3A_425 = tpu.memref_squeeze %dma_wait3A_424 : memref<1x!tpu.dma_semaphore, #tpu.memory_space<semaphore_mem>> -> memref<!tpu.dma_semaphore, #tpu.memory_space<semaphore_mem>>
    tpu.wait_indirect_dma semaphore(%dma_wait3A_425 : memref<!tpu.dma_semaphore, #tpu.memory_space<semaphore_mem>>) src(%dma_wait3A_423 : memref<100000x128xf32, #tpu.memory_space<hbm>>) dst(%dma_wait3A_417 : memref<128x128xf32, #tpu.memory_space<vmem>>)
    %scan3A_426 = arith.constant 0 : i32
    %scan3A_427 = arith.constant 4 : i32
    %scan3A_428 = arith.constant 0 : i32
    %scan3A_429 = arith.constant 128 : i32
    %scan3A_430 = arith.addi %scan3A_428, %scan3A_429 : i32
    %scan3A_431 = arith.constant 1 : i32
    scf.for %scan3A_818 = %scan3A_428 to %scan3A_430 step %scan3A_431  : i32 {
      %add3A_819 = arith.constant 0 : i32
      %add3A_820 = arith.addi %add3A_819, %scan3A_818 : i32
      %get3A = arith.index_cast %add3A_820 : i32 to index
      %get3A_821 = arith.constant 0 : index
      %get3A_822 = tpu.vector_load %arg7[%get3A, %get3A_821] {strides = array<i32>} : memref<256x128xf32, #tpu.memory_space<vmem>>, vector<1x16xf32>,
      %get3A_823 = vector.shape_cast %get3A_822 : vector<1x16xf32> to vector<16xf32>
      %swap3A = arith.constant 0 : i32
      %swap3A_824 = arith.constant 0 : i32
      %swap3A_825 = tpu.memref_slice %arg8[%scan3A_427, %swap3A, %swap3A_824] : memref<5x128x128xf32, #tpu.memory_space<vmem>> -> memref<1x128x128xf32, #tpu.memory_space<vmem>>
      %swap3A_826 = tpu.memref_squeeze %swap3A_825 : memref<1x128x128xf32, #tpu.memory_space<vmem>> -> memref<128x128xf32, #tpu.memory_space<vmem>>
      %swap3A_827 = arith.index_cast %scan3A_818 : i32 to index
      %swap3A_828 = arith.constant 0 : index
      %swap3A_829 = tpu.vector_load %swap3A_826[%swap3A_827, %swap3A_828] {strides = array<i32>} : memref<128x128xf32, #tpu.memory_space<vmem>>, vector<1x16xf32>,
      %swap3A_830 = vector.shape_cast %swap3A_829 : vector<1x16xf32> to vector<16xf32>
      %swap3A_831 = vector.shape_cast %get3A_823 : vector<16xf32> to vector<1x16xf32>
      tpu.vector_store %swap3A_826[%swap3A_827, %swap3A_828], %swap3A_831 {add = true, strides = array<i32>} : memref<128x128xf32, #tpu.memory_space<vmem>>, vector<1x16xf32>,
      %get3A_832 = arith.index_cast %add3A_820 : i32 to index
      %get3A_833 = arith.constant 16 : index
      %get3A_834 = tpu.vector_load %arg7[%get3A_832, %get3A_833] {strides = array<i32>} : memref<256x128xf32, #tpu.memory_space<vmem>>, vector<1x16xf32>,
      %get3A_835 = vector.shape_cast %get3A_834 : vector<1x16xf32> to vector<16xf32>
      %swap3A_836 = arith.constant 0 : i32
      %swap3A_837 = arith.constant 0 : i32
      %swap3A_838 = tpu.memref_slice %arg8[%scan3A_427, %swap3A_836, %swap3A_837] : memref<5x128x128xf32, #tpu.memory_space<vmem>> -> memref<1x128x128xf32, #tpu.memory_space<vmem>>
      %swap3A_839 = tpu.memref_squeeze %swap3A_838 : memref<1x128x128xf32, #tpu.memory_space<vmem>> -> memref<128x128xf32, #tpu.memory_space<vmem>>
      %swap3A_840 = arith.index_cast %scan3A_818 : i32 to index
      %swap3A_841 = arith.constant 16 : index
      %swap3A_842 = tpu.vector_load %swap3A_839[%swap3A_840, %swap3A_841] {strides = array<i32>} : memref<128x128xf32, #tpu.memory_space<vmem>>, vector<1x16xf32>,
      %swap3A_843 = vector.shape_cast %swap3A_842 : vector<1x16xf32> to vector<16xf32>
      %swap3A_844 = vector.shape_cast %get3A_835 : vector<16xf32> to vector<1x16xf32>
      tpu.vector_store %swap3A_839[%swap3A_840, %swap3A_841], %swap3A_844 {add = true, strides = array<i32>} : memref<128x128xf32, #tpu.memory_space<vmem>>, vector<1x16xf32>,
      %get3A_845 = arith.index_cast %add3A_820 : i32 to index
      %get3A_846 = arith.constant 32 : index
      %get3A_847 = tpu.vector_load %arg7[%get3A_845, %get3A_846] {strides = array<i32>} : memref<256x128xf32, #tpu.memory_space<vmem>>, vector<1x16xf32>,
      %get3A_848 = vector.shape_cast %get3A_847 : vector<1x16xf32> to vector<16xf32>
      %swap3A_849 = arith.constant 0 : i32
      %swap3A_850 = arith.constant 0 : i32
      %swap3A_851 = tpu.memref_slice %arg8[%scan3A_427, %swap3A_849, %swap3A_850] : memref<5x128x128xf32, #tpu.memory_space<vmem>> -> memref<1x128x128xf32, #tpu.memory_space<vmem>>
      %swap3A_852 = tpu.memref_squeeze %swap3A_851 : memref<1x128x128xf32, #tpu.memory_space<vmem>> -> memref<128x128xf32, #tpu.memory_space<vmem>>
      %swap3A_853 = arith.index_cast %scan3A_818 : i32 to index
      %swap3A_854 = arith.constant 32 : index
      %swap3A_855 = tpu.vector_load %swap3A_852[%swap3A_853, %swap3A_854] {strides = array<i32>} : memref<128x128xf32, #tpu.memory_space<vmem>>, vector<1x16xf32>,
      %swap3A_856 = vector.shape_cast %swap3A_855 : vector<1x16xf32> to vector<16xf32>
      %swap3A_857 = vector.shape_cast %get3A_848 : vector<16xf32> to vector<1x16xf32>
      tpu.vector_store %swap3A_852[%swap3A_853, %swap3A_854], %swap3A_857 {add = true, strides = array<i32>} : memref<128x128xf32, #tpu.memory_space<vmem>>, vector<1x16xf32>,
      %get3A_858 = arith.index_cast %add3A_820 : i32 to index
      %get3A_859 = arith.constant 48 : index
      %get3A_860 = tpu.vector_load %arg7[%get3A_858, %get3A_859] {strides = array<i32>} : memref<256x128xf32, #tpu.memory_space<vmem>>, vector<1x16xf32>,
      %get3A_861 = vector.shape_cast %get3A_860 : vector<1x16xf32> to vector<16xf32>
      %swap3A_862 = arith.constant 0 : i32
      %swap3A_863 = arith.constant 0 : i32
      %swap3A_864 = tpu.memref_slice %arg8[%scan3A_427, %swap3A_862, %swap3A_863] : memref<5x128x128xf32, #tpu.memory_space<vmem>> -> memref<1x128x128xf32, #tpu.memory_space<vmem>>
      %swap3A_865 = tpu.memref_squeeze %swap3A_864 : memref<1x128x128xf32, #tpu.memory_space<vmem>> -> memref<128x128xf32, #tpu.memory_space<vmem>>
      %swap3A_866 = arith.index_cast %scan3A_818 : i32 to index
      %swap3A_867 = arith.constant 48 : index
      %swap3A_868 = tpu.vector_load %swap3A_865[%swap3A_866, %swap3A_867] {strides = array<i32>} : memref<128x128xf32, #tpu.memory_space<vmem>>, vector<1x16xf32>,
      %swap3A_869 = vector.shape_cast %swap3A_868 : vector<1x16xf32> to vector<16xf32>
      %swap3A_870 = vector.shape_cast %get3A_861 : vector<16xf32> to vector<1x16xf32>
      tpu.vector_store %swap3A_865[%swap3A_866, %swap3A_867], %swap3A_870 {add = true, strides = array<i32>} : memref<128x128xf32, #tpu.memory_space<vmem>>, vector<1x16xf32>,
      %get3A_871 = arith.index_cast %add3A_820 : i32 to index
      %get3A_872 = arith.constant 64 : index
      %get3A_873 = tpu.vector_load %arg7[%get3A_871, %get3A_872] {strides = array<i32>} : memref<256x128xf32, #tpu.memory_space<vmem>>, vector<1x16xf32>,
      %get3A_874 = vector.shape_cast %get3A_873 : vector<1x16xf32> to vector<16xf32>
      %swap3A_875 = arith.constant 0 : i32
      %swap3A_876 = arith.constant 0 : i32
      %swap3A_877 = tpu.memref_slice %arg8[%scan3A_427, %swap3A_875, %swap3A_876] : memref<5x128x128xf32, #tpu.memory_space<vmem>> -> memref<1x128x128xf32, #tpu.memory_space<vmem>>
      %swap3A_878 = tpu.memref_squeeze %swap3A_877 : memref<1x128x128xf32, #tpu.memory_space<vmem>> -> memref<128x128xf32, #tpu.memory_space<vmem>>
      %swap3A_879 = arith.index_cast %scan3A_818 : i32 to index
      %swap3A_880 = arith.constant 64 : index
      %swap3A_881 = tpu.vector_load %swap3A_878[%swap3A_879, %swap3A_880] {strides = array<i32>} : memref<128x128xf32, #tpu.memory_space<vmem>>, vector<1x16xf32>,
      %swap3A_882 = vector.shape_cast %swap3A_881 : vector<1x16xf32> to vector<16xf32>
      %swap3A_883 = vector.shape_cast %get3A_874 : vector<16xf32> to vector<1x16xf32>
      tpu.vector_store %swap3A_878[%swap3A_879, %swap3A_880], %swap3A_883 {add = true, strides = array<i32>} : memref<128x128xf32, #tpu.memory_space<vmem>>, vector<1x16xf32>,
      %get3A_884 = arith.index_cast %add3A_820 : i32 to index
      %get3A_885 = arith.constant 80 : index
      %get3A_886 = tpu.vector_load %arg7[%get3A_884, %get3A_885] {strides = array<i32>} : memref<256x128xf32, #tpu.memory_space<vmem>>, vector<1x16xf32>,
      %get3A_887 = vector.shape_cast %get3A_886 : vector<1x16xf32> to vector<16xf32>
      %swap3A_888 = arith.constant 0 : i32
      %swap3A_889 = arith.constant 0 : i32
      %swap3A_890 = tpu.memref_slice %arg8[%scan3A_427, %swap3A_888, %swap3A_889] : memref<5x128x128xf32, #tpu.memory_space<vmem>> -> memref<1x128x128xf32, #tpu.memory_space<vmem>>
      %swap3A_891 = tpu.memref_squeeze %swap3A_890 : memref<1x128x128xf32, #tpu.memory_space<vmem>> -> memref<128x128xf32, #tpu.memory_space<vmem>>
      %swap3A_892 = arith.index_cast %scan3A_818 : i32 to index
      %swap3A_893 = arith.constant 80 : index
      %swap3A_894 = tpu.vector_load %swap3A_891[%swap3A_892, %swap3A_893] {strides = array<i32>} : memref<128x128xf32, #tpu.memory_space<vmem>>, vector<1x16xf32>,
      %swap3A_895 = vector.shape_cast %swap3A_894 : vector<1x16xf32> to vector<16xf32>
      %swap3A_896 = vector.shape_cast %get3A_887 : vector<16xf32> to vector<1x16xf32>
      tpu.vector_store %swap3A_891[%swap3A_892, %swap3A_893], %swap3A_896 {add = true, strides = array<i32>} : memref<128x128xf32, #tpu.memory_space<vmem>>, vector<1x16xf32>,
      %get3A_897 = arith.index_cast %add3A_820 : i32 to index
      %get3A_898 = arith.constant 96 : index
      %get3A_899 = tpu.vector_load %arg7[%get3A_897, %get3A_898] {strides = array<i32>} : memref<256x128xf32, #tpu.memory_space<vmem>>, vector<1x16xf32>,
      %get3A_900 = vector.shape_cast %get3A_899 : vector<1x16xf32> to vector<16xf32>
      %swap3A_901 = arith.constant 0 : i32
      %swap3A_902 = arith.constant 0 : i32
      %swap3A_903 = tpu.memref_slice %arg8[%scan3A_427, %swap3A_901, %swap3A_902] : memref<5x128x128xf32, #tpu.memory_space<vmem>> -> memref<1x128x128xf32, #tpu.memory_space<vmem>>
      %swap3A_904 = tpu.memref_squeeze %swap3A_903 : memref<1x128x128xf32, #tpu.memory_space<vmem>> -> memref<128x128xf32, #tpu.memory_space<vmem>>
      %swap3A_905 = arith.index_cast %scan3A_818 : i32 to index
      %swap3A_906 = arith.constant 96 : index
      %swap3A_907 = tpu.vector_load %swap3A_904[%swap3A_905, %swap3A_906] {strides = array<i32>} : memref<128x128xf32, #tpu.memory_space<vmem>>, vector<1x16xf32>,
      %swap3A_908 = vector.shape_cast %swap3A_907 : vector<1x16xf32> to vector<16xf32>
      %swap3A_909 = vector.shape_cast %get3A_900 : vector<16xf32> to vector<1x16xf32>
      tpu.vector_store %swap3A_904[%swap3A_905, %swap3A_906], %swap3A_909 {add = true, strides = array<i32>} : memref<128x128xf32, #tpu.memory_space<vmem>>, vector<1x16xf32>,
      %get3A_910 = arith.index_cast %add3A_820 : i32 to index
      %get3A_911 = arith.constant 112 : index
      %get3A_912 = tpu.vector_load %arg7[%get3A_910, %get3A_911] {strides = array<i32>} : memref<256x128xf32, #tpu.memory_space<vmem>>, vector<1x16xf32>,
      %get3A_913 = vector.shape_cast %get3A_912 : vector<1x16xf32> to vector<16xf32>
      %swap3A_914 = arith.constant 0 : i32
      %swap3A_915 = arith.constant 0 : i32
      %swap3A_916 = tpu.memref_slice %arg8[%scan3A_427, %swap3A_914, %swap3A_915] : memref<5x128x128xf32, #tpu.memory_space<vmem>> -> memref<1x128x128xf32, #tpu.memory_space<vmem>>
      %swap3A_917 = tpu.memref_squeeze %swap3A_916 : memref<1x128x128xf32, #tpu.memory_space<vmem>> -> memref<128x128xf32, #tpu.memory_space<vmem>>
      %swap3A_918 = arith.index_cast %scan3A_818 : i32 to index
      %swap3A_919 = arith.constant 112 : index
      %swap3A_920 = tpu.vector_load %swap3A_917[%swap3A_918, %swap3A_919] {strides = array<i32>} : memref<128x128xf32, #tpu.memory_space<vmem>>, vector<1x16xf32>,
      %swap3A_921 = vector.shape_cast %swap3A_920 : vector<1x16xf32> to vector<16xf32>
      %swap3A_922 = vector.shape_cast %get3A_913 : vector<16xf32> to vector<1x16xf32>
      tpu.vector_store %swap3A_917[%swap3A_918, %swap3A_919], %swap3A_922 {add = true, strides = array<i32>} : memref<128x128xf32, #tpu.memory_space<vmem>>, vector<1x16xf32>,
    }
    %scan3A_432 = arith.constant 128 : i32
    %add3A_433 = arith.constant 24576 : i32
    %add3A_434 = arith.addi %add3A_433, %mul3A_2 : i32
    %add3A_435 = arith.constant 0 : i32
    %add3A_436 = arith.addi %add3A_434, %add3A_435 : i32
    %dma_start3A_437 = arith.constant 4 : i32
    %dma_start3A_438 = arith.constant 4 : i32
    %dma_start3A_439 = arith.constant 0 : i32
    %dma_start3A_440 = arith.constant 0 : i32
    %dma_start3A_441 = tpu.memref_slice %arg8[%dma_start3A_437, %dma_start3A_439, %dma_start3A_440] : memref<5x128x128xf32, #tpu.memory_space<vmem>> -> memref<1x128x128xf32, #tpu.memory_space<vmem>>
    %dma_start3A_442 = tpu.memref_squeeze %dma_start3A_441 : memref<1x128x128xf32, #tpu.memory_space<vmem>> -> memref<128x128xf32, #tpu.memory_space<vmem>>
    %dma_start3A_443 = arith.constant 0 : i32
    %dma_start3A_444 = tpu.memref_slice %arg5[%add3A_436, %dma_start3A_443] : memref<32768x128xf32, #tpu.memory_space<hbm>> -> memref<128x128xf32, #tpu.memory_space<hbm>>
    %dma_start3A_445 = tpu.memref_slice %arg13[%dma_start3A_438] : memref<5x!tpu.dma_semaphore, #tpu.memory_space<semaphore_mem>> -> memref<1x!tpu.dma_semaphore, #tpu.memory_space<semaphore_mem>>
    %dma_start3A_446 = tpu.memref_squeeze %dma_start3A_445 : memref<1x!tpu.dma_semaphore, #tpu.memory_space<semaphore_mem>> -> memref<!tpu.dma_semaphore, #tpu.memory_space<semaphore_mem>>
    %dma_start3A_447 = arith.constant 0 : i32
    %dma_start3A_448 = tpu.memref_slice %arg5[%add3A_436, %dma_start3A_447] : memref<32768x128xf32, #tpu.memory_space<hbm>> -> memref<128x128xf32, #tpu.memory_space<hbm>>
    %dma_start3A_449 = arith.constant 0 : i32
    %dma_start3A_450 = arith.constant 0 : i32
    %dma_start3A_451 = tpu.memref_slice %arg8[%dma_start3A_437, %dma_start3A_449, %dma_start3A_450] : memref<5x128x128xf32, #tpu.memory_space<vmem>> -> memref<1x128x128xf32, #tpu.memory_space<vmem>>
    %dma_start3A_452 = tpu.memref_squeeze %dma_start3A_451 : memref<1x128x128xf32, #tpu.memory_space<vmem>> -> memref<128x128xf32, #tpu.memory_space<vmem>>
    tpu.enqueue_dma source(%dma_start3A_452 : memref<128x128xf32, #tpu.memory_space<vmem>>) target(%dma_start3A_448 : memref<128x128xf32, #tpu.memory_space<hbm>>) target_semaphore(%dma_start3A_446 : memref<!tpu.dma_semaphore, #tpu.memory_space<semaphore_mem>>)
    %dma_wait3A_453 = arith.constant 3 : i32
    %dma_wait3A_454 = arith.constant 3 : i32
    %dma_wait3A_455 = arith.constant 0 : i32
    %dma_wait3A_456 = arith.constant 0 : i32
    %dma_wait3A_457 = tpu.memref_slice %arg8[%dma_wait3A_453, %dma_wait3A_455, %dma_wait3A_456] : memref<5x128x128xf32, #tpu.memory_space<vmem>> -> memref<1x128x128xf32, #tpu.memory_space<vmem>>
    %dma_wait3A_458 = tpu.memref_squeeze %dma_wait3A_457 : memref<1x128x128xf32, #tpu.memory_space<vmem>> -> memref<128x128xf32, #tpu.memory_space<vmem>>
    %dma_wait3A_459 = arith.constant 0 : i32
    %dma_wait3A_460 = tpu.memref_slice %arg5[%add3A_363, %dma_wait3A_459] : memref<32768x128xf32, #tpu.memory_space<hbm>> -> memref<128x128xf32, #tpu.memory_space<hbm>>
    %dma_wait3A_461 = tpu.memref_slice %arg13[%dma_wait3A_454] : memref<5x!tpu.dma_semaphore, #tpu.memory_space<semaphore_mem>> -> memref<1x!tpu.dma_semaphore, #tpu.memory_space<semaphore_mem>>
    %dma_wait3A_462 = tpu.memref_squeeze %dma_wait3A_461 : memref<1x!tpu.dma_semaphore, #tpu.memory_space<semaphore_mem>> -> memref<!tpu.dma_semaphore, #tpu.memory_space<semaphore_mem>>
    %dma_wait3A_463 = arith.constant 0 : i32
    %dma_wait3A_464 = tpu.memref_slice %arg5[%add3A_363, %dma_wait3A_463] : memref<32768x128xf32, #tpu.memory_space<hbm>> -> memref<128x128xf32, #tpu.memory_space<hbm>>
    %dma_wait3A_465 = arith.constant 0 : i32
    %dma_wait3A_466 = arith.constant 0 : i32
    %dma_wait3A_467 = tpu.memref_slice %arg8[%dma_wait3A_453, %dma_wait3A_465, %dma_wait3A_466] : memref<5x128x128xf32, #tpu.memory_space<vmem>> -> memref<1x128x128xf32, #tpu.memory_space<vmem>>
    %dma_wait3A_468 = tpu.memref_squeeze %dma_wait3A_467 : memref<1x128x128xf32, #tpu.memory_space<vmem>> -> memref<128x128xf32, #tpu.memory_space<vmem>>
    tpu.wait_dma2 semaphore(%dma_wait3A_462 : memref<!tpu.dma_semaphore, #tpu.memory_space<semaphore_mem>>) src(%dma_wait3A_468 : memref<128x128xf32, #tpu.memory_space<vmem>>) dst(%dma_wait3A_464 : memref<128x128xf32, #tpu.memory_space<hbm>>)
    %dma_start3A_469 = arith.constant 3 : i32
    %dma_start3A_470 = arith.constant 3 : i32
    %dma_start3A_471 = arith.constant 3 : i32
    %dma_start3A_472 = arith.constant 0 : i32
    %dma_start3A_473 = arith.constant 0 : i32
    %dma_start3A_474 = tpu.memref_slice %arg8[%dma_start3A_470, %dma_start3A_472, %dma_start3A_473] : memref<5x128x128xf32, #tpu.memory_space<vmem>> -> memref<1x96x128xf32, #tpu.memory_space<vmem>>
    %dma_start3A_475 = tpu.memref_squeeze %dma_start3A_474 : memref<1x96x128xf32, #tpu.memory_space<vmem>> -> memref<96x128xf32, #tpu.memory_space<vmem>>
    %dma_start3A_476 = arith.constant 128 : i32
    %dma_start3A_477 = tpu.memref_slice %arg6[%dma_start3A_469, %dma_start3A_476] : memref<4x256xi32, #tpu.memory_space<vmem>> -> memref<1x96xi32, #tpu.memory_space<vmem>>
    %dma_start3A_478 = tpu.memref_squeeze %dma_start3A_477 : memref<1x96xi32, #tpu.memory_space<vmem>> -> memref<96xi32, #tpu.memory_space<vmem>>
    %dma_start3A_479 = arith.constant 0 : i32
    %dma_start3A_480 = arith.constant 0 : i32
    %dma_start3A_481 = tpu.memref_slice %arg3[%dma_start3A_479, %dma_start3A_480] : memref<100000x128xf32, #tpu.memory_space<hbm>> -> memref<100000x128xf32, #tpu.memory_space<hbm>>
    %dma_start3A_482 = tpu.memref_slice %arg12[%dma_start3A_471] : memref<5x!tpu.dma_semaphore, #tpu.memory_space<semaphore_mem>> -> memref<1x!tpu.dma_semaphore, #tpu.memory_space<semaphore_mem>>
    %dma_start3A_483 = tpu.memref_squeeze %dma_start3A_482 : memref<1x!tpu.dma_semaphore, #tpu.memory_space<semaphore_mem>> -> memref<!tpu.dma_semaphore, #tpu.memory_space<semaphore_mem>>
    tpu.enqueue_indirect_dma source(%dma_start3A_481 : memref<100000x128xf32, #tpu.memory_space<hbm>>) target(%dma_start3A_475 : memref<96x128xf32, #tpu.memory_space<vmem>>) offsets(%dma_start3A_478 : memref<96xi32, #tpu.memory_space<vmem>>) semaphore(%dma_start3A_483 : memref<!tpu.dma_semaphore, #tpu.memory_space<semaphore_mem>>)
    %dma_wait3A_484 = arith.constant 1 : i32
    %dma_wait3A_485 = arith.constant 128 : i32
    %dma_wait3A_486 = arith.constant 0 : i32
    %dma_wait3A_487 = tpu.memref_slice %arg7[%dma_wait3A_485, %dma_wait3A_486] : memref<256x128xf32, #tpu.memory_space<vmem>> -> memref<128x128xf32, #tpu.memory_space<vmem>>
    %dma_wait3A_488 = arith.constant 0 : i32
    %dma_wait3A_489 = tpu.memref_slice %arg4[%add3A_34, %dma_wait3A_488] : memref<8192x128xf32, #tpu.memory_space<hbm>> -> memref<128x128xf32, #tpu.memory_space<hbm>>
    %dma_wait3A_490 = tpu.memref_slice %arg11[%dma_wait3A_484] : memref<2x!tpu.dma_semaphore, #tpu.memory_space<semaphore_mem>> -> memref<1x!tpu.dma_semaphore, #tpu.memory_space<semaphore_mem>>
    %dma_wait3A_491 = tpu.memref_squeeze %dma_wait3A_490 : memref<1x!tpu.dma_semaphore, #tpu.memory_space<semaphore_mem>> -> memref<!tpu.dma_semaphore, #tpu.memory_space<semaphore_mem>>
    %dma_wait3A_492 = arith.constant 128 : i32
    %dma_wait3A_493 = arith.constant 0 : i32
    %dma_wait3A_494 = tpu.memref_slice %arg7[%dma_wait3A_492, %dma_wait3A_493] : memref<256x128xf32, #tpu.memory_space<vmem>> -> memref<128x128xf32, #tpu.memory_space<vmem>>
    %dma_wait3A_495 = arith.constant 0 : i32
    %dma_wait3A_496 = tpu.memref_slice %arg4[%add3A_34, %dma_wait3A_495] : memref<8192x128xf32, #tpu.memory_space<hbm>> -> memref<128x128xf32, #tpu.memory_space<hbm>>
    tpu.wait_dma2 semaphore(%dma_wait3A_491 : memref<!tpu.dma_semaphore, #tpu.memory_space<semaphore_mem>>) src(%dma_wait3A_496 : memref<128x128xf32, #tpu.memory_space<hbm>>) dst(%dma_wait3A_494 : memref<128x128xf32, #tpu.memory_space<vmem>>)
    %dma_wait3A_497 = arith.constant 0 : i32
    %dma_wait3A_498 = arith.constant 0 : i32
    %dma_wait3A_499 = arith.constant 0 : i32
    %dma_wait3A_500 = arith.constant 0 : i32
    %dma_wait3A_501 = arith.constant 0 : i32
    %dma_wait3A_502 = tpu.memref_slice %arg8[%dma_wait3A_498, %dma_wait3A_500, %dma_wait3A_501] : memref<5x128x128xf32, #tpu.memory_space<vmem>> -> memref<1x128x128xf32, #tpu.memory_space<vmem>>
    %dma_wait3A_503 = tpu.memref_squeeze %dma_wait3A_502 : memref<1x128x128xf32, #tpu.memory_space<vmem>> -> memref<128x128xf32, #tpu.memory_space<vmem>>
    %dma_wait3A_504 = arith.constant 128 : i32
    %dma_wait3A_505 = tpu.memref_slice %arg6[%dma_wait3A_497, %dma_wait3A_504] : memref<4x256xi32, #tpu.memory_space<vmem>> -> memref<1x128xi32, #tpu.memory_space<vmem>>
    %dma_wait3A_506 = tpu.memref_squeeze %dma_wait3A_505 : memref<1x128xi32, #tpu.memory_space<vmem>> -> memref<128xi32, #tpu.memory_space<vmem>>
    %dma_wait3A_507 = arith.constant 0 : i32
    %dma_wait3A_508 = arith.constant 0 : i32
    %dma_wait3A_509 = tpu.memref_slice %arg3[%dma_wait3A_507, %dma_wait3A_508] : memref<100000x128xf32, #tpu.memory_space<hbm>> -> memref<100000x128xf32, #tpu.memory_space<hbm>>
    %dma_wait3A_510 = tpu.memref_slice %arg12[%dma_wait3A_499] : memref<5x!tpu.dma_semaphore, #tpu.memory_space<semaphore_mem>> -> memref<1x!tpu.dma_semaphore, #tpu.memory_space<semaphore_mem>>
    %dma_wait3A_511 = tpu.memref_squeeze %dma_wait3A_510 : memref<1x!tpu.dma_semaphore, #tpu.memory_space<semaphore_mem>> -> memref<!tpu.dma_semaphore, #tpu.memory_space<semaphore_mem>>
    tpu.wait_indirect_dma semaphore(%dma_wait3A_511 : memref<!tpu.dma_semaphore, #tpu.memory_space<semaphore_mem>>) src(%dma_wait3A_509 : memref<100000x128xf32, #tpu.memory_space<hbm>>) dst(%dma_wait3A_503 : memref<128x128xf32, #tpu.memory_space<vmem>>)
    %scan3A_512 = arith.constant 0 : i32
    %scan3A_513 = arith.constant 0 : i32
    %scan3A_514 = arith.constant 0 : i32
    %scan3A_515 = arith.constant 128 : i32
    %scan3A_516 = arith.addi %scan3A_514, %scan3A_515 : i32
    %scan3A_517 = arith.constant 1 : i32
    scf.for %scan3A_818 = %scan3A_514 to %scan3A_516 step %scan3A_517  : i32 {
      %add3A_819 = arith.constant 128 : i32
      %add3A_820 = arith.addi %add3A_819, %scan3A_818 : i32
      %get3A = arith.index_cast %add3A_820 : i32 to index
      %get3A_821 = arith.constant 0 : index
      %get3A_822 = tpu.vector_load %arg7[%get3A, %get3A_821] {strides = array<i32>} : memref<256x128xf32, #tpu.memory_space<vmem>>, vector<1x16xf32>,
      %get3A_823 = vector.shape_cast %get3A_822 : vector<1x16xf32> to vector<16xf32>
      %swap3A = arith.constant 0 : i32
      %swap3A_824 = arith.constant 0 : i32
      %swap3A_825 = tpu.memref_slice %arg8[%scan3A_513, %swap3A, %swap3A_824] : memref<5x128x128xf32, #tpu.memory_space<vmem>> -> memref<1x128x128xf32, #tpu.memory_space<vmem>>
      %swap3A_826 = tpu.memref_squeeze %swap3A_825 : memref<1x128x128xf32, #tpu.memory_space<vmem>> -> memref<128x128xf32, #tpu.memory_space<vmem>>
      %swap3A_827 = arith.index_cast %scan3A_818 : i32 to index
      %swap3A_828 = arith.constant 0 : index
      %swap3A_829 = tpu.vector_load %swap3A_826[%swap3A_827, %swap3A_828] {strides = array<i32>} : memref<128x128xf32, #tpu.memory_space<vmem>>, vector<1x16xf32>,
      %swap3A_830 = vector.shape_cast %swap3A_829 : vector<1x16xf32> to vector<16xf32>
      %swap3A_831 = vector.shape_cast %get3A_823 : vector<16xf32> to vector<1x16xf32>
      tpu.vector_store %swap3A_826[%swap3A_827, %swap3A_828], %swap3A_831 {add = true, strides = array<i32>} : memref<128x128xf32, #tpu.memory_space<vmem>>, vector<1x16xf32>,
      %get3A_832 = arith.index_cast %add3A_820 : i32 to index
      %get3A_833 = arith.constant 16 : index
      %get3A_834 = tpu.vector_load %arg7[%get3A_832, %get3A_833] {strides = array<i32>} : memref<256x128xf32, #tpu.memory_space<vmem>>, vector<1x16xf32>,
      %get3A_835 = vector.shape_cast %get3A_834 : vector<1x16xf32> to vector<16xf32>
      %swap3A_836 = arith.constant 0 : i32
      %swap3A_837 = arith.constant 0 : i32
      %swap3A_838 = tpu.memref_slice %arg8[%scan3A_513, %swap3A_836, %swap3A_837] : memref<5x128x128xf32, #tpu.memory_space<vmem>> -> memref<1x128x128xf32, #tpu.memory_space<vmem>>
      %swap3A_839 = tpu.memref_squeeze %swap3A_838 : memref<1x128x128xf32, #tpu.memory_space<vmem>> -> memref<128x128xf32, #tpu.memory_space<vmem>>
      %swap3A_840 = arith.index_cast %scan3A_818 : i32 to index
      %swap3A_841 = arith.constant 16 : index
      %swap3A_842 = tpu.vector_load %swap3A_839[%swap3A_840, %swap3A_841] {strides = array<i32>} : memref<128x128xf32, #tpu.memory_space<vmem>>, vector<1x16xf32>,
      %swap3A_843 = vector.shape_cast %swap3A_842 : vector<1x16xf32> to vector<16xf32>
      %swap3A_844 = vector.shape_cast %get3A_835 : vector<16xf32> to vector<1x16xf32>
      tpu.vector_store %swap3A_839[%swap3A_840, %swap3A_841], %swap3A_844 {add = true, strides = array<i32>} : memref<128x128xf32, #tpu.memory_space<vmem>>, vector<1x16xf32>,
      %get3A_845 = arith.index_cast %add3A_820 : i32 to index
      %get3A_846 = arith.constant 32 : index
      %get3A_847 = tpu.vector_load %arg7[%get3A_845, %get3A_846] {strides = array<i32>} : memref<256x128xf32, #tpu.memory_space<vmem>>, vector<1x16xf32>,
      %get3A_848 = vector.shape_cast %get3A_847 : vector<1x16xf32> to vector<16xf32>
      %swap3A_849 = arith.constant 0 : i32
      %swap3A_850 = arith.constant 0 : i32
      %swap3A_851 = tpu.memref_slice %arg8[%scan3A_513, %swap3A_849, %swap3A_850] : memref<5x128x128xf32, #tpu.memory_space<vmem>> -> memref<1x128x128xf32, #tpu.memory_space<vmem>>
      %swap3A_852 = tpu.memref_squeeze %swap3A_851 : memref<1x128x128xf32, #tpu.memory_space<vmem>> -> memref<128x128xf32, #tpu.memory_space<vmem>>
      %swap3A_853 = arith.index_cast %scan3A_818 : i32 to index
      %swap3A_854 = arith.constant 32 : index
      %swap3A_855 = tpu.vector_load %swap3A_852[%swap3A_853, %swap3A_854] {strides = array<i32>} : memref<128x128xf32, #tpu.memory_space<vmem>>, vector<1x16xf32>,
      %swap3A_856 = vector.shape_cast %swap3A_855 : vector<1x16xf32> to vector<16xf32>
      %swap3A_857 = vector.shape_cast %get3A_848 : vector<16xf32> to vector<1x16xf32>
      tpu.vector_store %swap3A_852[%swap3A_853, %swap3A_854], %swap3A_857 {add = true, strides = array<i32>} : memref<128x128xf32, #tpu.memory_space<vmem>>, vector<1x16xf32>,
      %get3A_858 = arith.index_cast %add3A_820 : i32 to index
      %get3A_859 = arith.constant 48 : index
      %get3A_860 = tpu.vector_load %arg7[%get3A_858, %get3A_859] {strides = array<i32>} : memref<256x128xf32, #tpu.memory_space<vmem>>, vector<1x16xf32>,
      %get3A_861 = vector.shape_cast %get3A_860 : vector<1x16xf32> to vector<16xf32>
      %swap3A_862 = arith.constant 0 : i32
      %swap3A_863 = arith.constant 0 : i32
      %swap3A_864 = tpu.memref_slice %arg8[%scan3A_513, %swap3A_862, %swap3A_863] : memref<5x128x128xf32, #tpu.memory_space<vmem>> -> memref<1x128x128xf32, #tpu.memory_space<vmem>>
      %swap3A_865 = tpu.memref_squeeze %swap3A_864 : memref<1x128x128xf32, #tpu.memory_space<vmem>> -> memref<128x128xf32, #tpu.memory_space<vmem>>
      %swap3A_866 = arith.index_cast %scan3A_818 : i32 to index
      %swap3A_867 = arith.constant 48 : index
      %swap3A_868 = tpu.vector_load %swap3A_865[%swap3A_866, %swap3A_867] {strides = array<i32>} : memref<128x128xf32, #tpu.memory_space<vmem>>, vector<1x16xf32>,
      %swap3A_869 = vector.shape_cast %swap3A_868 : vector<1x16xf32> to vector<16xf32>
      %swap3A_870 = vector.shape_cast %get3A_861 : vector<16xf32> to vector<1x16xf32>
      tpu.vector_store %swap3A_865[%swap3A_866, %swap3A_867], %swap3A_870 {add = true, strides = array<i32>} : memref<128x128xf32, #tpu.memory_space<vmem>>, vector<1x16xf32>,
      %get3A_871 = arith.index_cast %add3A_820 : i32 to index
      %get3A_872 = arith.constant 64 : index
      %get3A_873 = tpu.vector_load %arg7[%get3A_871, %get3A_872] {strides = array<i32>} : memref<256x128xf32, #tpu.memory_space<vmem>>, vector<1x16xf32>,
      %get3A_874 = vector.shape_cast %get3A_873 : vector<1x16xf32> to vector<16xf32>
      %swap3A_875 = arith.constant 0 : i32
      %swap3A_876 = arith.constant 0 : i32
      %swap3A_877 = tpu.memref_slice %arg8[%scan3A_513, %swap3A_875, %swap3A_876] : memref<5x128x128xf32, #tpu.memory_space<vmem>> -> memref<1x128x128xf32, #tpu.memory_space<vmem>>
      %swap3A_878 = tpu.memref_squeeze %swap3A_877 : memref<1x128x128xf32, #tpu.memory_space<vmem>> -> memref<128x128xf32, #tpu.memory_space<vmem>>
      %swap3A_879 = arith.index_cast %scan3A_818 : i32 to index
      %swap3A_880 = arith.constant 64 : index
      %swap3A_881 = tpu.vector_load %swap3A_878[%swap3A_879, %swap3A_880] {strides = array<i32>} : memref<128x128xf32, #tpu.memory_space<vmem>>, vector<1x16xf32>,
      %swap3A_882 = vector.shape_cast %swap3A_881 : vector<1x16xf32> to vector<16xf32>
      %swap3A_883 = vector.shape_cast %get3A_874 : vector<16xf32> to vector<1x16xf32>
      tpu.vector_store %swap3A_878[%swap3A_879, %swap3A_880], %swap3A_883 {add = true, strides = array<i32>} : memref<128x128xf32, #tpu.memory_space<vmem>>, vector<1x16xf32>,
      %get3A_884 = arith.index_cast %add3A_820 : i32 to index
      %get3A_885 = arith.constant 80 : index
      %get3A_886 = tpu.vector_load %arg7[%get3A_884, %get3A_885] {strides = array<i32>} : memref<256x128xf32, #tpu.memory_space<vmem>>, vector<1x16xf32>,
      %get3A_887 = vector.shape_cast %get3A_886 : vector<1x16xf32> to vector<16xf32>
      %swap3A_888 = arith.constant 0 : i32
      %swap3A_889 = arith.constant 0 : i32
      %swap3A_890 = tpu.memref_slice %arg8[%scan3A_513, %swap3A_888, %swap3A_889] : memref<5x128x128xf32, #tpu.memory_space<vmem>> -> memref<1x128x128xf32, #tpu.memory_space<vmem>>
      %swap3A_891 = tpu.memref_squeeze %swap3A_890 : memref<1x128x128xf32, #tpu.memory_space<vmem>> -> memref<128x128xf32, #tpu.memory_space<vmem>>
      %swap3A_892 = arith.index_cast %scan3A_818 : i32 to index
      %swap3A_893 = arith.constant 80 : index
      %swap3A_894 = tpu.vector_load %swap3A_891[%swap3A_892, %swap3A_893] {strides = array<i32>} : memref<128x128xf32, #tpu.memory_space<vmem>>, vector<1x16xf32>,
      %swap3A_895 = vector.shape_cast %swap3A_894 : vector<1x16xf32> to vector<16xf32>
      %swap3A_896 = vector.shape_cast %get3A_887 : vector<16xf32> to vector<1x16xf32>
      tpu.vector_store %swap3A_891[%swap3A_892, %swap3A_893], %swap3A_896 {add = true, strides = array<i32>} : memref<128x128xf32, #tpu.memory_space<vmem>>, vector<1x16xf32>,
      %get3A_897 = arith.index_cast %add3A_820 : i32 to index
      %get3A_898 = arith.constant 96 : index
      %get3A_899 = tpu.vector_load %arg7[%get3A_897, %get3A_898] {strides = array<i32>} : memref<256x128xf32, #tpu.memory_space<vmem>>, vector<1x16xf32>,
      %get3A_900 = vector.shape_cast %get3A_899 : vector<1x16xf32> to vector<16xf32>
      %swap3A_901 = arith.constant 0 : i32
      %swap3A_902 = arith.constant 0 : i32
      %swap3A_903 = tpu.memref_slice %arg8[%scan3A_513, %swap3A_901, %swap3A_902] : memref<5x128x128xf32, #tpu.memory_space<vmem>> -> memref<1x128x128xf32, #tpu.memory_space<vmem>>
      %swap3A_904 = tpu.memref_squeeze %swap3A_903 : memref<1x128x128xf32, #tpu.memory_space<vmem>> -> memref<128x128xf32, #tpu.memory_space<vmem>>
      %swap3A_905 = arith.index_cast %scan3A_818 : i32 to index
      %swap3A_906 = arith.constant 96 : index
      %swap3A_907 = tpu.vector_load %swap3A_904[%swap3A_905, %swap3A_906] {strides = array<i32>} : memref<128x128xf32, #tpu.memory_space<vmem>>, vector<1x16xf32>,
      %swap3A_908 = vector.shape_cast %swap3A_907 : vector<1x16xf32> to vector<16xf32>
      %swap3A_909 = vector.shape_cast %get3A_900 : vector<16xf32> to vector<1x16xf32>
      tpu.vector_store %swap3A_904[%swap3A_905, %swap3A_906], %swap3A_909 {add = true, strides = array<i32>} : memref<128x128xf32, #tpu.memory_space<vmem>>, vector<1x16xf32>,
      %get3A_910 = arith.index_cast %add3A_820 : i32 to index
      %get3A_911 = arith.constant 112 : index
      %get3A_912 = tpu.vector_load %arg7[%get3A_910, %get3A_911] {strides = array<i32>} : memref<256x128xf32, #tpu.memory_space<vmem>>, vector<1x16xf32>,
      %get3A_913 = vector.shape_cast %get3A_912 : vector<1x16xf32> to vector<16xf32>
      %swap3A_914 = arith.constant 0 : i32
      %swap3A_915 = arith.constant 0 : i32
      %swap3A_916 = tpu.memref_slice %arg8[%scan3A_513, %swap3A_914, %swap3A_915] : memref<5x128x128xf32, #tpu.memory_space<vmem>> -> memref<1x128x128xf32, #tpu.memory_space<vmem>>
      %swap3A_917 = tpu.memref_squeeze %swap3A_916 : memref<1x128x128xf32, #tpu.memory_space<vmem>> -> memref<128x128xf32, #tpu.memory_space<vmem>>
      %swap3A_918 = arith.index_cast %scan3A_818 : i32 to index
      %swap3A_919 = arith.constant 112 : index
      %swap3A_920 = tpu.vector_load %swap3A_917[%swap3A_918, %swap3A_919] {strides = array<i32>} : memref<128x128xf32, #tpu.memory_space<vmem>>, vector<1x16xf32>,
      %swap3A_921 = vector.shape_cast %swap3A_920 : vector<1x16xf32> to vector<16xf32>
      %swap3A_922 = vector.shape_cast %get3A_913 : vector<16xf32> to vector<1x16xf32>
      tpu.vector_store %swap3A_917[%swap3A_918, %swap3A_919], %swap3A_922 {add = true, strides = array<i32>} : memref<128x128xf32, #tpu.memory_space<vmem>>, vector<1x16xf32>,
    }
    %scan3A_518 = arith.constant 128 : i32
    %add3A_519 = arith.constant 0 : i32
    %add3A_520 = arith.addi %add3A_519, %mul3A_2 : i32
    %add3A_521 = arith.constant 128 : i32
    %add3A_522 = arith.addi %add3A_520, %add3A_521 : i32
    %dma_start3A_523 = arith.constant 0 : i32
    %dma_start3A_524 = arith.constant 0 : i32
    %dma_start3A_525 = arith.constant 0 : i32
    %dma_start3A_526 = arith.constant 0 : i32
    %dma_start3A_527 = tpu.memref_slice %arg8[%dma_start3A_523, %dma_start3A_525, %dma_start3A_526] : memref<5x128x128xf32, #tpu.memory_space<vmem>> -> memref<1x128x128xf32, #tpu.memory_space<vmem>>
    %dma_start3A_528 = tpu.memref_squeeze %dma_start3A_527 : memref<1x128x128xf32, #tpu.memory_space<vmem>> -> memref<128x128xf32, #tpu.memory_space<vmem>>
    %dma_start3A_529 = arith.constant 0 : i32
    %dma_start3A_530 = tpu.memref_slice %arg5[%add3A_522, %dma_start3A_529] : memref<32768x128xf32, #tpu.memory_space<hbm>> -> memref<128x128xf32, #tpu.memory_space<hbm>>
    %dma_start3A_531 = tpu.memref_slice %arg13[%dma_start3A_524] : memref<5x!tpu.dma_semaphore, #tpu.memory_space<semaphore_mem>> -> memref<1x!tpu.dma_semaphore, #tpu.memory_space<semaphore_mem>>
    %dma_start3A_532 = tpu.memref_squeeze %dma_start3A_531 : memref<1x!tpu.dma_semaphore, #tpu.memory_space<semaphore_mem>> -> memref<!tpu.dma_semaphore, #tpu.memory_space<semaphore_mem>>
    %dma_start3A_533 = arith.constant 0 : i32
    %dma_start3A_534 = tpu.memref_slice %arg5[%add3A_522, %dma_start3A_533] : memref<32768x128xf32, #tpu.memory_space<hbm>> -> memref<128x128xf32, #tpu.memory_space<hbm>>
    %dma_start3A_535 = arith.constant 0 : i32
    %dma_start3A_536 = arith.constant 0 : i32
    %dma_start3A_537 = tpu.memref_slice %arg8[%dma_start3A_523, %dma_start3A_535, %dma_start3A_536] : memref<5x128x128xf32, #tpu.memory_space<vmem>> -> memref<1x128x128xf32, #tpu.memory_space<vmem>>
    %dma_start3A_538 = tpu.memref_squeeze %dma_start3A_537 : memref<1x128x128xf32, #tpu.memory_space<vmem>> -> memref<128x128xf32, #tpu.memory_space<vmem>>
    tpu.enqueue_dma source(%dma_start3A_538 : memref<128x128xf32, #tpu.memory_space<vmem>>) target(%dma_start3A_534 : memref<128x128xf32, #tpu.memory_space<hbm>>) target_semaphore(%dma_start3A_532 : memref<!tpu.dma_semaphore, #tpu.memory_space<semaphore_mem>>)
    %dma_wait3A_539 = arith.constant 4 : i32
    %dma_wait3A_540 = arith.constant 4 : i32
    %dma_wait3A_541 = arith.constant 0 : i32
    %dma_wait3A_542 = arith.constant 0 : i32
    %dma_wait3A_543 = tpu.memref_slice %arg8[%dma_wait3A_539, %dma_wait3A_541, %dma_wait3A_542] : memref<5x128x128xf32, #tpu.memory_space<vmem>> -> memref<1x128x128xf32, #tpu.memory_space<vmem>>
    %dma_wait3A_544 = tpu.memref_squeeze %dma_wait3A_543 : memref<1x128x128xf32, #tpu.memory_space<vmem>> -> memref<128x128xf32, #tpu.memory_space<vmem>>
    %dma_wait3A_545 = arith.constant 0 : i32
    %dma_wait3A_546 = tpu.memref_slice %arg5[%add3A_436, %dma_wait3A_545] : memref<32768x128xf32, #tpu.memory_space<hbm>> -> memref<128x128xf32, #tpu.memory_space<hbm>>
    %dma_wait3A_547 = tpu.memref_slice %arg13[%dma_wait3A_540] : memref<5x!tpu.dma_semaphore, #tpu.memory_space<semaphore_mem>> -> memref<1x!tpu.dma_semaphore, #tpu.memory_space<semaphore_mem>>
    %dma_wait3A_548 = tpu.memref_squeeze %dma_wait3A_547 : memref<1x!tpu.dma_semaphore, #tpu.memory_space<semaphore_mem>> -> memref<!tpu.dma_semaphore, #tpu.memory_space<semaphore_mem>>
    %dma_wait3A_549 = arith.constant 0 : i32
    %dma_wait3A_550 = tpu.memref_slice %arg5[%add3A_436, %dma_wait3A_549] : memref<32768x128xf32, #tpu.memory_space<hbm>> -> memref<128x128xf32, #tpu.memory_space<hbm>>
    %dma_wait3A_551 = arith.constant 0 : i32
    %dma_wait3A_552 = arith.constant 0 : i32
    %dma_wait3A_553 = tpu.memref_slice %arg8[%dma_wait3A_539, %dma_wait3A_551, %dma_wait3A_552] : memref<5x128x128xf32, #tpu.memory_space<vmem>> -> memref<1x128x128xf32, #tpu.memory_space<vmem>>
    %dma_wait3A_554 = tpu.memref_squeeze %dma_wait3A_553 : memref<1x128x128xf32, #tpu.memory_space<vmem>> -> memref<128x128xf32, #tpu.memory_space<vmem>>
    tpu.wait_dma2 semaphore(%dma_wait3A_548 : memref<!tpu.dma_semaphore, #tpu.memory_space<semaphore_mem>>) src(%dma_wait3A_554 : memref<128x128xf32, #tpu.memory_space<vmem>>) dst(%dma_wait3A_550 : memref<128x128xf32, #tpu.memory_space<hbm>>)
    %dma_start3A_555 = arith.constant 3 : i32
    %dma_start3A_556 = arith.constant 4 : i32
    %dma_start3A_557 = arith.constant 4 : i32
    %dma_start3A_558 = arith.constant 0 : i32
    %dma_start3A_559 = arith.constant 0 : i32
    %dma_start3A_560 = tpu.memref_slice %arg8[%dma_start3A_556, %dma_start3A_558, %dma_start3A_559] : memref<5x128x128xf32, #tpu.memory_space<vmem>> -> memref<1x32x128xf32, #tpu.memory_space<vmem>>
    %dma_start3A_561 = tpu.memref_squeeze %dma_start3A_560 : memref<1x32x128xf32, #tpu.memory_space<vmem>> -> memref<32x128xf32, #tpu.memory_space<vmem>>
    %dma_start3A_562 = arith.constant 224 : i32
    %dma_start3A_563 = tpu.memref_slice %arg6[%dma_start3A_555, %dma_start3A_562] : memref<4x256xi32, #tpu.memory_space<vmem>> -> memref<1x32xi32, #tpu.memory_space<vmem>>
    %dma_start3A_564 = tpu.memref_squeeze %dma_start3A_563 : memref<1x32xi32, #tpu.memory_space<vmem>> -> memref<32xi32, #tpu.memory_space<vmem>>
    %dma_start3A_565 = arith.constant 0 : i32
    %dma_start3A_566 = arith.constant 0 : i32
    %dma_start3A_567 = tpu.memref_slice %arg3[%dma_start3A_565, %dma_start3A_566] : memref<100000x128xf32, #tpu.memory_space<hbm>> -> memref<100000x128xf32, #tpu.memory_space<hbm>>
    %dma_start3A_568 = tpu.memref_slice %arg12[%dma_start3A_557] : memref<5x!tpu.dma_semaphore, #tpu.memory_space<semaphore_mem>> -> memref<1x!tpu.dma_semaphore, #tpu.memory_space<semaphore_mem>>
    %dma_start3A_569 = tpu.memref_squeeze %dma_start3A_568 : memref<1x!tpu.dma_semaphore, #tpu.memory_space<semaphore_mem>> -> memref<!tpu.dma_semaphore, #tpu.memory_space<semaphore_mem>>
    tpu.enqueue_indirect_dma source(%dma_start3A_567 : memref<100000x128xf32, #tpu.memory_space<hbm>>) target(%dma_start3A_561 : memref<32x128xf32, #tpu.memory_space<vmem>>) offsets(%dma_start3A_564 : memref<32xi32, #tpu.memory_space<vmem>>) semaphore(%dma_start3A_569 : memref<!tpu.dma_semaphore, #tpu.memory_space<semaphore_mem>>)
    %dma_wait3A_570 = arith.constant 1 : i32
    %dma_wait3A_571 = arith.constant 1 : i32
    %dma_wait3A_572 = arith.constant 1 : i32
    %dma_wait3A_573 = arith.constant 0 : i32
    %dma_wait3A_574 = arith.constant 0 : i32
    %dma_wait3A_575 = tpu.memref_slice %arg8[%dma_wait3A_571, %dma_wait3A_573, %dma_wait3A_574] : memref<5x128x128xf32, #tpu.memory_space<vmem>> -> memref<1x128x128xf32, #tpu.memory_space<vmem>>
    %dma_wait3A_576 = tpu.memref_squeeze %dma_wait3A_575 : memref<1x128x128xf32, #tpu.memory_space<vmem>> -> memref<128x128xf32, #tpu.memory_space<vmem>>
    %dma_wait3A_577 = arith.constant 128 : i32
    %dma_wait3A_578 = tpu.memref_slice %arg6[%dma_wait3A_570, %dma_wait3A_577] : memref<4x256xi32, #tpu.memory_space<vmem>> -> memref<1x128xi32, #tpu.memory_space<vmem>>
    %dma_wait3A_579 = tpu.memref_squeeze %dma_wait3A_578 : memref<1x128xi32, #tpu.memory_space<vmem>> -> memref<128xi32, #tpu.memory_space<vmem>>
    %dma_wait3A_580 = arith.constant 0 : i32
    %dma_wait3A_581 = arith.constant 0 : i32
    %dma_wait3A_582 = tpu.memref_slice %arg3[%dma_wait3A_580, %dma_wait3A_581] : memref<100000x128xf32, #tpu.memory_space<hbm>> -> memref<100000x128xf32, #tpu.memory_space<hbm>>
    %dma_wait3A_583 = tpu.memref_slice %arg12[%dma_wait3A_572] : memref<5x!tpu.dma_semaphore, #tpu.memory_space<semaphore_mem>> -> memref<1x!tpu.dma_semaphore, #tpu.memory_space<semaphore_mem>>
    %dma_wait3A_584 = tpu.memref_squeeze %dma_wait3A_583 : memref<1x!tpu.dma_semaphore, #tpu.memory_space<semaphore_mem>> -> memref<!tpu.dma_semaphore, #tpu.memory_space<semaphore_mem>>
    tpu.wait_indirect_dma semaphore(%dma_wait3A_584 : memref<!tpu.dma_semaphore, #tpu.memory_space<semaphore_mem>>) src(%dma_wait3A_582 : memref<100000x128xf32, #tpu.memory_space<hbm>>) dst(%dma_wait3A_576 : memref<128x128xf32, #tpu.memory_space<vmem>>)
    %scan3A_585 = arith.constant 0 : i32
    %scan3A_586 = arith.constant 1 : i32
    %scan3A_587 = arith.constant 0 : i32
    %scan3A_588 = arith.constant 128 : i32
    %scan3A_589 = arith.addi %scan3A_587, %scan3A_588 : i32
    %scan3A_590 = arith.constant 1 : i32
    scf.for %scan3A_818 = %scan3A_587 to %scan3A_589 step %scan3A_590  : i32 {
      %add3A_819 = arith.constant 128 : i32
      %add3A_820 = arith.addi %add3A_819, %scan3A_818 : i32
      %get3A = arith.index_cast %add3A_820 : i32 to index
      %get3A_821 = arith.constant 0 : index
      %get3A_822 = tpu.vector_load %arg7[%get3A, %get3A_821] {strides = array<i32>} : memref<256x128xf32, #tpu.memory_space<vmem>>, vector<1x16xf32>,
      %get3A_823 = vector.shape_cast %get3A_822 : vector<1x16xf32> to vector<16xf32>
      %swap3A = arith.constant 0 : i32
      %swap3A_824 = arith.constant 0 : i32
      %swap3A_825 = tpu.memref_slice %arg8[%scan3A_586, %swap3A, %swap3A_824] : memref<5x128x128xf32, #tpu.memory_space<vmem>> -> memref<1x128x128xf32, #tpu.memory_space<vmem>>
      %swap3A_826 = tpu.memref_squeeze %swap3A_825 : memref<1x128x128xf32, #tpu.memory_space<vmem>> -> memref<128x128xf32, #tpu.memory_space<vmem>>
      %swap3A_827 = arith.index_cast %scan3A_818 : i32 to index
      %swap3A_828 = arith.constant 0 : index
      %swap3A_829 = tpu.vector_load %swap3A_826[%swap3A_827, %swap3A_828] {strides = array<i32>} : memref<128x128xf32, #tpu.memory_space<vmem>>, vector<1x16xf32>,
      %swap3A_830 = vector.shape_cast %swap3A_829 : vector<1x16xf32> to vector<16xf32>
      %swap3A_831 = vector.shape_cast %get3A_823 : vector<16xf32> to vector<1x16xf32>
      tpu.vector_store %swap3A_826[%swap3A_827, %swap3A_828], %swap3A_831 {add = true, strides = array<i32>} : memref<128x128xf32, #tpu.memory_space<vmem>>, vector<1x16xf32>,
      %get3A_832 = arith.index_cast %add3A_820 : i32 to index
      %get3A_833 = arith.constant 16 : index
      %get3A_834 = tpu.vector_load %arg7[%get3A_832, %get3A_833] {strides = array<i32>} : memref<256x128xf32, #tpu.memory_space<vmem>>, vector<1x16xf32>,
      %get3A_835 = vector.shape_cast %get3A_834 : vector<1x16xf32> to vector<16xf32>
      %swap3A_836 = arith.constant 0 : i32
      %swap3A_837 = arith.constant 0 : i32
      %swap3A_838 = tpu.memref_slice %arg8[%scan3A_586, %swap3A_836, %swap3A_837] : memref<5x128x128xf32, #tpu.memory_space<vmem>> -> memref<1x128x128xf32, #tpu.memory_space<vmem>>
      %swap3A_839 = tpu.memref_squeeze %swap3A_838 : memref<1x128x128xf32, #tpu.memory_space<vmem>> -> memref<128x128xf32, #tpu.memory_space<vmem>>
      %swap3A_840 = arith.index_cast %scan3A_818 : i32 to index
      %swap3A_841 = arith.constant 16 : index
      %swap3A_842 = tpu.vector_load %swap3A_839[%swap3A_840, %swap3A_841] {strides = array<i32>} : memref<128x128xf32, #tpu.memory_space<vmem>>, vector<1x16xf32>,
      %swap3A_843 = vector.shape_cast %swap3A_842 : vector<1x16xf32> to vector<16xf32>
      %swap3A_844 = vector.shape_cast %get3A_835 : vector<16xf32> to vector<1x16xf32>
      tpu.vector_store %swap3A_839[%swap3A_840, %swap3A_841], %swap3A_844 {add = true, strides = array<i32>} : memref<128x128xf32, #tpu.memory_space<vmem>>, vector<1x16xf32>,
      %get3A_845 = arith.index_cast %add3A_820 : i32 to index
      %get3A_846 = arith.constant 32 : index
      %get3A_847 = tpu.vector_load %arg7[%get3A_845, %get3A_846] {strides = array<i32>} : memref<256x128xf32, #tpu.memory_space<vmem>>, vector<1x16xf32>,
      %get3A_848 = vector.shape_cast %get3A_847 : vector<1x16xf32> to vector<16xf32>
      %swap3A_849 = arith.constant 0 : i32
      %swap3A_850 = arith.constant 0 : i32
      %swap3A_851 = tpu.memref_slice %arg8[%scan3A_586, %swap3A_849, %swap3A_850] : memref<5x128x128xf32, #tpu.memory_space<vmem>> -> memref<1x128x128xf32, #tpu.memory_space<vmem>>
      %swap3A_852 = tpu.memref_squeeze %swap3A_851 : memref<1x128x128xf32, #tpu.memory_space<vmem>> -> memref<128x128xf32, #tpu.memory_space<vmem>>
      %swap3A_853 = arith.index_cast %scan3A_818 : i32 to index
      %swap3A_854 = arith.constant 32 : index
      %swap3A_855 = tpu.vector_load %swap3A_852[%swap3A_853, %swap3A_854] {strides = array<i32>} : memref<128x128xf32, #tpu.memory_space<vmem>>, vector<1x16xf32>,
      %swap3A_856 = vector.shape_cast %swap3A_855 : vector<1x16xf32> to vector<16xf32>
      %swap3A_857 = vector.shape_cast %get3A_848 : vector<16xf32> to vector<1x16xf32>
      tpu.vector_store %swap3A_852[%swap3A_853, %swap3A_854], %swap3A_857 {add = true, strides = array<i32>} : memref<128x128xf32, #tpu.memory_space<vmem>>, vector<1x16xf32>,
      %get3A_858 = arith.index_cast %add3A_820 : i32 to index
      %get3A_859 = arith.constant 48 : index
      %get3A_860 = tpu.vector_load %arg7[%get3A_858, %get3A_859] {strides = array<i32>} : memref<256x128xf32, #tpu.memory_space<vmem>>, vector<1x16xf32>,
      %get3A_861 = vector.shape_cast %get3A_860 : vector<1x16xf32> to vector<16xf32>
      %swap3A_862 = arith.constant 0 : i32
      %swap3A_863 = arith.constant 0 : i32
      %swap3A_864 = tpu.memref_slice %arg8[%scan3A_586, %swap3A_862, %swap3A_863] : memref<5x128x128xf32, #tpu.memory_space<vmem>> -> memref<1x128x128xf32, #tpu.memory_space<vmem>>
      %swap3A_865 = tpu.memref_squeeze %swap3A_864 : memref<1x128x128xf32, #tpu.memory_space<vmem>> -> memref<128x128xf32, #tpu.memory_space<vmem>>
      %swap3A_866 = arith.index_cast %scan3A_818 : i32 to index
      %swap3A_867 = arith.constant 48 : index
      %swap3A_868 = tpu.vector_load %swap3A_865[%swap3A_866, %swap3A_867] {strides = array<i32>} : memref<128x128xf32, #tpu.memory_space<vmem>>, vector<1x16xf32>,
      %swap3A_869 = vector.shape_cast %swap3A_868 : vector<1x16xf32> to vector<16xf32>
      %swap3A_870 = vector.shape_cast %get3A_861 : vector<16xf32> to vector<1x16xf32>
      tpu.vector_store %swap3A_865[%swap3A_866, %swap3A_867], %swap3A_870 {add = true, strides = array<i32>} : memref<128x128xf32, #tpu.memory_space<vmem>>, vector<1x16xf32>,
      %get3A_871 = arith.index_cast %add3A_820 : i32 to index
      %get3A_872 = arith.constant 64 : index
      %get3A_873 = tpu.vector_load %arg7[%get3A_871, %get3A_872] {strides = array<i32>} : memref<256x128xf32, #tpu.memory_space<vmem>>, vector<1x16xf32>,
      %get3A_874 = vector.shape_cast %get3A_873 : vector<1x16xf32> to vector<16xf32>
      %swap3A_875 = arith.constant 0 : i32
      %swap3A_876 = arith.constant 0 : i32
      %swap3A_877 = tpu.memref_slice %arg8[%scan3A_586, %swap3A_875, %swap3A_876] : memref<5x128x128xf32, #tpu.memory_space<vmem>> -> memref<1x128x128xf32, #tpu.memory_space<vmem>>
      %swap3A_878 = tpu.memref_squeeze %swap3A_877 : memref<1x128x128xf32, #tpu.memory_space<vmem>> -> memref<128x128xf32, #tpu.memory_space<vmem>>
      %swap3A_879 = arith.index_cast %scan3A_818 : i32 to index
      %swap3A_880 = arith.constant 64 : index
      %swap3A_881 = tpu.vector_load %swap3A_878[%swap3A_879, %swap3A_880] {strides = array<i32>} : memref<128x128xf32, #tpu.memory_space<vmem>>, vector<1x16xf32>,
      %swap3A_882 = vector.shape_cast %swap3A_881 : vector<1x16xf32> to vector<16xf32>
      %swap3A_883 = vector.shape_cast %get3A_874 : vector<16xf32> to vector<1x16xf32>
      tpu.vector_store %swap3A_878[%swap3A_879, %swap3A_880], %swap3A_883 {add = true, strides = array<i32>} : memref<128x128xf32, #tpu.memory_space<vmem>>, vector<1x16xf32>,
      %get3A_884 = arith.index_cast %add3A_820 : i32 to index
      %get3A_885 = arith.constant 80 : index
      %get3A_886 = tpu.vector_load %arg7[%get3A_884, %get3A_885] {strides = array<i32>} : memref<256x128xf32, #tpu.memory_space<vmem>>, vector<1x16xf32>,
      %get3A_887 = vector.shape_cast %get3A_886 : vector<1x16xf32> to vector<16xf32>
      %swap3A_888 = arith.constant 0 : i32
      %swap3A_889 = arith.constant 0 : i32
      %swap3A_890 = tpu.memref_slice %arg8[%scan3A_586, %swap3A_888, %swap3A_889] : memref<5x128x128xf32, #tpu.memory_space<vmem>> -> memref<1x128x128xf32, #tpu.memory_space<vmem>>
      %swap3A_891 = tpu.memref_squeeze %swap3A_890 : memref<1x128x128xf32, #tpu.memory_space<vmem>> -> memref<128x128xf32, #tpu.memory_space<vmem>>
      %swap3A_892 = arith.index_cast %scan3A_818 : i32 to index
      %swap3A_893 = arith.constant 80 : index
      %swap3A_894 = tpu.vector_load %swap3A_891[%swap3A_892, %swap3A_893] {strides = array<i32>} : memref<128x128xf32, #tpu.memory_space<vmem>>, vector<1x16xf32>,
      %swap3A_895 = vector.shape_cast %swap3A_894 : vector<1x16xf32> to vector<16xf32>
      %swap3A_896 = vector.shape_cast %get3A_887 : vector<16xf32> to vector<1x16xf32>
      tpu.vector_store %swap3A_891[%swap3A_892, %swap3A_893], %swap3A_896 {add = true, strides = array<i32>} : memref<128x128xf32, #tpu.memory_space<vmem>>, vector<1x16xf32>,
      %get3A_897 = arith.index_cast %add3A_820 : i32 to index
      %get3A_898 = arith.constant 96 : index
      %get3A_899 = tpu.vector_load %arg7[%get3A_897, %get3A_898] {strides = array<i32>} : memref<256x128xf32, #tpu.memory_space<vmem>>, vector<1x16xf32>,
      %get3A_900 = vector.shape_cast %get3A_899 : vector<1x16xf32> to vector<16xf32>
      %swap3A_901 = arith.constant 0 : i32
      %swap3A_902 = arith.constant 0 : i32
      %swap3A_903 = tpu.memref_slice %arg8[%scan3A_586, %swap3A_901, %swap3A_902] : memref<5x128x128xf32, #tpu.memory_space<vmem>> -> memref<1x128x128xf32, #tpu.memory_space<vmem>>
      %swap3A_904 = tpu.memref_squeeze %swap3A_903 : memref<1x128x128xf32, #tpu.memory_space<vmem>> -> memref<128x128xf32, #tpu.memory_space<vmem>>
      %swap3A_905 = arith.index_cast %scan3A_818 : i32 to index
      %swap3A_906 = arith.constant 96 : index
      %swap3A_907 = tpu.vector_load %swap3A_904[%swap3A_905, %swap3A_906] {strides = array<i32>} : memref<128x128xf32, #tpu.memory_space<vmem>>, vector<1x16xf32>,
      %swap3A_908 = vector.shape_cast %swap3A_907 : vector<1x16xf32> to vector<16xf32>
      %swap3A_909 = vector.shape_cast %get3A_900 : vector<16xf32> to vector<1x16xf32>
      tpu.vector_store %swap3A_904[%swap3A_905, %swap3A_906], %swap3A_909 {add = true, strides = array<i32>} : memref<128x128xf32, #tpu.memory_space<vmem>>, vector<1x16xf32>,
      %get3A_910 = arith.index_cast %add3A_820 : i32 to index
      %get3A_911 = arith.constant 112 : index
      %get3A_912 = tpu.vector_load %arg7[%get3A_910, %get3A_911] {strides = array<i32>} : memref<256x128xf32, #tpu.memory_space<vmem>>, vector<1x16xf32>,
      %get3A_913 = vector.shape_cast %get3A_912 : vector<1x16xf32> to vector<16xf32>
      %swap3A_914 = arith.constant 0 : i32
      %swap3A_915 = arith.constant 0 : i32
      %swap3A_916 = tpu.memref_slice %arg8[%scan3A_586, %swap3A_914, %swap3A_915] : memref<5x128x128xf32, #tpu.memory_space<vmem>> -> memref<1x128x128xf32, #tpu.memory_space<vmem>>
      %swap3A_917 = tpu.memref_squeeze %swap3A_916 : memref<1x128x128xf32, #tpu.memory_space<vmem>> -> memref<128x128xf32, #tpu.memory_space<vmem>>
      %swap3A_918 = arith.index_cast %scan3A_818 : i32 to index
      %swap3A_919 = arith.constant 112 : index
      %swap3A_920 = tpu.vector_load %swap3A_917[%swap3A_918, %swap3A_919] {strides = array<i32>} : memref<128x128xf32, #tpu.memory_space<vmem>>, vector<1x16xf32>,
      %swap3A_921 = vector.shape_cast %swap3A_920 : vector<1x16xf32> to vector<16xf32>
      %swap3A_922 = vector.shape_cast %get3A_913 : vector<16xf32> to vector<1x16xf32>
      tpu.vector_store %swap3A_917[%swap3A_918, %swap3A_919], %swap3A_922 {add = true, strides = array<i32>} : memref<128x128xf32, #tpu.memory_space<vmem>>, vector<1x16xf32>,
    }
    %scan3A_591 = arith.constant 128 : i32
    %add3A_592 = arith.constant 8192 : i32
    %add3A_593 = arith.addi %add3A_592, %mul3A_2 : i32
    %add3A_594 = arith.constant 128 : i32
    %add3A_595 = arith.addi %add3A_593, %add3A_594 : i32
    %dma_start3A_596 = arith.constant 1 : i32
    %dma_start3A_597 = arith.constant 1 : i32
    %dma_start3A_598 = arith.constant 0 : i32
    %dma_start3A_599 = arith.constant 0 : i32
    %dma_start3A_600 = tpu.memref_slice %arg8[%dma_start3A_596, %dma_start3A_598, %dma_start3A_599] : memref<5x128x128xf32, #tpu.memory_space<vmem>> -> memref<1x128x128xf32, #tpu.memory_space<vmem>>
    %dma_start3A_601 = tpu.memref_squeeze %dma_start3A_600 : memref<1x128x128xf32, #tpu.memory_space<vmem>> -> memref<128x128xf32, #tpu.memory_space<vmem>>
    %dma_start3A_602 = arith.constant 0 : i32
    %dma_start3A_603 = tpu.memref_slice %arg5[%add3A_595, %dma_start3A_602] : memref<32768x128xf32, #tpu.memory_space<hbm>> -> memref<128x128xf32, #tpu.memory_space<hbm>>
    %dma_start3A_604 = tpu.memref_slice %arg13[%dma_start3A_597] : memref<5x!tpu.dma_semaphore, #tpu.memory_space<semaphore_mem>> -> memref<1x!tpu.dma_semaphore, #tpu.memory_space<semaphore_mem>>
    %dma_start3A_605 = tpu.memref_squeeze %dma_start3A_604 : memref<1x!tpu.dma_semaphore, #tpu.memory_space<semaphore_mem>> -> memref<!tpu.dma_semaphore, #tpu.memory_space<semaphore_mem>>
    %dma_start3A_606 = arith.constant 0 : i32
    %dma_start3A_607 = tpu.memref_slice %arg5[%add3A_595, %dma_start3A_606] : memref<32768x128xf32, #tpu.memory_space<hbm>> -> memref<128x128xf32, #tpu.memory_space<hbm>>
    %dma_start3A_608 = arith.constant 0 : i32
    %dma_start3A_609 = arith.constant 0 : i32
    %dma_start3A_610 = tpu.memref_slice %arg8[%dma_start3A_596, %dma_start3A_608, %dma_start3A_609] : memref<5x128x128xf32, #tpu.memory_space<vmem>> -> memref<1x128x128xf32, #tpu.memory_space<vmem>>
    %dma_start3A_611 = tpu.memref_squeeze %dma_start3A_610 : memref<1x128x128xf32, #tpu.memory_space<vmem>> -> memref<128x128xf32, #tpu.memory_space<vmem>>
    tpu.enqueue_dma source(%dma_start3A_611 : memref<128x128xf32, #tpu.memory_space<vmem>>) target(%dma_start3A_607 : memref<128x128xf32, #tpu.memory_space<hbm>>) target_semaphore(%dma_start3A_605 : memref<!tpu.dma_semaphore, #tpu.memory_space<semaphore_mem>>)
    %dma_wait3A_612 = arith.constant 2 : i32
    %dma_wait3A_613 = arith.constant 2 : i32
    %dma_wait3A_614 = arith.constant 2 : i32
    %dma_wait3A_615 = arith.constant 0 : i32
    %dma_wait3A_616 = arith.constant 0 : i32
    %dma_wait3A_617 = tpu.memref_slice %arg8[%dma_wait3A_613, %dma_wait3A_615, %dma_wait3A_616] : memref<5x128x128xf32, #tpu.memory_space<vmem>> -> memref<1x128x128xf32, #tpu.memory_space<vmem>>
    %dma_wait3A_618 = tpu.memref_squeeze %dma_wait3A_617 : memref<1x128x128xf32, #tpu.memory_space<vmem>> -> memref<128x128xf32, #tpu.memory_space<vmem>>
    %dma_wait3A_619 = arith.constant 128 : i32
    %dma_wait3A_620 = tpu.memref_slice %arg6[%dma_wait3A_612, %dma_wait3A_619] : memref<4x256xi32, #tpu.memory_space<vmem>> -> memref<1x128xi32, #tpu.memory_space<vmem>>
    %dma_wait3A_621 = tpu.memref_squeeze %dma_wait3A_620 : memref<1x128xi32, #tpu.memory_space<vmem>> -> memref<128xi32, #tpu.memory_space<vmem>>
    %dma_wait3A_622 = arith.constant 0 : i32
    %dma_wait3A_623 = arith.constant 0 : i32
    %dma_wait3A_624 = tpu.memref_slice %arg3[%dma_wait3A_622, %dma_wait3A_623] : memref<100000x128xf32, #tpu.memory_space<hbm>> -> memref<100000x128xf32, #tpu.memory_space<hbm>>
    %dma_wait3A_625 = tpu.memref_slice %arg12[%dma_wait3A_614] : memref<5x!tpu.dma_semaphore, #tpu.memory_space<semaphore_mem>> -> memref<1x!tpu.dma_semaphore, #tpu.memory_space<semaphore_mem>>
    %dma_wait3A_626 = tpu.memref_squeeze %dma_wait3A_625 : memref<1x!tpu.dma_semaphore, #tpu.memory_space<semaphore_mem>> -> memref<!tpu.dma_semaphore, #tpu.memory_space<semaphore_mem>>
    tpu.wait_indirect_dma semaphore(%dma_wait3A_626 : memref<!tpu.dma_semaphore, #tpu.memory_space<semaphore_mem>>) src(%dma_wait3A_624 : memref<100000x128xf32, #tpu.memory_space<hbm>>) dst(%dma_wait3A_618 : memref<128x128xf32, #tpu.memory_space<vmem>>)
    %scan3A_627 = arith.constant 0 : i32
    %scan3A_628 = arith.constant 2 : i32
    %scan3A_629 = arith.constant 0 : i32
    %scan3A_630 = arith.constant 128 : i32
    %scan3A_631 = arith.addi %scan3A_629, %scan3A_630 : i32
    %scan3A_632 = arith.constant 1 : i32
    scf.for %scan3A_818 = %scan3A_629 to %scan3A_631 step %scan3A_632  : i32 {
      %add3A_819 = arith.constant 128 : i32
      %add3A_820 = arith.addi %add3A_819, %scan3A_818 : i32
      %get3A = arith.index_cast %add3A_820 : i32 to index
      %get3A_821 = arith.constant 0 : index
      %get3A_822 = tpu.vector_load %arg7[%get3A, %get3A_821] {strides = array<i32>} : memref<256x128xf32, #tpu.memory_space<vmem>>, vector<1x16xf32>,
      %get3A_823 = vector.shape_cast %get3A_822 : vector<1x16xf32> to vector<16xf32>
      %swap3A = arith.constant 0 : i32
      %swap3A_824 = arith.constant 0 : i32
      %swap3A_825 = tpu.memref_slice %arg8[%scan3A_628, %swap3A, %swap3A_824] : memref<5x128x128xf32, #tpu.memory_space<vmem>> -> memref<1x128x128xf32, #tpu.memory_space<vmem>>
      %swap3A_826 = tpu.memref_squeeze %swap3A_825 : memref<1x128x128xf32, #tpu.memory_space<vmem>> -> memref<128x128xf32, #tpu.memory_space<vmem>>
      %swap3A_827 = arith.index_cast %scan3A_818 : i32 to index
      %swap3A_828 = arith.constant 0 : index
      %swap3A_829 = tpu.vector_load %swap3A_826[%swap3A_827, %swap3A_828] {strides = array<i32>} : memref<128x128xf32, #tpu.memory_space<vmem>>, vector<1x16xf32>,
      %swap3A_830 = vector.shape_cast %swap3A_829 : vector<1x16xf32> to vector<16xf32>
      %swap3A_831 = vector.shape_cast %get3A_823 : vector<16xf32> to vector<1x16xf32>
      tpu.vector_store %swap3A_826[%swap3A_827, %swap3A_828], %swap3A_831 {add = true, strides = array<i32>} : memref<128x128xf32, #tpu.memory_space<vmem>>, vector<1x16xf32>,
      %get3A_832 = arith.index_cast %add3A_820 : i32 to index
      %get3A_833 = arith.constant 16 : index
      %get3A_834 = tpu.vector_load %arg7[%get3A_832, %get3A_833] {strides = array<i32>} : memref<256x128xf32, #tpu.memory_space<vmem>>, vector<1x16xf32>,
      %get3A_835 = vector.shape_cast %get3A_834 : vector<1x16xf32> to vector<16xf32>
      %swap3A_836 = arith.constant 0 : i32
      %swap3A_837 = arith.constant 0 : i32
      %swap3A_838 = tpu.memref_slice %arg8[%scan3A_628, %swap3A_836, %swap3A_837] : memref<5x128x128xf32, #tpu.memory_space<vmem>> -> memref<1x128x128xf32, #tpu.memory_space<vmem>>
      %swap3A_839 = tpu.memref_squeeze %swap3A_838 : memref<1x128x128xf32, #tpu.memory_space<vmem>> -> memref<128x128xf32, #tpu.memory_space<vmem>>
      %swap3A_840 = arith.index_cast %scan3A_818 : i32 to index
      %swap3A_841 = arith.constant 16 : index
      %swap3A_842 = tpu.vector_load %swap3A_839[%swap3A_840, %swap3A_841] {strides = array<i32>} : memref<128x128xf32, #tpu.memory_space<vmem>>, vector<1x16xf32>,
      %swap3A_843 = vector.shape_cast %swap3A_842 : vector<1x16xf32> to vector<16xf32>
      %swap3A_844 = vector.shape_cast %get3A_835 : vector<16xf32> to vector<1x16xf32>
      tpu.vector_store %swap3A_839[%swap3A_840, %swap3A_841], %swap3A_844 {add = true, strides = array<i32>} : memref<128x128xf32, #tpu.memory_space<vmem>>, vector<1x16xf32>,
      %get3A_845 = arith.index_cast %add3A_820 : i32 to index
      %get3A_846 = arith.constant 32 : index
      %get3A_847 = tpu.vector_load %arg7[%get3A_845, %get3A_846] {strides = array<i32>} : memref<256x128xf32, #tpu.memory_space<vmem>>, vector<1x16xf32>,
      %get3A_848 = vector.shape_cast %get3A_847 : vector<1x16xf32> to vector<16xf32>
      %swap3A_849 = arith.constant 0 : i32
      %swap3A_850 = arith.constant 0 : i32
      %swap3A_851 = tpu.memref_slice %arg8[%scan3A_628, %swap3A_849, %swap3A_850] : memref<5x128x128xf32, #tpu.memory_space<vmem>> -> memref<1x128x128xf32, #tpu.memory_space<vmem>>
      %swap3A_852 = tpu.memref_squeeze %swap3A_851 : memref<1x128x128xf32, #tpu.memory_space<vmem>> -> memref<128x128xf32, #tpu.memory_space<vmem>>
      %swap3A_853 = arith.index_cast %scan3A_818 : i32 to index
      %swap3A_854 = arith.constant 32 : index
      %swap3A_855 = tpu.vector_load %swap3A_852[%swap3A_853, %swap3A_854] {strides = array<i32>} : memref<128x128xf32, #tpu.memory_space<vmem>>, vector<1x16xf32>,
      %swap3A_856 = vector.shape_cast %swap3A_855 : vector<1x16xf32> to vector<16xf32>
      %swap3A_857 = vector.shape_cast %get3A_848 : vector<16xf32> to vector<1x16xf32>
      tpu.vector_store %swap3A_852[%swap3A_853, %swap3A_854], %swap3A_857 {add = true, strides = array<i32>} : memref<128x128xf32, #tpu.memory_space<vmem>>, vector<1x16xf32>,
      %get3A_858 = arith.index_cast %add3A_820 : i32 to index
      %get3A_859 = arith.constant 48 : index
      %get3A_860 = tpu.vector_load %arg7[%get3A_858, %get3A_859] {strides = array<i32>} : memref<256x128xf32, #tpu.memory_space<vmem>>, vector<1x16xf32>,
      %get3A_861 = vector.shape_cast %get3A_860 : vector<1x16xf32> to vector<16xf32>
      %swap3A_862 = arith.constant 0 : i32
      %swap3A_863 = arith.constant 0 : i32
      %swap3A_864 = tpu.memref_slice %arg8[%scan3A_628, %swap3A_862, %swap3A_863] : memref<5x128x128xf32, #tpu.memory_space<vmem>> -> memref<1x128x128xf32, #tpu.memory_space<vmem>>
      %swap3A_865 = tpu.memref_squeeze %swap3A_864 : memref<1x128x128xf32, #tpu.memory_space<vmem>> -> memref<128x128xf32, #tpu.memory_space<vmem>>
      %swap3A_866 = arith.index_cast %scan3A_818 : i32 to index
      %swap3A_867 = arith.constant 48 : index
      %swap3A_868 = tpu.vector_load %swap3A_865[%swap3A_866, %swap3A_867] {strides = array<i32>} : memref<128x128xf32, #tpu.memory_space<vmem>>, vector<1x16xf32>,
      %swap3A_869 = vector.shape_cast %swap3A_868 : vector<1x16xf32> to vector<16xf32>
      %swap3A_870 = vector.shape_cast %get3A_861 : vector<16xf32> to vector<1x16xf32>
      tpu.vector_store %swap3A_865[%swap3A_866, %swap3A_867], %swap3A_870 {add = true, strides = array<i32>} : memref<128x128xf32, #tpu.memory_space<vmem>>, vector<1x16xf32>,
      %get3A_871 = arith.index_cast %add3A_820 : i32 to index
      %get3A_872 = arith.constant 64 : index
      %get3A_873 = tpu.vector_load %arg7[%get3A_871, %get3A_872] {strides = array<i32>} : memref<256x128xf32, #tpu.memory_space<vmem>>, vector<1x16xf32>,
      %get3A_874 = vector.shape_cast %get3A_873 : vector<1x16xf32> to vector<16xf32>
      %swap3A_875 = arith.constant 0 : i32
      %swap3A_876 = arith.constant 0 : i32
      %swap3A_877 = tpu.memref_slice %arg8[%scan3A_628, %swap3A_875, %swap3A_876] : memref<5x128x128xf32, #tpu.memory_space<vmem>> -> memref<1x128x128xf32, #tpu.memory_space<vmem>>
      %swap3A_878 = tpu.memref_squeeze %swap3A_877 : memref<1x128x128xf32, #tpu.memory_space<vmem>> -> memref<128x128xf32, #tpu.memory_space<vmem>>
      %swap3A_879 = arith.index_cast %scan3A_818 : i32 to index
      %swap3A_880 = arith.constant 64 : index
      %swap3A_881 = tpu.vector_load %swap3A_878[%swap3A_879, %swap3A_880] {strides = array<i32>} : memref<128x128xf32, #tpu.memory_space<vmem>>, vector<1x16xf32>,
      %swap3A_882 = vector.shape_cast %swap3A_881 : vector<1x16xf32> to vector<16xf32>
      %swap3A_883 = vector.shape_cast %get3A_874 : vector<16xf32> to vector<1x16xf32>
      tpu.vector_store %swap3A_878[%swap3A_879, %swap3A_880], %swap3A_883 {add = true, strides = array<i32>} : memref<128x128xf32, #tpu.memory_space<vmem>>, vector<1x16xf32>,
      %get3A_884 = arith.index_cast %add3A_820 : i32 to index
      %get3A_885 = arith.constant 80 : index
      %get3A_886 = tpu.vector_load %arg7[%get3A_884, %get3A_885] {strides = array<i32>} : memref<256x128xf32, #tpu.memory_space<vmem>>, vector<1x16xf32>,
      %get3A_887 = vector.shape_cast %get3A_886 : vector<1x16xf32> to vector<16xf32>
      %swap3A_888 = arith.constant 0 : i32
      %swap3A_889 = arith.constant 0 : i32
      %swap3A_890 = tpu.memref_slice %arg8[%scan3A_628, %swap3A_888, %swap3A_889] : memref<5x128x128xf32, #tpu.memory_space<vmem>> -> memref<1x128x128xf32, #tpu.memory_space<vmem>>
      %swap3A_891 = tpu.memref_squeeze %swap3A_890 : memref<1x128x128xf32, #tpu.memory_space<vmem>> -> memref<128x128xf32, #tpu.memory_space<vmem>>
      %swap3A_892 = arith.index_cast %scan3A_818 : i32 to index
      %swap3A_893 = arith.constant 80 : index
      %swap3A_894 = tpu.vector_load %swap3A_891[%swap3A_892, %swap3A_893] {strides = array<i32>} : memref<128x128xf32, #tpu.memory_space<vmem>>, vector<1x16xf32>,
      %swap3A_895 = vector.shape_cast %swap3A_894 : vector<1x16xf32> to vector<16xf32>
      %swap3A_896 = vector.shape_cast %get3A_887 : vector<16xf32> to vector<1x16xf32>
      tpu.vector_store %swap3A_891[%swap3A_892, %swap3A_893], %swap3A_896 {add = true, strides = array<i32>} : memref<128x128xf32, #tpu.memory_space<vmem>>, vector<1x16xf32>,
      %get3A_897 = arith.index_cast %add3A_820 : i32 to index
      %get3A_898 = arith.constant 96 : index
      %get3A_899 = tpu.vector_load %arg7[%get3A_897, %get3A_898] {strides = array<i32>} : memref<256x128xf32, #tpu.memory_space<vmem>>, vector<1x16xf32>,
      %get3A_900 = vector.shape_cast %get3A_899 : vector<1x16xf32> to vector<16xf32>
      %swap3A_901 = arith.constant 0 : i32
      %swap3A_902 = arith.constant 0 : i32
      %swap3A_903 = tpu.memref_slice %arg8[%scan3A_628, %swap3A_901, %swap3A_902] : memref<5x128x128xf32, #tpu.memory_space<vmem>> -> memref<1x128x128xf32, #tpu.memory_space<vmem>>
      %swap3A_904 = tpu.memref_squeeze %swap3A_903 : memref<1x128x128xf32, #tpu.memory_space<vmem>> -> memref<128x128xf32, #tpu.memory_space<vmem>>
      %swap3A_905 = arith.index_cast %scan3A_818 : i32 to index
      %swap3A_906 = arith.constant 96 : index
      %swap3A_907 = tpu.vector_load %swap3A_904[%swap3A_905, %swap3A_906] {strides = array<i32>} : memref<128x128xf32, #tpu.memory_space<vmem>>, vector<1x16xf32>,
      %swap3A_908 = vector.shape_cast %swap3A_907 : vector<1x16xf32> to vector<16xf32>
      %swap3A_909 = vector.shape_cast %get3A_900 : vector<16xf32> to vector<1x16xf32>
      tpu.vector_store %swap3A_904[%swap3A_905, %swap3A_906], %swap3A_909 {add = true, strides = array<i32>} : memref<128x128xf32, #tpu.memory_space<vmem>>, vector<1x16xf32>,
      %get3A_910 = arith.index_cast %add3A_820 : i32 to index
      %get3A_911 = arith.constant 112 : index
      %get3A_912 = tpu.vector_load %arg7[%get3A_910, %get3A_911] {strides = array<i32>} : memref<256x128xf32, #tpu.memory_space<vmem>>, vector<1x16xf32>,
      %get3A_913 = vector.shape_cast %get3A_912 : vector<1x16xf32> to vector<16xf32>
      %swap3A_914 = arith.constant 0 : i32
      %swap3A_915 = arith.constant 0 : i32
      %swap3A_916 = tpu.memref_slice %arg8[%scan3A_628, %swap3A_914, %swap3A_915] : memref<5x128x128xf32, #tpu.memory_space<vmem>> -> memref<1x128x128xf32, #tpu.memory_space<vmem>>
      %swap3A_917 = tpu.memref_squeeze %swap3A_916 : memref<1x128x128xf32, #tpu.memory_space<vmem>> -> memref<128x128xf32, #tpu.memory_space<vmem>>
      %swap3A_918 = arith.index_cast %scan3A_818 : i32 to index
      %swap3A_919 = arith.constant 112 : index
      %swap3A_920 = tpu.vector_load %swap3A_917[%swap3A_918, %swap3A_919] {strides = array<i32>} : memref<128x128xf32, #tpu.memory_space<vmem>>, vector<1x16xf32>,
      %swap3A_921 = vector.shape_cast %swap3A_920 : vector<1x16xf32> to vector<16xf32>
      %swap3A_922 = vector.shape_cast %get3A_913 : vector<16xf32> to vector<1x16xf32>
      tpu.vector_store %swap3A_917[%swap3A_918, %swap3A_919], %swap3A_922 {add = true, strides = array<i32>} : memref<128x128xf32, #tpu.memory_space<vmem>>, vector<1x16xf32>,
    }
    %scan3A_633 = arith.constant 128 : i32
    %add3A_634 = arith.constant 16384 : i32
    %add3A_635 = arith.addi %add3A_634, %mul3A_2 : i32
    %add3A_636 = arith.constant 128 : i32
    %add3A_637 = arith.addi %add3A_635, %add3A_636 : i32
    %dma_start3A_638 = arith.constant 2 : i32
    %dma_start3A_639 = arith.constant 2 : i32
    %dma_start3A_640 = arith.constant 0 : i32
    %dma_start3A_641 = arith.constant 0 : i32
    %dma_start3A_642 = tpu.memref_slice %arg8[%dma_start3A_638, %dma_start3A_640, %dma_start3A_641] : memref<5x128x128xf32, #tpu.memory_space<vmem>> -> memref<1x128x128xf32, #tpu.memory_space<vmem>>
    %dma_start3A_643 = tpu.memref_squeeze %dma_start3A_642 : memref<1x128x128xf32, #tpu.memory_space<vmem>> -> memref<128x128xf32, #tpu.memory_space<vmem>>
    %dma_start3A_644 = arith.constant 0 : i32
    %dma_start3A_645 = tpu.memref_slice %arg5[%add3A_637, %dma_start3A_644] : memref<32768x128xf32, #tpu.memory_space<hbm>> -> memref<128x128xf32, #tpu.memory_space<hbm>>
    %dma_start3A_646 = tpu.memref_slice %arg13[%dma_start3A_639] : memref<5x!tpu.dma_semaphore, #tpu.memory_space<semaphore_mem>> -> memref<1x!tpu.dma_semaphore, #tpu.memory_space<semaphore_mem>>
    %dma_start3A_647 = tpu.memref_squeeze %dma_start3A_646 : memref<1x!tpu.dma_semaphore, #tpu.memory_space<semaphore_mem>> -> memref<!tpu.dma_semaphore, #tpu.memory_space<semaphore_mem>>
    %dma_start3A_648 = arith.constant 0 : i32
    %dma_start3A_649 = tpu.memref_slice %arg5[%add3A_637, %dma_start3A_648] : memref<32768x128xf32, #tpu.memory_space<hbm>> -> memref<128x128xf32, #tpu.memory_space<hbm>>
    %dma_start3A_650 = arith.constant 0 : i32
    %dma_start3A_651 = arith.constant 0 : i32
    %dma_start3A_652 = tpu.memref_slice %arg8[%dma_start3A_638, %dma_start3A_650, %dma_start3A_651] : memref<5x128x128xf32, #tpu.memory_space<vmem>> -> memref<1x128x128xf32, #tpu.memory_space<vmem>>
    %dma_start3A_653 = tpu.memref_squeeze %dma_start3A_652 : memref<1x128x128xf32, #tpu.memory_space<vmem>> -> memref<128x128xf32, #tpu.memory_space<vmem>>
    tpu.enqueue_dma source(%dma_start3A_653 : memref<128x128xf32, #tpu.memory_space<vmem>>) target(%dma_start3A_649 : memref<128x128xf32, #tpu.memory_space<hbm>>) target_semaphore(%dma_start3A_647 : memref<!tpu.dma_semaphore, #tpu.memory_space<semaphore_mem>>)
    %dma_wait3A_654 = arith.constant 3 : i32
    %dma_wait3A_655 = arith.constant 3 : i32
    %dma_wait3A_656 = arith.constant 3 : i32
    %dma_wait3A_657 = arith.constant 0 : i32
    %dma_wait3A_658 = arith.constant 0 : i32
    %dma_wait3A_659 = tpu.memref_slice %arg8[%dma_wait3A_655, %dma_wait3A_657, %dma_wait3A_658] : memref<5x128x128xf32, #tpu.memory_space<vmem>> -> memref<1x96x128xf32, #tpu.memory_space<vmem>>
    %dma_wait3A_660 = tpu.memref_squeeze %dma_wait3A_659 : memref<1x96x128xf32, #tpu.memory_space<vmem>> -> memref<96x128xf32, #tpu.memory_space<vmem>>
    %dma_wait3A_661 = arith.constant 128 : i32
    %dma_wait3A_662 = tpu.memref_slice %arg6[%dma_wait3A_654, %dma_wait3A_661] : memref<4x256xi32, #tpu.memory_space<vmem>> -> memref<1x96xi32, #tpu.memory_space<vmem>>
    %dma_wait3A_663 = tpu.memref_squeeze %dma_wait3A_662 : memref<1x96xi32, #tpu.memory_space<vmem>> -> memref<96xi32, #tpu.memory_space<vmem>>
    %dma_wait3A_664 = arith.constant 0 : i32
    %dma_wait3A_665 = arith.constant 0 : i32
    %dma_wait3A_666 = tpu.memref_slice %arg3[%dma_wait3A_664, %dma_wait3A_665] : memref<100000x128xf32, #tpu.memory_space<hbm>> -> memref<100000x128xf32, #tpu.memory_space<hbm>>
    %dma_wait3A_667 = tpu.memref_slice %arg12[%dma_wait3A_656] : memref<5x!tpu.dma_semaphore, #tpu.memory_space<semaphore_mem>> -> memref<1x!tpu.dma_semaphore, #tpu.memory_space<semaphore_mem>>
    %dma_wait3A_668 = tpu.memref_squeeze %dma_wait3A_667 : memref<1x!tpu.dma_semaphore, #tpu.memory_space<semaphore_mem>> -> memref<!tpu.dma_semaphore, #tpu.memory_space<semaphore_mem>>
    tpu.wait_indirect_dma semaphore(%dma_wait3A_668 : memref<!tpu.dma_semaphore, #tpu.memory_space<semaphore_mem>>) src(%dma_wait3A_666 : memref<100000x128xf32, #tpu.memory_space<hbm>>) dst(%dma_wait3A_660 : memref<96x128xf32, #tpu.memory_space<vmem>>)
    %scan3A_669 = arith.constant 0 : i32
    %scan3A_670 = arith.constant 3 : i32
    %scan3A_671 = arith.constant 0 : i32
    %scan3A_672 = arith.constant 96 : i32
    %scan3A_673 = arith.addi %scan3A_671, %scan3A_672 : i32
    %scan3A_674 = arith.constant 1 : i32
    scf.for %scan3A_818 = %scan3A_671 to %scan3A_673 step %scan3A_674  : i32 {
      %add3A_819 = arith.constant 128 : i32
      %add3A_820 = arith.addi %add3A_819, %scan3A_818 : i32
      %get3A = arith.index_cast %add3A_820 : i32 to index
      %get3A_821 = arith.constant 0 : index
      %get3A_822 = tpu.vector_load %arg7[%get3A, %get3A_821] {strides = array<i32>} : memref<256x128xf32, #tpu.memory_space<vmem>>, vector<1x16xf32>,
      %get3A_823 = vector.shape_cast %get3A_822 : vector<1x16xf32> to vector<16xf32>
      %swap3A = arith.constant 0 : i32
      %swap3A_824 = arith.constant 0 : i32
      %swap3A_825 = tpu.memref_slice %arg8[%scan3A_670, %swap3A, %swap3A_824] : memref<5x128x128xf32, #tpu.memory_space<vmem>> -> memref<1x128x128xf32, #tpu.memory_space<vmem>>
      %swap3A_826 = tpu.memref_squeeze %swap3A_825 : memref<1x128x128xf32, #tpu.memory_space<vmem>> -> memref<128x128xf32, #tpu.memory_space<vmem>>
      %swap3A_827 = arith.index_cast %scan3A_818 : i32 to index
      %swap3A_828 = arith.constant 0 : index
      %swap3A_829 = tpu.vector_load %swap3A_826[%swap3A_827, %swap3A_828] {strides = array<i32>} : memref<128x128xf32, #tpu.memory_space<vmem>>, vector<1x16xf32>,
      %swap3A_830 = vector.shape_cast %swap3A_829 : vector<1x16xf32> to vector<16xf32>
      %swap3A_831 = vector.shape_cast %get3A_823 : vector<16xf32> to vector<1x16xf32>
      tpu.vector_store %swap3A_826[%swap3A_827, %swap3A_828], %swap3A_831 {add = true, strides = array<i32>} : memref<128x128xf32, #tpu.memory_space<vmem>>, vector<1x16xf32>,
      %get3A_832 = arith.index_cast %add3A_820 : i32 to index
      %get3A_833 = arith.constant 16 : index
      %get3A_834 = tpu.vector_load %arg7[%get3A_832, %get3A_833] {strides = array<i32>} : memref<256x128xf32, #tpu.memory_space<vmem>>, vector<1x16xf32>,
      %get3A_835 = vector.shape_cast %get3A_834 : vector<1x16xf32> to vector<16xf32>
      %swap3A_836 = arith.constant 0 : i32
      %swap3A_837 = arith.constant 0 : i32
      %swap3A_838 = tpu.memref_slice %arg8[%scan3A_670, %swap3A_836, %swap3A_837] : memref<5x128x128xf32, #tpu.memory_space<vmem>> -> memref<1x128x128xf32, #tpu.memory_space<vmem>>
      %swap3A_839 = tpu.memref_squeeze %swap3A_838 : memref<1x128x128xf32, #tpu.memory_space<vmem>> -> memref<128x128xf32, #tpu.memory_space<vmem>>
      %swap3A_840 = arith.index_cast %scan3A_818 : i32 to index
      %swap3A_841 = arith.constant 16 : index
      %swap3A_842 = tpu.vector_load %swap3A_839[%swap3A_840, %swap3A_841] {strides = array<i32>} : memref<128x128xf32, #tpu.memory_space<vmem>>, vector<1x16xf32>,
      %swap3A_843 = vector.shape_cast %swap3A_842 : vector<1x16xf32> to vector<16xf32>
      %swap3A_844 = vector.shape_cast %get3A_835 : vector<16xf32> to vector<1x16xf32>
      tpu.vector_store %swap3A_839[%swap3A_840, %swap3A_841], %swap3A_844 {add = true, strides = array<i32>} : memref<128x128xf32, #tpu.memory_space<vmem>>, vector<1x16xf32>,
      %get3A_845 = arith.index_cast %add3A_820 : i32 to index
      %get3A_846 = arith.constant 32 : index
      %get3A_847 = tpu.vector_load %arg7[%get3A_845, %get3A_846] {strides = array<i32>} : memref<256x128xf32, #tpu.memory_space<vmem>>, vector<1x16xf32>,
      %get3A_848 = vector.shape_cast %get3A_847 : vector<1x16xf32> to vector<16xf32>
      %swap3A_849 = arith.constant 0 : i32
      %swap3A_850 = arith.constant 0 : i32
      %swap3A_851 = tpu.memref_slice %arg8[%scan3A_670, %swap3A_849, %swap3A_850] : memref<5x128x128xf32, #tpu.memory_space<vmem>> -> memref<1x128x128xf32, #tpu.memory_space<vmem>>
      %swap3A_852 = tpu.memref_squeeze %swap3A_851 : memref<1x128x128xf32, #tpu.memory_space<vmem>> -> memref<128x128xf32, #tpu.memory_space<vmem>>
      %swap3A_853 = arith.index_cast %scan3A_818 : i32 to index
      %swap3A_854 = arith.constant 32 : index
      %swap3A_855 = tpu.vector_load %swap3A_852[%swap3A_853, %swap3A_854] {strides = array<i32>} : memref<128x128xf32, #tpu.memory_space<vmem>>, vector<1x16xf32>,
      %swap3A_856 = vector.shape_cast %swap3A_855 : vector<1x16xf32> to vector<16xf32>
      %swap3A_857 = vector.shape_cast %get3A_848 : vector<16xf32> to vector<1x16xf32>
      tpu.vector_store %swap3A_852[%swap3A_853, %swap3A_854], %swap3A_857 {add = true, strides = array<i32>} : memref<128x128xf32, #tpu.memory_space<vmem>>, vector<1x16xf32>,
      %get3A_858 = arith.index_cast %add3A_820 : i32 to index
      %get3A_859 = arith.constant 48 : index
      %get3A_860 = tpu.vector_load %arg7[%get3A_858, %get3A_859] {strides = array<i32>} : memref<256x128xf32, #tpu.memory_space<vmem>>, vector<1x16xf32>,
      %get3A_861 = vector.shape_cast %get3A_860 : vector<1x16xf32> to vector<16xf32>
      %swap3A_862 = arith.constant 0 : i32
      %swap3A_863 = arith.constant 0 : i32
      %swap3A_864 = tpu.memref_slice %arg8[%scan3A_670, %swap3A_862, %swap3A_863] : memref<5x128x128xf32, #tpu.memory_space<vmem>> -> memref<1x128x128xf32, #tpu.memory_space<vmem>>
      %swap3A_865 = tpu.memref_squeeze %swap3A_864 : memref<1x128x128xf32, #tpu.memory_space<vmem>> -> memref<128x128xf32, #tpu.memory_space<vmem>>
      %swap3A_866 = arith.index_cast %scan3A_818 : i32 to index
      %swap3A_867 = arith.constant 48 : index
      %swap3A_868 = tpu.vector_load %swap3A_865[%swap3A_866, %swap3A_867] {strides = array<i32>} : memref<128x128xf32, #tpu.memory_space<vmem>>, vector<1x16xf32>,
      %swap3A_869 = vector.shape_cast %swap3A_868 : vector<1x16xf32> to vector<16xf32>
      %swap3A_870 = vector.shape_cast %get3A_861 : vector<16xf32> to vector<1x16xf32>
      tpu.vector_store %swap3A_865[%swap3A_866, %swap3A_867], %swap3A_870 {add = true, strides = array<i32>} : memref<128x128xf32, #tpu.memory_space<vmem>>, vector<1x16xf32>,
      %get3A_871 = arith.index_cast %add3A_820 : i32 to index
      %get3A_872 = arith.constant 64 : index
      %get3A_873 = tpu.vector_load %arg7[%get3A_871, %get3A_872] {strides = array<i32>} : memref<256x128xf32, #tpu.memory_space<vmem>>, vector<1x16xf32>,
      %get3A_874 = vector.shape_cast %get3A_873 : vector<1x16xf32> to vector<16xf32>
      %swap3A_875 = arith.constant 0 : i32
      %swap3A_876 = arith.constant 0 : i32
      %swap3A_877 = tpu.memref_slice %arg8[%scan3A_670, %swap3A_875, %swap3A_876] : memref<5x128x128xf32, #tpu.memory_space<vmem>> -> memref<1x128x128xf32, #tpu.memory_space<vmem>>
      %swap3A_878 = tpu.memref_squeeze %swap3A_877 : memref<1x128x128xf32, #tpu.memory_space<vmem>> -> memref<128x128xf32, #tpu.memory_space<vmem>>
      %swap3A_879 = arith.index_cast %scan3A_818 : i32 to index
      %swap3A_880 = arith.constant 64 : index
      %swap3A_881 = tpu.vector_load %swap3A_878[%swap3A_879, %swap3A_880] {strides = array<i32>} : memref<128x128xf32, #tpu.memory_space<vmem>>, vector<1x16xf32>,
      %swap3A_882 = vector.shape_cast %swap3A_881 : vector<1x16xf32> to vector<16xf32>
      %swap3A_883 = vector.shape_cast %get3A_874 : vector<16xf32> to vector<1x16xf32>
      tpu.vector_store %swap3A_878[%swap3A_879, %swap3A_880], %swap3A_883 {add = true, strides = array<i32>} : memref<128x128xf32, #tpu.memory_space<vmem>>, vector<1x16xf32>,
      %get3A_884 = arith.index_cast %add3A_820 : i32 to index
      %get3A_885 = arith.constant 80 : index
      %get3A_886 = tpu.vector_load %arg7[%get3A_884, %get3A_885] {strides = array<i32>} : memref<256x128xf32, #tpu.memory_space<vmem>>, vector<1x16xf32>,
      %get3A_887 = vector.shape_cast %get3A_886 : vector<1x16xf32> to vector<16xf32>
      %swap3A_888 = arith.constant 0 : i32
      %swap3A_889 = arith.constant 0 : i32
      %swap3A_890 = tpu.memref_slice %arg8[%scan3A_670, %swap3A_888, %swap3A_889] : memref<5x128x128xf32, #tpu.memory_space<vmem>> -> memref<1x128x128xf32, #tpu.memory_space<vmem>>
      %swap3A_891 = tpu.memref_squeeze %swap3A_890 : memref<1x128x128xf32, #tpu.memory_space<vmem>> -> memref<128x128xf32, #tpu.memory_space<vmem>>
      %swap3A_892 = arith.index_cast %scan3A_818 : i32 to index
      %swap3A_893 = arith.constant 80 : index
      %swap3A_894 = tpu.vector_load %swap3A_891[%swap3A_892, %swap3A_893] {strides = array<i32>} : memref<128x128xf32, #tpu.memory_space<vmem>>, vector<1x16xf32>,
      %swap3A_895 = vector.shape_cast %swap3A_894 : vector<1x16xf32> to vector<16xf32>
      %swap3A_896 = vector.shape_cast %get3A_887 : vector<16xf32> to vector<1x16xf32>
      tpu.vector_store %swap3A_891[%swap3A_892, %swap3A_893], %swap3A_896 {add = true, strides = array<i32>} : memref<128x128xf32, #tpu.memory_space<vmem>>, vector<1x16xf32>,
      %get3A_897 = arith.index_cast %add3A_820 : i32 to index
      %get3A_898 = arith.constant 96 : index
      %get3A_899 = tpu.vector_load %arg7[%get3A_897, %get3A_898] {strides = array<i32>} : memref<256x128xf32, #tpu.memory_space<vmem>>, vector<1x16xf32>,
      %get3A_900 = vector.shape_cast %get3A_899 : vector<1x16xf32> to vector<16xf32>
      %swap3A_901 = arith.constant 0 : i32
      %swap3A_902 = arith.constant 0 : i32
      %swap3A_903 = tpu.memref_slice %arg8[%scan3A_670, %swap3A_901, %swap3A_902] : memref<5x128x128xf32, #tpu.memory_space<vmem>> -> memref<1x128x128xf32, #tpu.memory_space<vmem>>
      %swap3A_904 = tpu.memref_squeeze %swap3A_903 : memref<1x128x128xf32, #tpu.memory_space<vmem>> -> memref<128x128xf32, #tpu.memory_space<vmem>>
      %swap3A_905 = arith.index_cast %scan3A_818 : i32 to index
      %swap3A_906 = arith.constant 96 : index
      %swap3A_907 = tpu.vector_load %swap3A_904[%swap3A_905, %swap3A_906] {strides = array<i32>} : memref<128x128xf32, #tpu.memory_space<vmem>>, vector<1x16xf32>,
      %swap3A_908 = vector.shape_cast %swap3A_907 : vector<1x16xf32> to vector<16xf32>
      %swap3A_909 = vector.shape_cast %get3A_900 : vector<16xf32> to vector<1x16xf32>
      tpu.vector_store %swap3A_904[%swap3A_905, %swap3A_906], %swap3A_909 {add = true, strides = array<i32>} : memref<128x128xf32, #tpu.memory_space<vmem>>, vector<1x16xf32>,
      %get3A_910 = arith.index_cast %add3A_820 : i32 to index
      %get3A_911 = arith.constant 112 : index
      %get3A_912 = tpu.vector_load %arg7[%get3A_910, %get3A_911] {strides = array<i32>} : memref<256x128xf32, #tpu.memory_space<vmem>>, vector<1x16xf32>,
      %get3A_913 = vector.shape_cast %get3A_912 : vector<1x16xf32> to vector<16xf32>
      %swap3A_914 = arith.constant 0 : i32
      %swap3A_915 = arith.constant 0 : i32
      %swap3A_916 = tpu.memref_slice %arg8[%scan3A_670, %swap3A_914, %swap3A_915] : memref<5x128x128xf32, #tpu.memory_space<vmem>> -> memref<1x128x128xf32, #tpu.memory_space<vmem>>
      %swap3A_917 = tpu.memref_squeeze %swap3A_916 : memref<1x128x128xf32, #tpu.memory_space<vmem>> -> memref<128x128xf32, #tpu.memory_space<vmem>>
      %swap3A_918 = arith.index_cast %scan3A_818 : i32 to index
      %swap3A_919 = arith.constant 112 : index
      %swap3A_920 = tpu.vector_load %swap3A_917[%swap3A_918, %swap3A_919] {strides = array<i32>} : memref<128x128xf32, #tpu.memory_space<vmem>>, vector<1x16xf32>,
      %swap3A_921 = vector.shape_cast %swap3A_920 : vector<1x16xf32> to vector<16xf32>
      %swap3A_922 = vector.shape_cast %get3A_913 : vector<16xf32> to vector<1x16xf32>
      tpu.vector_store %swap3A_917[%swap3A_918, %swap3A_919], %swap3A_922 {add = true, strides = array<i32>} : memref<128x128xf32, #tpu.memory_space<vmem>>, vector<1x16xf32>,
    }
    %scan3A_675 = arith.constant 96 : i32
    %add3A_676 = arith.constant 24576 : i32
    %add3A_677 = arith.addi %add3A_676, %mul3A_2 : i32
    %add3A_678 = arith.constant 128 : i32
    %add3A_679 = arith.addi %add3A_677, %add3A_678 : i32
    %dma_start3A_680 = arith.constant 3 : i32
    %dma_start3A_681 = arith.constant 3 : i32
    %dma_start3A_682 = arith.constant 0 : i32
    %dma_start3A_683 = arith.constant 0 : i32
    %dma_start3A_684 = tpu.memref_slice %arg8[%dma_start3A_680, %dma_start3A_682, %dma_start3A_683] : memref<5x128x128xf32, #tpu.memory_space<vmem>> -> memref<1x96x128xf32, #tpu.memory_space<vmem>>
    %dma_start3A_685 = tpu.memref_squeeze %dma_start3A_684 : memref<1x96x128xf32, #tpu.memory_space<vmem>> -> memref<96x128xf32, #tpu.memory_space<vmem>>
    %dma_start3A_686 = arith.constant 0 : i32
    %dma_start3A_687 = tpu.memref_slice %arg5[%add3A_679, %dma_start3A_686] : memref<32768x128xf32, #tpu.memory_space<hbm>> -> memref<96x128xf32, #tpu.memory_space<hbm>>
    %dma_start3A_688 = tpu.memref_slice %arg13[%dma_start3A_681] : memref<5x!tpu.dma_semaphore, #tpu.memory_space<semaphore_mem>> -> memref<1x!tpu.dma_semaphore, #tpu.memory_space<semaphore_mem>>
    %dma_start3A_689 = tpu.memref_squeeze %dma_start3A_688 : memref<1x!tpu.dma_semaphore, #tpu.memory_space<semaphore_mem>> -> memref<!tpu.dma_semaphore, #tpu.memory_space<semaphore_mem>>
    %dma_start3A_690 = arith.constant 0 : i32
    %dma_start3A_691 = tpu.memref_slice %arg5[%add3A_679, %dma_start3A_690] : memref<32768x128xf32, #tpu.memory_space<hbm>> -> memref<96x128xf32, #tpu.memory_space<hbm>>
    %dma_start3A_692 = arith.constant 0 : i32
    %dma_start3A_693 = arith.constant 0 : i32
    %dma_start3A_694 = tpu.memref_slice %arg8[%dma_start3A_680, %dma_start3A_692, %dma_start3A_693] : memref<5x128x128xf32, #tpu.memory_space<vmem>> -> memref<1x96x128xf32, #tpu.memory_space<vmem>>
    %dma_start3A_695 = tpu.memref_squeeze %dma_start3A_694 : memref<1x96x128xf32, #tpu.memory_space<vmem>> -> memref<96x128xf32, #tpu.memory_space<vmem>>
    tpu.enqueue_dma source(%dma_start3A_695 : memref<96x128xf32, #tpu.memory_space<vmem>>) target(%dma_start3A_691 : memref<96x128xf32, #tpu.memory_space<hbm>>) target_semaphore(%dma_start3A_689 : memref<!tpu.dma_semaphore, #tpu.memory_space<semaphore_mem>>)
    %dma_wait3A_696 = arith.constant 3 : i32
    %dma_wait3A_697 = arith.constant 4 : i32
    %dma_wait3A_698 = arith.constant 4 : i32
    %dma_wait3A_699 = arith.constant 0 : i32
    %dma_wait3A_700 = arith.constant 0 : i32
    %dma_wait3A_701 = tpu.memref_slice %arg8[%dma_wait3A_697, %dma_wait3A_699, %dma_wait3A_700] : memref<5x128x128xf32, #tpu.memory_space<vmem>> -> memref<1x32x128xf32, #tpu.memory_space<vmem>>
    %dma_wait3A_702 = tpu.memref_squeeze %dma_wait3A_701 : memref<1x32x128xf32, #tpu.memory_space<vmem>> -> memref<32x128xf32, #tpu.memory_space<vmem>>
    %dma_wait3A_703 = arith.constant 224 : i32
    %dma_wait3A_704 = tpu.memref_slice %arg6[%dma_wait3A_696, %dma_wait3A_703] : memref<4x256xi32, #tpu.memory_space<vmem>> -> memref<1x32xi32, #tpu.memory_space<vmem>>
    %dma_wait3A_705 = tpu.memref_squeeze %dma_wait3A_704 : memref<1x32xi32, #tpu.memory_space<vmem>> -> memref<32xi32, #tpu.memory_space<vmem>>
    %dma_wait3A_706 = arith.constant 0 : i32
    %dma_wait3A_707 = arith.constant 0 : i32
    %dma_wait3A_708 = tpu.memref_slice %arg3[%dma_wait3A_706, %dma_wait3A_707] : memref<100000x128xf32, #tpu.memory_space<hbm>> -> memref<100000x128xf32, #tpu.memory_space<hbm>>
    %dma_wait3A_709 = tpu.memref_slice %arg12[%dma_wait3A_698] : memref<5x!tpu.dma_semaphore, #tpu.memory_space<semaphore_mem>> -> memref<1x!tpu.dma_semaphore, #tpu.memory_space<semaphore_mem>>
    %dma_wait3A_710 = tpu.memref_squeeze %dma_wait3A_709 : memref<1x!tpu.dma_semaphore, #tpu.memory_space<semaphore_mem>> -> memref<!tpu.dma_semaphore, #tpu.memory_space<semaphore_mem>>
    tpu.wait_indirect_dma semaphore(%dma_wait3A_710 : memref<!tpu.dma_semaphore, #tpu.memory_space<semaphore_mem>>) src(%dma_wait3A_708 : memref<100000x128xf32, #tpu.memory_space<hbm>>) dst(%dma_wait3A_702 : memref<32x128xf32, #tpu.memory_space<vmem>>)
    %scan3A_711 = arith.constant 0 : i32
    %scan3A_712 = arith.constant 4 : i32
    %scan3A_713 = arith.constant 0 : i32
    %scan3A_714 = arith.constant 32 : i32
    %scan3A_715 = arith.addi %scan3A_713, %scan3A_714 : i32
    %scan3A_716 = arith.constant 1 : i32
    scf.for %scan3A_818 = %scan3A_713 to %scan3A_715 step %scan3A_716  : i32 {
      %add3A_819 = arith.constant 224 : i32
      %add3A_820 = arith.addi %add3A_819, %scan3A_818 : i32
      %get3A = arith.index_cast %add3A_820 : i32 to index
      %get3A_821 = arith.constant 0 : index
      %get3A_822 = tpu.vector_load %arg7[%get3A, %get3A_821] {strides = array<i32>} : memref<256x128xf32, #tpu.memory_space<vmem>>, vector<1x16xf32>,
      %get3A_823 = vector.shape_cast %get3A_822 : vector<1x16xf32> to vector<16xf32>
      %swap3A = arith.constant 0 : i32
      %swap3A_824 = arith.constant 0 : i32
      %swap3A_825 = tpu.memref_slice %arg8[%scan3A_712, %swap3A, %swap3A_824] : memref<5x128x128xf32, #tpu.memory_space<vmem>> -> memref<1x128x128xf32, #tpu.memory_space<vmem>>
      %swap3A_826 = tpu.memref_squeeze %swap3A_825 : memref<1x128x128xf32, #tpu.memory_space<vmem>> -> memref<128x128xf32, #tpu.memory_space<vmem>>
      %swap3A_827 = arith.index_cast %scan3A_818 : i32 to index
      %swap3A_828 = arith.constant 0 : index
      %swap3A_829 = tpu.vector_load %swap3A_826[%swap3A_827, %swap3A_828] {strides = array<i32>} : memref<128x128xf32, #tpu.memory_space<vmem>>, vector<1x16xf32>,
      %swap3A_830 = vector.shape_cast %swap3A_829 : vector<1x16xf32> to vector<16xf32>
      %swap3A_831 = vector.shape_cast %get3A_823 : vector<16xf32> to vector<1x16xf32>
      tpu.vector_store %swap3A_826[%swap3A_827, %swap3A_828], %swap3A_831 {add = true, strides = array<i32>} : memref<128x128xf32, #tpu.memory_space<vmem>>, vector<1x16xf32>,
      %get3A_832 = arith.index_cast %add3A_820 : i32 to index
      %get3A_833 = arith.constant 16 : index
      %get3A_834 = tpu.vector_load %arg7[%get3A_832, %get3A_833] {strides = array<i32>} : memref<256x128xf32, #tpu.memory_space<vmem>>, vector<1x16xf32>,
      %get3A_835 = vector.shape_cast %get3A_834 : vector<1x16xf32> to vector<16xf32>
      %swap3A_836 = arith.constant 0 : i32
      %swap3A_837 = arith.constant 0 : i32
      %swap3A_838 = tpu.memref_slice %arg8[%scan3A_712, %swap3A_836, %swap3A_837] : memref<5x128x128xf32, #tpu.memory_space<vmem>> -> memref<1x128x128xf32, #tpu.memory_space<vmem>>
      %swap3A_839 = tpu.memref_squeeze %swap3A_838 : memref<1x128x128xf32, #tpu.memory_space<vmem>> -> memref<128x128xf32, #tpu.memory_space<vmem>>
      %swap3A_840 = arith.index_cast %scan3A_818 : i32 to index
      %swap3A_841 = arith.constant 16 : index
      %swap3A_842 = tpu.vector_load %swap3A_839[%swap3A_840, %swap3A_841] {strides = array<i32>} : memref<128x128xf32, #tpu.memory_space<vmem>>, vector<1x16xf32>,
      %swap3A_843 = vector.shape_cast %swap3A_842 : vector<1x16xf32> to vector<16xf32>
      %swap3A_844 = vector.shape_cast %get3A_835 : vector<16xf32> to vector<1x16xf32>
      tpu.vector_store %swap3A_839[%swap3A_840, %swap3A_841], %swap3A_844 {add = true, strides = array<i32>} : memref<128x128xf32, #tpu.memory_space<vmem>>, vector<1x16xf32>,
      %get3A_845 = arith.index_cast %add3A_820 : i32 to index
      %get3A_846 = arith.constant 32 : index
      %get3A_847 = tpu.vector_load %arg7[%get3A_845, %get3A_846] {strides = array<i32>} : memref<256x128xf32, #tpu.memory_space<vmem>>, vector<1x16xf32>,
      %get3A_848 = vector.shape_cast %get3A_847 : vector<1x16xf32> to vector<16xf32>
      %swap3A_849 = arith.constant 0 : i32
      %swap3A_850 = arith.constant 0 : i32
      %swap3A_851 = tpu.memref_slice %arg8[%scan3A_712, %swap3A_849, %swap3A_850] : memref<5x128x128xf32, #tpu.memory_space<vmem>> -> memref<1x128x128xf32, #tpu.memory_space<vmem>>
      %swap3A_852 = tpu.memref_squeeze %swap3A_851 : memref<1x128x128xf32, #tpu.memory_space<vmem>> -> memref<128x128xf32, #tpu.memory_space<vmem>>
      %swap3A_853 = arith.index_cast %scan3A_818 : i32 to index
      %swap3A_854 = arith.constant 32 : index
      %swap3A_855 = tpu.vector_load %swap3A_852[%swap3A_853, %swap3A_854] {strides = array<i32>} : memref<128x128xf32, #tpu.memory_space<vmem>>, vector<1x16xf32>,
      %swap3A_856 = vector.shape_cast %swap3A_855 : vector<1x16xf32> to vector<16xf32>
      %swap3A_857 = vector.shape_cast %get3A_848 : vector<16xf32> to vector<1x16xf32>
      tpu.vector_store %swap3A_852[%swap3A_853, %swap3A_854], %swap3A_857 {add = true, strides = array<i32>} : memref<128x128xf32, #tpu.memory_space<vmem>>, vector<1x16xf32>,
      %get3A_858 = arith.index_cast %add3A_820 : i32 to index
      %get3A_859 = arith.constant 48 : index
      %get3A_860 = tpu.vector_load %arg7[%get3A_858, %get3A_859] {strides = array<i32>} : memref<256x128xf32, #tpu.memory_space<vmem>>, vector<1x16xf32>,
      %get3A_861 = vector.shape_cast %get3A_860 : vector<1x16xf32> to vector<16xf32>
      %swap3A_862 = arith.constant 0 : i32
      %swap3A_863 = arith.constant 0 : i32
      %swap3A_864 = tpu.memref_slice %arg8[%scan3A_712, %swap3A_862, %swap3A_863] : memref<5x128x128xf32, #tpu.memory_space<vmem>> -> memref<1x128x128xf32, #tpu.memory_space<vmem>>
      %swap3A_865 = tpu.memref_squeeze %swap3A_864 : memref<1x128x128xf32, #tpu.memory_space<vmem>> -> memref<128x128xf32, #tpu.memory_space<vmem>>
      %swap3A_866 = arith.index_cast %scan3A_818 : i32 to index
      %swap3A_867 = arith.constant 48 : index
      %swap3A_868 = tpu.vector_load %swap3A_865[%swap3A_866, %swap3A_867] {strides = array<i32>} : memref<128x128xf32, #tpu.memory_space<vmem>>, vector<1x16xf32>,
      %swap3A_869 = vector.shape_cast %swap3A_868 : vector<1x16xf32> to vector<16xf32>
      %swap3A_870 = vector.shape_cast %get3A_861 : vector<16xf32> to vector<1x16xf32>
      tpu.vector_store %swap3A_865[%swap3A_866, %swap3A_867], %swap3A_870 {add = true, strides = array<i32>} : memref<128x128xf32, #tpu.memory_space<vmem>>, vector<1x16xf32>,
      %get3A_871 = arith.index_cast %add3A_820 : i32 to index
      %get3A_872 = arith.constant 64 : index
      %get3A_873 = tpu.vector_load %arg7[%get3A_871, %get3A_872] {strides = array<i32>} : memref<256x128xf32, #tpu.memory_space<vmem>>, vector<1x16xf32>,
      %get3A_874 = vector.shape_cast %get3A_873 : vector<1x16xf32> to vector<16xf32>
      %swap3A_875 = arith.constant 0 : i32
      %swap3A_876 = arith.constant 0 : i32
      %swap3A_877 = tpu.memref_slice %arg8[%scan3A_712, %swap3A_875, %swap3A_876] : memref<5x128x128xf32, #tpu.memory_space<vmem>> -> memref<1x128x128xf32, #tpu.memory_space<vmem>>
      %swap3A_878 = tpu.memref_squeeze %swap3A_877 : memref<1x128x128xf32, #tpu.memory_space<vmem>> -> memref<128x128xf32, #tpu.memory_space<vmem>>
      %swap3A_879 = arith.index_cast %scan3A_818 : i32 to index
      %swap3A_880 = arith.constant 64 : index
      %swap3A_881 = tpu.vector_load %swap3A_878[%swap3A_879, %swap3A_880] {strides = array<i32>} : memref<128x128xf32, #tpu.memory_space<vmem>>, vector<1x16xf32>,
      %swap3A_882 = vector.shape_cast %swap3A_881 : vector<1x16xf32> to vector<16xf32>
      %swap3A_883 = vector.shape_cast %get3A_874 : vector<16xf32> to vector<1x16xf32>
      tpu.vector_store %swap3A_878[%swap3A_879, %swap3A_880], %swap3A_883 {add = true, strides = array<i32>} : memref<128x128xf32, #tpu.memory_space<vmem>>, vector<1x16xf32>,
      %get3A_884 = arith.index_cast %add3A_820 : i32 to index
      %get3A_885 = arith.constant 80 : index
      %get3A_886 = tpu.vector_load %arg7[%get3A_884, %get3A_885] {strides = array<i32>} : memref<256x128xf32, #tpu.memory_space<vmem>>, vector<1x16xf32>,
      %get3A_887 = vector.shape_cast %get3A_886 : vector<1x16xf32> to vector<16xf32>
      %swap3A_888 = arith.constant 0 : i32
      %swap3A_889 = arith.constant 0 : i32
      %swap3A_890 = tpu.memref_slice %arg8[%scan3A_712, %swap3A_888, %swap3A_889] : memref<5x128x128xf32, #tpu.memory_space<vmem>> -> memref<1x128x128xf32, #tpu.memory_space<vmem>>
      %swap3A_891 = tpu.memref_squeeze %swap3A_890 : memref<1x128x128xf32, #tpu.memory_space<vmem>> -> memref<128x128xf32, #tpu.memory_space<vmem>>
      %swap3A_892 = arith.index_cast %scan3A_818 : i32 to index
      %swap3A_893 = arith.constant 80 : index
      %swap3A_894 = tpu.vector_load %swap3A_891[%swap3A_892, %swap3A_893] {strides = array<i32>} : memref<128x128xf32, #tpu.memory_space<vmem>>, vector<1x16xf32>,
      %swap3A_895 = vector.shape_cast %swap3A_894 : vector<1x16xf32> to vector<16xf32>
      %swap3A_896 = vector.shape_cast %get3A_887 : vector<16xf32> to vector<1x16xf32>
      tpu.vector_store %swap3A_891[%swap3A_892, %swap3A_893], %swap3A_896 {add = true, strides = array<i32>} : memref<128x128xf32, #tpu.memory_space<vmem>>, vector<1x16xf32>,
      %get3A_897 = arith.index_cast %add3A_820 : i32 to index
      %get3A_898 = arith.constant 96 : index
      %get3A_899 = tpu.vector_load %arg7[%get3A_897, %get3A_898] {strides = array<i32>} : memref<256x128xf32, #tpu.memory_space<vmem>>, vector<1x16xf32>,
      %get3A_900 = vector.shape_cast %get3A_899 : vector<1x16xf32> to vector<16xf32>
      %swap3A_901 = arith.constant 0 : i32
      %swap3A_902 = arith.constant 0 : i32
      %swap3A_903 = tpu.memref_slice %arg8[%scan3A_712, %swap3A_901, %swap3A_902] : memref<5x128x128xf32, #tpu.memory_space<vmem>> -> memref<1x128x128xf32, #tpu.memory_space<vmem>>
      %swap3A_904 = tpu.memref_squeeze %swap3A_903 : memref<1x128x128xf32, #tpu.memory_space<vmem>> -> memref<128x128xf32, #tpu.memory_space<vmem>>
      %swap3A_905 = arith.index_cast %scan3A_818 : i32 to index
      %swap3A_906 = arith.constant 96 : index
      %swap3A_907 = tpu.vector_load %swap3A_904[%swap3A_905, %swap3A_906] {strides = array<i32>} : memref<128x128xf32, #tpu.memory_space<vmem>>, vector<1x16xf32>,
      %swap3A_908 = vector.shape_cast %swap3A_907 : vector<1x16xf32> to vector<16xf32>
      %swap3A_909 = vector.shape_cast %get3A_900 : vector<16xf32> to vector<1x16xf32>
      tpu.vector_store %swap3A_904[%swap3A_905, %swap3A_906], %swap3A_909 {add = true, strides = array<i32>} : memref<128x128xf32, #tpu.memory_space<vmem>>, vector<1x16xf32>,
      %get3A_910 = arith.index_cast %add3A_820 : i32 to index
      %get3A_911 = arith.constant 112 : index
      %get3A_912 = tpu.vector_load %arg7[%get3A_910, %get3A_911] {strides = array<i32>} : memref<256x128xf32, #tpu.memory_space<vmem>>, vector<1x16xf32>,
      %get3A_913 = vector.shape_cast %get3A_912 : vector<1x16xf32> to vector<16xf32>
      %swap3A_914 = arith.constant 0 : i32
      %swap3A_915 = arith.constant 0 : i32
      %swap3A_916 = tpu.memref_slice %arg8[%scan3A_712, %swap3A_914, %swap3A_915] : memref<5x128x128xf32, #tpu.memory_space<vmem>> -> memref<1x128x128xf32, #tpu.memory_space<vmem>>
      %swap3A_917 = tpu.memref_squeeze %swap3A_916 : memref<1x128x128xf32, #tpu.memory_space<vmem>> -> memref<128x128xf32, #tpu.memory_space<vmem>>
      %swap3A_918 = arith.index_cast %scan3A_818 : i32 to index
      %swap3A_919 = arith.constant 112 : index
      %swap3A_920 = tpu.vector_load %swap3A_917[%swap3A_918, %swap3A_919] {strides = array<i32>} : memref<128x128xf32, #tpu.memory_space<vmem>>, vector<1x16xf32>,
      %swap3A_921 = vector.shape_cast %swap3A_920 : vector<1x16xf32> to vector<16xf32>
      %swap3A_922 = vector.shape_cast %get3A_913 : vector<16xf32> to vector<1x16xf32>
      tpu.vector_store %swap3A_917[%swap3A_918, %swap3A_919], %swap3A_922 {add = true, strides = array<i32>} : memref<128x128xf32, #tpu.memory_space<vmem>>, vector<1x16xf32>,
    }
    %scan3A_717 = arith.constant 32 : i32
    %add3A_718 = arith.constant 24576 : i32
    %add3A_719 = arith.addi %add3A_718, %mul3A_2 : i32
    %add3A_720 = arith.constant 224 : i32
    %add3A_721 = arith.addi %add3A_719, %add3A_720 : i32
    %dma_start3A_722 = arith.constant 4 : i32
    %dma_start3A_723 = arith.constant 4 : i32
    %dma_start3A_724 = arith.constant 0 : i32
    %dma_start3A_725 = arith.constant 0 : i32
    %dma_start3A_726 = tpu.memref_slice %arg8[%dma_start3A_722, %dma_start3A_724, %dma_start3A_725] : memref<5x128x128xf32, #tpu.memory_space<vmem>> -> memref<1x32x128xf32, #tpu.memory_space<vmem>>
    %dma_start3A_727 = tpu.memref_squeeze %dma_start3A_726 : memref<1x32x128xf32, #tpu.memory_space<vmem>> -> memref<32x128xf32, #tpu.memory_space<vmem>>
    %dma_start3A_728 = arith.constant 0 : i32
    %dma_start3A_729 = tpu.memref_slice %arg5[%add3A_721, %dma_start3A_728] : memref<32768x128xf32, #tpu.memory_space<hbm>> -> memref<32x128xf32, #tpu.memory_space<hbm>>
    %dma_start3A_730 = tpu.memref_slice %arg13[%dma_start3A_723] : memref<5x!tpu.dma_semaphore, #tpu.memory_space<semaphore_mem>> -> memref<1x!tpu.dma_semaphore, #tpu.memory_space<semaphore_mem>>
    %dma_start3A_731 = tpu.memref_squeeze %dma_start3A_730 : memref<1x!tpu.dma_semaphore, #tpu.memory_space<semaphore_mem>> -> memref<!tpu.dma_semaphore, #tpu.memory_space<semaphore_mem>>
    %dma_start3A_732 = arith.constant 0 : i32
    %dma_start3A_733 = tpu.memref_slice %arg5[%add3A_721, %dma_start3A_732] : memref<32768x128xf32, #tpu.memory_space<hbm>> -> memref<32x128xf32, #tpu.memory_space<hbm>>
    %dma_start3A_734 = arith.constant 0 : i32
    %dma_start3A_735 = arith.constant 0 : i32
    %dma_start3A_736 = tpu.memref_slice %arg8[%dma_start3A_722, %dma_start3A_734, %dma_start3A_735] : memref<5x128x128xf32, #tpu.memory_space<vmem>> -> memref<1x32x128xf32, #tpu.memory_space<vmem>>
    %dma_start3A_737 = tpu.memref_squeeze %dma_start3A_736 : memref<1x32x128xf32, #tpu.memory_space<vmem>> -> memref<32x128xf32, #tpu.memory_space<vmem>>
    tpu.enqueue_dma source(%dma_start3A_737 : memref<32x128xf32, #tpu.memory_space<vmem>>) target(%dma_start3A_733 : memref<32x128xf32, #tpu.memory_space<hbm>>) target_semaphore(%dma_start3A_731 : memref<!tpu.dma_semaphore, #tpu.memory_space<semaphore_mem>>)
    %dma_wait3A_738 = arith.constant 0 : i32
    %dma_wait3A_739 = arith.constant 0 : i32
    %dma_wait3A_740 = arith.constant 0 : i32
    %dma_wait3A_741 = arith.constant 0 : i32
    %dma_wait3A_742 = tpu.memref_slice %arg8[%dma_wait3A_738, %dma_wait3A_740, %dma_wait3A_741] : memref<5x128x128xf32, #tpu.memory_space<vmem>> -> memref<1x128x128xf32, #tpu.memory_space<vmem>>
    %dma_wait3A_743 = tpu.memref_squeeze %dma_wait3A_742 : memref<1x128x128xf32, #tpu.memory_space<vmem>> -> memref<128x128xf32, #tpu.memory_space<vmem>>
    %dma_wait3A_744 = arith.constant 0 : i32
    %dma_wait3A_745 = tpu.memref_slice %arg5[%add3A_522, %dma_wait3A_744] : memref<32768x128xf32, #tpu.memory_space<hbm>> -> memref<128x128xf32, #tpu.memory_space<hbm>>
    %dma_wait3A_746 = tpu.memref_slice %arg13[%dma_wait3A_739] : memref<5x!tpu.dma_semaphore, #tpu.memory_space<semaphore_mem>> -> memref<1x!tpu.dma_semaphore, #tpu.memory_space<semaphore_mem>>
    %dma_wait3A_747 = tpu.memref_squeeze %dma_wait3A_746 : memref<1x!tpu.dma_semaphore, #tpu.memory_space<semaphore_mem>> -> memref<!tpu.dma_semaphore, #tpu.memory_space<semaphore_mem>>
    %dma_wait3A_748 = arith.constant 0 : i32
    %dma_wait3A_749 = tpu.memref_slice %arg5[%add3A_522, %dma_wait3A_748] : memref<32768x128xf32, #tpu.memory_space<hbm>> -> memref<128x128xf32, #tpu.memory_space<hbm>>
    %dma_wait3A_750 = arith.constant 0 : i32
    %dma_wait3A_751 = arith.constant 0 : i32
    %dma_wait3A_752 = tpu.memref_slice %arg8[%dma_wait3A_738, %dma_wait3A_750, %dma_wait3A_751] : memref<5x128x128xf32, #tpu.memory_space<vmem>> -> memref<1x128x128xf32, #tpu.memory_space<vmem>>
    %dma_wait3A_753 = tpu.memref_squeeze %dma_wait3A_752 : memref<1x128x128xf32, #tpu.memory_space<vmem>> -> memref<128x128xf32, #tpu.memory_space<vmem>>
    tpu.wait_dma2 semaphore(%dma_wait3A_747 : memref<!tpu.dma_semaphore, #tpu.memory_space<semaphore_mem>>) src(%dma_wait3A_753 : memref<128x128xf32, #tpu.memory_space<vmem>>) dst(%dma_wait3A_749 : memref<128x128xf32, #tpu.memory_space<hbm>>)
    %dma_wait3A_754 = arith.constant 1 : i32
    %dma_wait3A_755 = arith.constant 1 : i32
    %dma_wait3A_756 = arith.constant 0 : i32
    %dma_wait3A_757 = arith.constant 0 : i32
    %dma_wait3A_758 = tpu.memref_slice %arg8[%dma_wait3A_754, %dma_wait3A_756, %dma_wait3A_757] : memref<5x128x128xf32, #tpu.memory_space<vmem>> -> memref<1x128x128xf32, #tpu.memory_space<vmem>>
    %dma_wait3A_759 = tpu.memref_squeeze %dma_wait3A_758 : memref<1x128x128xf32, #tpu.memory_space<vmem>> -> memref<128x128xf32, #tpu.memory_space<vmem>>
    %dma_wait3A_760 = arith.constant 0 : i32
    %dma_wait3A_761 = tpu.memref_slice %arg5[%add3A_595, %dma_wait3A_760] : memref<32768x128xf32, #tpu.memory_space<hbm>> -> memref<128x128xf32, #tpu.memory_space<hbm>>
    %dma_wait3A_762 = tpu.memref_slice %arg13[%dma_wait3A_755] : memref<5x!tpu.dma_semaphore, #tpu.memory_space<semaphore_mem>> -> memref<1x!tpu.dma_semaphore, #tpu.memory_space<semaphore_mem>>
    %dma_wait3A_763 = tpu.memref_squeeze %dma_wait3A_762 : memref<1x!tpu.dma_semaphore, #tpu.memory_space<semaphore_mem>> -> memref<!tpu.dma_semaphore, #tpu.memory_space<semaphore_mem>>
    %dma_wait3A_764 = arith.constant 0 : i32
    %dma_wait3A_765 = tpu.memref_slice %arg5[%add3A_595, %dma_wait3A_764] : memref<32768x128xf32, #tpu.memory_space<hbm>> -> memref<128x128xf32, #tpu.memory_space<hbm>>
    %dma_wait3A_766 = arith.constant 0 : i32
    %dma_wait3A_767 = arith.constant 0 : i32
    %dma_wait3A_768 = tpu.memref_slice %arg8[%dma_wait3A_754, %dma_wait3A_766, %dma_wait3A_767] : memref<5x128x128xf32, #tpu.memory_space<vmem>> -> memref<1x128x128xf32, #tpu.memory_space<vmem>>
    %dma_wait3A_769 = tpu.memref_squeeze %dma_wait3A_768 : memref<1x128x128xf32, #tpu.memory_space<vmem>> -> memref<128x128xf32, #tpu.memory_space<vmem>>
    tpu.wait_dma2 semaphore(%dma_wait3A_763 : memref<!tpu.dma_semaphore, #tpu.memory_space<semaphore_mem>>) src(%dma_wait3A_769 : memref<128x128xf32, #tpu.memory_space<vmem>>) dst(%dma_wait3A_765 : memref<128x128xf32, #tpu.memory_space<hbm>>)
    %dma_wait3A_770 = arith.constant 2 : i32
    %dma_wait3A_771 = arith.constant 2 : i32
    %dma_wait3A_772 = arith.constant 0 : i32
    %dma_wait3A_773 = arith.constant 0 : i32
    %dma_wait3A_774 = tpu.memref_slice %arg8[%dma_wait3A_770, %dma_wait3A_772, %dma_wait3A_773] : memref<5x128x128xf32, #tpu.memory_space<vmem>> -> memref<1x128x128xf32, #tpu.memory_space<vmem>>
    %dma_wait3A_775 = tpu.memref_squeeze %dma_wait3A_774 : memref<1x128x128xf32, #tpu.memory_space<vmem>> -> memref<128x128xf32, #tpu.memory_space<vmem>>
    %dma_wait3A_776 = arith.constant 0 : i32
    %dma_wait3A_777 = tpu.memref_slice %arg5[%add3A_637, %dma_wait3A_776] : memref<32768x128xf32, #tpu.memory_space<hbm>> -> memref<128x128xf32, #tpu.memory_space<hbm>>
    %dma_wait3A_778 = tpu.memref_slice %arg13[%dma_wait3A_771] : memref<5x!tpu.dma_semaphore, #tpu.memory_space<semaphore_mem>> -> memref<1x!tpu.dma_semaphore, #tpu.memory_space<semaphore_mem>>
    %dma_wait3A_779 = tpu.memref_squeeze %dma_wait3A_778 : memref<1x!tpu.dma_semaphore, #tpu.memory_space<semaphore_mem>> -> memref<!tpu.dma_semaphore, #tpu.memory_space<semaphore_mem>>
    %dma_wait3A_780 = arith.constant 0 : i32
    %dma_wait3A_781 = tpu.memref_slice %arg5[%add3A_637, %dma_wait3A_780] : memref<32768x128xf32, #tpu.memory_space<hbm>> -> memref<128x128xf32, #tpu.memory_space<hbm>>
    %dma_wait3A_782 = arith.constant 0 : i32
    %dma_wait3A_783 = arith.constant 0 : i32
    %dma_wait3A_784 = tpu.memref_slice %arg8[%dma_wait3A_770, %dma_wait3A_782, %dma_wait3A_783] : memref<5x128x128xf32, #tpu.memory_space<vmem>> -> memref<1x128x128xf32, #tpu.memory_space<vmem>>
    %dma_wait3A_785 = tpu.memref_squeeze %dma_wait3A_784 : memref<1x128x128xf32, #tpu.memory_space<vmem>> -> memref<128x128xf32, #tpu.memory_space<vmem>>
    tpu.wait_dma2 semaphore(%dma_wait3A_779 : memref<!tpu.dma_semaphore, #tpu.memory_space<semaphore_mem>>) src(%dma_wait3A_785 : memref<128x128xf32, #tpu.memory_space<vmem>>) dst(%dma_wait3A_781 : memref<128x128xf32, #tpu.memory_space<hbm>>)
    %dma_wait3A_786 = arith.constant 3 : i32
    %dma_wait3A_787 = arith.constant 3 : i32
    %dma_wait3A_788 = arith.constant 0 : i32
    %dma_wait3A_789 = arith.constant 0 : i32
    %dma_wait3A_790 = tpu.memref_slice %arg8[%dma_wait3A_786, %dma_wait3A_788, %dma_wait3A_789] : memref<5x128x128xf32, #tpu.memory_space<vmem>> -> memref<1x96x128xf32, #tpu.memory_space<vmem>>
    %dma_wait3A_791 = tpu.memref_squeeze %dma_wait3A_790 : memref<1x96x128xf32, #tpu.memory_space<vmem>> -> memref<96x128xf32, #tpu.memory_space<vmem>>
    %dma_wait3A_792 = arith.constant 0 : i32
    %dma_wait3A_793 = tpu.memref_slice %arg5[%add3A_679, %dma_wait3A_792] : memref<32768x128xf32, #tpu.memory_space<hbm>> -> memref<96x128xf32, #tpu.memory_space<hbm>>
    %dma_wait3A_794 = tpu.memref_slice %arg13[%dma_wait3A_787] : memref<5x!tpu.dma_semaphore, #tpu.memory_space<semaphore_mem>> -> memref<1x!tpu.dma_semaphore, #tpu.memory_space<semaphore_mem>>
    %dma_wait3A_795 = tpu.memref_squeeze %dma_wait3A_794 : memref<1x!tpu.dma_semaphore, #tpu.memory_space<semaphore_mem>> -> memref<!tpu.dma_semaphore, #tpu.memory_space<semaphore_mem>>
    %dma_wait3A_796 = arith.constant 0 : i32
    %dma_wait3A_797 = tpu.memref_slice %arg5[%add3A_679, %dma_wait3A_796] : memref<32768x128xf32, #tpu.memory_space<hbm>> -> memref<96x128xf32, #tpu.memory_space<hbm>>
    %dma_wait3A_798 = arith.constant 0 : i32
    %dma_wait3A_799 = arith.constant 0 : i32
    %dma_wait3A_800 = tpu.memref_slice %arg8[%dma_wait3A_786, %dma_wait3A_798, %dma_wait3A_799] : memref<5x128x128xf32, #tpu.memory_space<vmem>> -> memref<1x96x128xf32, #tpu.memory_space<vmem>>
    %dma_wait3A_801 = tpu.memref_squeeze %dma_wait3A_800 : memref<1x96x128xf32, #tpu.memory_space<vmem>> -> memref<96x128xf32, #tpu.memory_space<vmem>>
    tpu.wait_dma2 semaphore(%dma_wait3A_795 : memref<!tpu.dma_semaphore, #tpu.memory_space<semaphore_mem>>) src(%dma_wait3A_801 : memref<96x128xf32, #tpu.memory_space<vmem>>) dst(%dma_wait3A_797 : memref<96x128xf32, #tpu.memory_space<hbm>>)
    %dma_wait3A_802 = arith.constant 4 : i32
    %dma_wait3A_803 = arith.constant 4 : i32
    %dma_wait3A_804 = arith.constant 0 : i32
    %dma_wait3A_805 = arith.constant 0 : i32
    %dma_wait3A_806 = tpu.memref_slice %arg8[%dma_wait3A_802, %dma_wait3A_804, %dma_wait3A_805] : memref<5x128x128xf32, #tpu.memory_space<vmem>> -> memref<1x32x128xf32, #tpu.memory_space<vmem>>
    %dma_wait3A_807 = tpu.memref_squeeze %dma_wait3A_806 : memref<1x32x128xf32, #tpu.memory_space<vmem>> -> memref<32x128xf32, #tpu.memory_space<vmem>>
    %dma_wait3A_808 = arith.constant 0 : i32
    %dma_wait3A_809 = tpu.memref_slice %arg5[%add3A_721, %dma_wait3A_808] : memref<32768x128xf32, #tpu.memory_space<hbm>> -> memref<32x128xf32, #tpu.memory_space<hbm>>
    %dma_wait3A_810 = tpu.memref_slice %arg13[%dma_wait3A_803] : memref<5x!tpu.dma_semaphore, #tpu.memory_space<semaphore_mem>> -> memref<1x!tpu.dma_semaphore, #tpu.memory_space<semaphore_mem>>
    %dma_wait3A_811 = tpu.memref_squeeze %dma_wait3A_810 : memref<1x!tpu.dma_semaphore, #tpu.memory_space<semaphore_mem>> -> memref<!tpu.dma_semaphore, #tpu.memory_space<semaphore_mem>>
    %dma_wait3A_812 = arith.constant 0 : i32
    %dma_wait3A_813 = tpu.memref_slice %arg5[%add3A_721, %dma_wait3A_812] : memref<32768x128xf32, #tpu.memory_space<hbm>> -> memref<32x128xf32, #tpu.memory_space<hbm>>
    %dma_wait3A_814 = arith.constant 0 : i32
    %dma_wait3A_815 = arith.constant 0 : i32
    %dma_wait3A_816 = tpu.memref_slice %arg8[%dma_wait3A_802, %dma_wait3A_814, %dma_wait3A_815] : memref<5x128x128xf32, #tpu.memory_space<vmem>> -> memref<1x32x128xf32, #tpu.memory_space<vmem>>
    %dma_wait3A_817 = tpu.memref_squeeze %dma_wait3A_816 : memref<1x32x128xf32, #tpu.memory_space<vmem>> -> memref<32x128xf32, #tpu.memory_space<vmem>>
    tpu.wait_dma2 semaphore(%dma_wait3A_811 : memref<!tpu.dma_semaphore, #tpu.memory_space<semaphore_mem>>) src(%dma_wait3A_817 : memref<32x128xf32, #tpu.memory_space<vmem>>) dst(%dma_wait3A_813 : memref<32x128xf32, #tpu.memory_space<hbm>>)
    return
  }
}

</mosaic_0001>

<sc_bundles>
// kernel: kernel.3.cloned.1.call-start
scs
__scs_entry_jumppad:
0x0: {  	(pc) =	sbr.rel $0x88, $3  }
0x1: {  	(tag) =	ssettag $0x0;
	lr =	simm.s32 $0x1  }
0x2: {  	[smem:$0x3F9E] =	sst lr;
	_ =	strace $0xD0000000  }
0x3: {  	_ = 	snop  }
0x4: {  	_ = 	snop  }
0x5: {  	_ = 	snop  }
0x6: {  	_ = 	snop  }
0x7: {  	_ = 	snop  }
__scs_overlays_trampoline_lowered:
0x8: {  	[smem:$0x3FAD] =	sst s0  }
0x9: {  	[smem:$0x3FAE] =	sst s1  }
0xa: {  	[smem:$0x3FAF] =	sst s2  }
0xb: {  	[smem:$0x3FB0] =	sst s3  }
0xc: {  	[smem:$0x3FB1] =	sst s4  }
0xd: {  	[smem:$0x3FB2] =	sst s5  }
0xe: {  	[smem:$0x3FB3] =	sst s6  }
0xf: {  	[smem:$0x3FB4] =	sst s7  }
0x10: {  	[smem:$0x3FB5] =	sst s8  }
0x11: {  	[smem:$0x3FB6] =	sst s9;
	s0 =	simm.s32 @!p0 $0x0  }
0x12: {  	s1 =	sld [smem:$0x3F9C];
	s0 =	simm.s32 @p0 $0x1  }
0x13: {  	[smem:$0x3FB7] =	sst s0;
	s0 =	simm.s32 @!p1 $0x0  }
0x14: {  	s2 =	sld [smem:$0x3F9B];
	s0 =	simm.s32 @p1 $0x1  }
0x15: {  	[smem:$0x3FB8] =	sst s0;
	s0 =	simm.s32 @!p2 $0x0  }
0x16: {  	s3 =	sld [smem:$0x3FDB];
	s0 =	simm.s32 @p2 $0x1  }
0x17: {  	s4 =	simm.s32 $0x1BF5;
	[smem:$0x3FBA] =	sst s0  }
0x18: {  	s0 =	sld [smem:$0x3F9D];
	_ =	swait.ge [sflag:s4], $0x0  }
0x19: {  	s7 =	sld [smem:$0x3F9E]  }
0x1a: {  	s8 =	sadd.s32 $0xFFFFE003, lr  }
0x1b: {  	s9 =	sadd.s32 $0xFFFFFEF7, lr;
	s5 =	simm.s32 $0xFFFFFFFF;
	p2 =	slt.u32 s8, $0xFFFFF086  }
0x1c: {  	p1 =	slt.u32 s9, $0xF7A;
	s5 =	simm.s32 @!p2 $0x0  }
0x1d: {  	s5 =	simm.s32 @p1 $0x1;
	p0 =	seq.s32 s7, s2  }
0x1e: {  	s7 =	smul.u32 @!p0 $0xF7A, s2;
	p2 =	seq.s32 @!p0 s5, $0x0  }
0x1f: {  	s9 =	smul.u32 $0xF7A, s1;
	s8 =	simm.s32 @!p0 $0x1BF5;
	p2 =	por !p2, p0  }
0x20: {  	[sflag:s8] =	ssyncset.s32 @!p0 $0xFFFFF086;
	s6 =	sadd.s32 @!p0 s3, s7;
	s7 =	simm.s32 @!p0 $0x108  }
0x21: {  	s3 =	sadd.s32 s3, s9;
	s6 =	sadd.s32 @!p0 $0x88, s6;
	s7 =	simm.s32 @p2 $0x1082  }
0x22: {  	[simem:s7], [sflag:s8] =	dma.local @!p0 [hbm:s6], $0xF7A  }
0x23: {  	s9 =	sor.u32 $0xD0000000, s2;
	s6 =	simm.s32 $0x108;
	_ =	swait.ge @!p0 [sflag:s8], $0x0  }
0x24: {  	s3 =	sadd.s32 $0x88, s3;
	s6 =	simm.s32 @!p1 $0x1082;
	[sflag:s4] =	ssyncset.s32 $0xFFFFF086  }
0x25: {  	[simem:s6], [sflag:s4] =	dma.local [hbm:s3], $0xF7A  }
0x26: {  	[smem:$0x3F9E] =	sst s1;
	(tag) =	ssettag s2;
	_ =	strace s9  }
0x27: {  	s1 =	sld [smem:$0x3FAE]  }
0x28: {  	s2 =	sld [smem:$0x3FAF]  }
0x29: {  	s4 =	sld [smem:$0x3FB1]  }
0x2a: {  	p0 =	seq.s32 s5, $0x0;
	s5 =	sld [smem:$0x3FB2]  }
0x2b: {  	s6 =	sld [smem:$0x3FB3]  }
0x2c: {  	s7 =	sld [smem:$0x3FB4]  }
0x2d: {  	s3 =	simm.s32 $0x108;
	s8 =	sld [smem:$0x3FB5]  }
0x2e: {  	s3 =	simm.s32 @!p0 $0x1082;
	s9 =	sld [smem:$0x3FB6]  }
0x2f: {  	lr =	sadd.s32 s0, s3;
	s0 =	sld [smem:$0x3FAD]  }
0x30: {  	s3 =	sld [smem:$0x3FB0]  }
0x31: {  	[smem:$0x3FB9] =	sst s10  }
0x32: {  	s10 =	sld [smem:$0x3FB7];
	_ =	sdelay $0x3  }
0x33: {  	p0 =	seq.s32 s10, $0x1;
	s10 =	sld [smem:$0x3FB9];
	_ =	sdelay $0x3  }
0x34: {  	[smem:$0x3FB9] =	sst s10  }
0x35: {  	s10 =	sld [smem:$0x3FB8];
	_ =	sdelay $0x3  }
0x36: {  	p1 =	seq.s32 s10, $0x1;
	s10 =	sld [smem:$0x3FB9];
	_ =	sdelay $0x3  }
0x37: {  	[smem:$0x3FB9] =	sst s10  }
0x38: {  	s10 =	sld [smem:$0x3FBA]  }
0x39: {  	_ = 	snop;
	(pc) =	sbr.ind lr, $3  }
0x3a: {  	_ = 	snop  }
0x3b: {  	_ = 	snop  }
0x3c: {  	p2 =	seq.s32 s10, $0x1;
	s10 =	sld [smem:$0x3FB9]  }
0x3d: {  	_ =	shalt  }
0x3e: {  	_ =	shalt  }
0x3f: {  	_ =	shalt  }
0x40: {  	_ =	shalt  }
0x41: {  	_ =	shalt  }
0x42: {  	_ =	shalt  }
0x43: {  	_ =	shalt  }
0x44: {  	_ =	shalt  }
0x45: {  	_ =	shalt  }
0x46: {  	_ =	shalt  }
0x47: {  	_ =	shalt  }
0x48: {  	_ =	shalt  }
0x49: {  	_ =	shalt  }
0x4a: {  	_ =	shalt  }
0x4b: {  	_ =	shalt  }
0x4c: {  	_ =	shalt  }
0x4d: {  	_ =	shalt  }
0x4e: {  	_ =	shalt  }
0x4f: {  	_ =	shalt  }
0x50: {  	_ =	shalt  }
0x51: {  	_ =	shalt  }
0x52: {  	_ =	shalt  }
0x53: {  	_ =	shalt  }
0x54: {  	_ =	shalt  }
0x55: {  	_ =	shalt  }
0x56: {  	_ =	shalt  }
0x57: {  	_ =	shalt  }
0x58: {  	_ =	shalt  }
0x59: {  	_ =	shalt  }
0x5a: {  	_ =	shalt  }
0x5b: {  	_ =	shalt  }
0x5c: {  	_ =	shalt  }
0x5d: {  	_ =	shalt  }
0x5e: {  	_ =	shalt  }
0x5f: {  	_ =	shalt  }
0x60: {  	_ =	shalt  }
0x61: {  	_ =	shalt  }
0x62: {  	_ =	shalt  }
0x63: {  	_ =	shalt  }
0x64: {  	_ =	shalt  }
0x65: {  	_ =	shalt  }
0x66: {  	_ =	shalt  }
0x67: {  	_ =	shalt  }
0x68: {  	_ =	shalt  }
0x69: {  	_ =	shalt  }
0x6a: {  	_ =	shalt  }
0x6b: {  	_ =	shalt  }
0x6c: {  	_ =	shalt  }
0x6d: {  	_ =	shalt  }
0x6e: {  	_ =	shalt  }
0x6f: {  	_ =	shalt  }
0x70: {  	_ =	shalt  }
0x71: {  	_ =	shalt  }
0x72: {  	_ =	shalt  }
0x73: {  	_ =	shalt  }
0x74: {  	_ =	shalt  }
0x75: {  	_ =	shalt  }
0x76: {  	_ =	shalt  }
0x77: {  	_ =	shalt  }
0x78: {  	_ =	shalt  }
0x79: {  	_ =	shalt  }
0x7a: {  	_ =	shalt  }
0x7b: {  	_ =	shalt  }
0x7c: {  	_ =	shalt  }
0x7d: {  	_ =	shalt  }
0x7e: {  	_ =	shalt  }
0x7f: {  	_ =	shalt  }
0x80: {  	_ =	shalt  }
0x81: {  	_ =	shalt  }
0x82: {  	_ =	shalt  }
0x83: {  	_ =	shalt  }
0x84: {  	_ =	shalt  }
0x85: {  	_ =	shalt  }
0x86: {  	_ =	shalt  }
0x87: {  	_ =	shalt  }
.Lfunc_end0:
.L_simem_size_0:
called_computation_lowered:
.L_overlay_start_0:
0x88: {  	s2 =	sld [smem:$0x3FD9]  }
0x89: {  	s3 =	sld [smem:$0x3FFE];
	_ =	sdelay $0x1  }
0x8a: {  	s1 =	srdreg.scid  }
0x8b: {  	s0 =	sand.u32 $0x1, s1  }
0x8c: {  	s18 =	sshll.u32 s0, $0xA;
	s2 =	sadd.s32 s3, s2  }
0x8d: {  	s2 =	sadd.s32 s2, s18  }
0x8e: {  	[smem:$0x3FC5] =	sst s2  }
0x8f: {  	_ = 	snop  }
0x90: {  	s2 =	sld [smem:$0x3FC9]  }
0x91: {  	s19 =	sld [smem:$0x3FC8]  }
0x92: {  	s4 =	sld [smem:$0x3FC7]  }
0x93: {  	s5 =	sld [smem:$0x3FD0];
	(tm) =	ssettm $0x1  }
0x94: {  	s6 =	sld [smem:$0x3FFB];
	_ =	sdelay $0x3  }
0x95: {  	_ =	strace s6  }
0x96: {  	s6 =	sld [smem:$0x3FFC];
	_ =	sdelay $0x3  }
0x97: {  	_ =	strace s6  }
0x98: {  	s6 =	sld [smem:$0x3FFD];
	_ =	sdelay $0x3  }
0x99: {  	_ =	strace s6  }
0x9a: {  	_ =	strace $0x8FFFFFFF  }
0x9b: {  	s20 =	sld [smem:$0x3FDB];
	_ =	sdelay $0x1  }
0x9c: {  	s7 =	simm.s32 $_scs_section_size  }
0x9d: {  	s8 =	simm.s32 $_size__tile_overlayer_lowered;
	s9 =	simm.s32 $_tile_overlayer_lowered  }
0x9e: {  	s23 =	simm.s32 $0x1BFF;
	s22 =	sshll.u32 s9, $0x1;
	s6 =	sadd.s32 s7, s20  }
0x9f: {  	s10 =	simm.s32 $0x0;
	s21 =	sshll.u32 s8, $0x1;
	s8 =	sadd.s32 s22, s6  }
0xa0: {  	[timem:s10], [sflag:s23] =	dma.local [hbm:s8], s21  }
0xa1: {  	_ =	swait.ge [sflag:s23], s21  }
0xa2: {  	s7 =	ssub.s32 $0x0, s21;
	[sflag:s23] =	ssyncset.done $0x0  }
0xa3: {  	[sflag:s23] =	ssyncadd.s32 s7;
	_ =	sdelay $0x1  }
0xa4: {  	s24 =	simm.s32 $0x1B8B  }
0xa5: {  	_ =	swait.ge [sflag:s24], $0x1  }
0xa6: {  	[sflag:s24] =	ssyncset.done $0x0  }
0xa7: {  	s25 =	simm.s32 $0x1B8E;
	[sflag:s24] =	ssyncadd.s32 $0xFFFFFFFF  }
0xa8: {  	s26 =	simm.s32 $execute0_lowered;
	[smem:$0x3FD2] =	sst s25  }
0xa9: {  	s7 =	sshll.u32 s26, $0x1;
	_ =	strace $0x80000046;
	[dreg:$0x1] =	wrdreg $0xFFFFFFFF  }
0xaa: {  	s28 =	simm.s32 $_size_execute0_lowered;
	s6 =	sadd.s32 s6, s7;
	[dreg:$0x0] =	wrdreg $0x0  }
0xab: {  	s7 =	sshll.u32 s28, $0x1;
	[dreg:$0x2] =	wrdreg s6  }
0xac: {  	[dreg:$0x3] =	wrdreg s7  }
0xad: {  	[dreg:$0x4] =	wrdreg $0xC0  }
0xae: {  	_ =	task [dreg:s10], $0x5FFFF  }
0xaf: {  	[dreg:$0x1] =	wrdreg $0xFFFFFFFF  }
0xb0: {  	[dreg:$0x0] =	wrdreg $0x60  }
0xb1: {  	[dreg:$0x2] =	wrdreg s2  }
0xb2: {  	[dreg:$0x3] =	wrdreg s19  }
0xb3: {  	[dreg:$0x4] =	wrdreg s4  }
0xb4: {  	[dreg:$0x5] =	wrdreg s5  }
0xb5: {  	[dreg:$0x6] =	wrdreg $0x9  }
0xb6: {  	_ =	task.clear_ibuf [dreg:s10], $0x7FFFF;
	_ =	strace $0x90000046  }
0xb7: {  	s29 =	simm.s32 $0x9;
	_ =	strace $0x80000048  }
0xb8: {  	_ =	swait.ge [sflag:s29], $0x1  }
0xb9: {  	[sflag:s29] =	ssyncadd.s32 $0xFFFFFFFF  }
0xba: {  	_ =	strace $0x90000048  }
0xbb: {  	_ =	sfence  }
0xbc: {  	s30 =	sld [smem:$0x0];
	_ =	sdelay $0x2  }
0xbd: {  	s31 =	sshll.u32 s1, $0xD;
	s1 =	sshrl.u32 s1, $0x2  }
0xbe: {  	s3 =	sand.u32 $0x4000, s31;
	s1 =	sadd.s32 s1, s30  }
0xbf: {  	s0 =	sor.u32 s3, s0;
	s1 =	sshll.u32 s1, $0x11  }
0xc0: {  	s0 =	sor.u32 s1, s0  }
0xc1: {  	s0 =	sadd.s32 $0x8F2B, s0  }
0xc2: {  	[sflag:s0] =	ssyncadd.remote.s32 $0x1  }
0xc3: {  	_ =	sfence.sel $0xFFFF  }
0xc4: {  	[dreg:$0x0] =	wrdreg $0xFFFFFFFF;
	(pc) =	sbr.abs _section_cstart, $3  }
0xc5: {  	[dreg:$0x1] =	wrdreg $0xFFFFFFFF  }
0xc6: {  	_ =	task.clear_ibuf [dreg:s10], $0x2FFFF;
	_ =	strace $0x9FFFFFFF  }
0xc7: {  	(tm) =	ssettm $0x7FFFFFFF  }
tec
execute0_lowered:
.L_overlay_start_1:
0x0: {  	(tag) =	ssettag $0x1  }
0x1: {  	s0 =	rddreg [dreg:$0x0]  }
0x2: {  	s1 =	rddreg [dreg:$0x1]  }
0x3: {  	s2 =	rddreg [dreg:$0x2]  }
0x4: {  	s5 =	rddreg [dreg:$0x3]  }
0x5: {  	s4 =	srdreg.scid;
	s3 =	simm.s32 $0x0;
	s6 =	stileid.u32  }
0x6: {  	s28 =	simm.s32 $0x10400;
	s30 =	simm.s32 $0x14400;
	s31 =	simm.s32 $0x3  }
0x7: {  	s29 =	simm.s32 $0xA;
	s10 =	simm.s32 $0xD;
	s11 =	simm.s32 $0x4  }
0x8: {  	s12 =	simm.s32 $0xE;
	s4 =	sand.u32 $0x1, s4;
	[smem:$0x7FF] =	sst s3  }
0x9: {  	s6 =	sshll.u32 s6, $0x9;
	s7 =	sshll.u32 s4, $0x8;
	s4 =	ssub.s32 $0x2, s4  }
0xa: {  	_ =	strace $0x80000047;
	s6 =	sor.u32 s7, s6;
	s18 =	sshrl.u32 s4, $0x1  }
0xb: {  	s8 =	sshrl.u32 s6, $0x1;
	s6 =	sshll.u32 s6, $0x4;
	s9 =	ssub.s32 s4, s18  }
0xc: {  	s18 =	simm.s32 $0x18400;
	s4 =	sadd.s32 s0, s8;
	s19 =	sor.u32 $0x800, s6  }
0xd: {  	s20 =	sadd.s32 s2, s6;
	s7 =	sadd.s32 s5, s6;
	s17 =	smax.u32 s9, $0x1  }
0xe: {  	s6 =	simm.s32 $0x8;
	[dreg:$0x5] =	wrdreg s20;
	s2 =	sadd.s32 s2, s19  }
0xf: {  	s8 =	simm.s32 $0xC;
	s21 =	sadd.s32 $0x200, s7;
	[dreg:$0x6] =	wrdreg s2  }
0x10: {  	s9 =	simm.s32 $0x9;
	s22 =	sadd.s32 $0x20000, s7;
	[dreg:$0x7] =	wrdreg s21  }
0x11: {  	s23 =	sadd.s32 $0x40000, s7;
	s24 =	sadd.s32 $0x60000, s7;
	[dreg:$0x8] =	wrdreg s22  }
0x12: {  	s0 =	sadd.s32 s5, s19;
	s25 =	sadd.s32 $0x20800, s7;
	[dreg:$0x9] =	wrdreg s23  }
0x13: {  	s26 =	sadd.s32 $0x40800, s7;
	s15 =	sadd.s32 $0x60800, s7;
	[dreg:$0xa] =	wrdreg s24  }
0x14: {  	s16 =	sadd.s32 $0x60E00, s7;
	s20 =	simm.s32 $0x1;
	[dreg:$0xb] =	wrdreg s0  }
0x15: {  	s19 =	simm.s32 $0x6;
	s5 =	simm.s32 $0xB;
	[dreg:$0xc] =	wrdreg s25  }
0x16: {  	[dreg:$0xd] =	wrdreg s26;
	s21 =	simm.s32 $0x20;
	s22 =	simm.s32 $0x8400  }
0x17: {  	s23 =	simm.s32 $0x2;
	s25 =	simm.s32 $0xC400;
	s26 =	simm.s32 $0x80  }
0x18: {  	s0 =	simm.s32 $0x5;
	s2 =	simm.s32 $0x7;
	s24 =	simm.s32 $0x0  }
.LBB2_1:
0x19: {  	[tilespmem:s3], [sflag:$0x1] =	stream.linear.gather [hbm4b:s4+s3], $0x20, $0x38;
	[tilespmem:$0x1C400] =	vst v63  }
0x1a: {  	_ = 	snop  }
0x1b: {  	[tilespmem:s3], [sflag:$0x2] =	stream.linear.gather [hbm4b:s4+s3], $0x400, $0x38;
	[tilespmem:$0x1C400] =	vst v63  }
0x1c: {  	s13 =	rddreg [dreg:$0x5];
	s14 =	simm.s32 $0x400  }
0x1d: {  	[tilespmem:s14], [sflag:$0x3] =	stream.linear.gather [hbm4b:s13+s3], $0x4000, $0x38;
	[tilespmem:$0x1C400] =	vst v63  }
0x1e: {  	s13 =	rddreg [dreg:$0x6];
	s14 =	simm.s32 $0x4400  }
0x1f: {  	[tilespmem:s14], [sflag:$0x4] =	stream.linear.gather [hbm4b:s13+s3], $0x4000, $0x38;
	[tilespmem:$0x1C400] =	vst v63  }
0x20: {  	_ =	swait.ge [sflag:s20], $0x20  }
0x21: {  	[sflag:s20] =	ssyncset.done $0x0  }
0x22: {  	[sflag:s20] =	ssyncadd.s32 $0xFFFFFFE0  }
0x23: {  	[tilespmem:s22], [sflag:$0x5] =	stream.indirect.gather [hbm4b:s1+s21], $0x80, s3, s21, $0xb8;
	[tilespmem:$0x1C400] =	vst v63  }
0x24: {  	_ =	swait.ge [sflag:s23], $0x400  }
0x25: {  	[sflag:s23] =	ssyncset.done $0x0  }
0x26: {  	s14 =	simm.s32 $0x60;
	[sflag:s23] =	ssyncadd.s32 $0xFFFFFC00  }
0x27: {  	[tilespmem:s25], [sflag:$0x6] =	stream.indirect.gather [hbm4b:s1+s14], $0x80, s21, s14, $0xb8;
	[tilespmem:$0x1C400] =	vst v63  }
0x28: {  	_ = 	snop  }
0x29: {  	[tilespmem:s28], [sflag:$0x7] =	stream.indirect.gather [hbm4b:s1+s26], $0x80, s26, s26, $0xb8;
	[tilespmem:$0x1C400] =	vst v63  }
0x2a: {  	s14 =	simm.s32 $0x100  }
0x2b: {  	[tilespmem:s30], [sflag:$0x8] =	stream.indirect.gather [hbm4b:s1+s26], $0x80, s14, s26, $0xb8;
	[tilespmem:$0x1C400] =	vst v63  }
0x2c: {  	_ =	swait.ge [sflag:s31], $0x4000  }
0x2d: {  	[sflag:s31] =	ssyncset.done $0x0  }
0x2e: {  	[sflag:s31] =	ssyncadd.s32 $0xFFFFC000  }
0x2f: {  	_ =	swait.ge [sflag:s0], $0x1000  }
0x30: {  	[sflag:s0] =	ssyncset.done $0x0  }
0x31: {  	s13 =	simm.s32 $0x0;
	s14 =	simm.s32 $0x200;
	[sflag:s0] =	ssyncadd.s32 $0xFFFFF000  }
.LBB2_2:
0x32: {  	p0 =	sne.s32 s14, $0x3E00;
	v0 =	vld [tilespmem:s13+$0x470]  }
0x33: {  	v1 =	vld [tilespmem:s13+$0x400]  }
0x34: {  	v2 =	vld [tilespmem:s13+$0x410]  }
0x35: {  	v3 =	vld [tilespmem:s13+$0x420]  }
0x36: {  	v4 =	vld [tilespmem:s13+$0x430]  }
0x37: {  	[tilespmem:s13+$0x8470] =	vst.add.f32.msk $0xffff, v0  }
0x38: {  	v0 =	vld [tilespmem:s13+$0x440]  }
0x39: {  	v5 =	vld [tilespmem:s13+$0x450]  }
0x3a: {  	v6 =	vld [tilespmem:s13+$0x460]  }
0x3b: {  	[tilespmem:s13+$0x8400] =	vst.add.f32.msk $0xffff, v1  }
0x3c: {  	[tilespmem:s13+$0x8410] =	vst.add.f32.msk $0xffff, v2  }
.Ltmp0:
0x3d: {  	[tilespmem:s13+$0x8420] =	vst.add.f32.msk $0xffff, v3;
	(pc) =	sbr.rel @p0 .LBB2_2-.Ltmp0, $4  }
0x3e: {  	[tilespmem:s13+$0x8430] =	vst.add.f32.msk $0xffff, v4  }
0x3f: {  	[tilespmem:s13+$0x8440] =	vst.add.f32.msk $0xffff, v0  }
0x40: {  	[tilespmem:s13+$0x8450] =	vst.add.f32.msk $0xffff, v5  }
0x41: {  	[tilespmem:s13+$0x8460] =	vst.add.f32.msk $0xffff, v6;
	s13 =	sshra.s32 s14, $0x2;
	s14 =	sadd.s32 $0x200, s14  }
0x42: {  	v0 =	vld [tilespmem:s13+$0x470]  }
0x43: {  	v1 =	vld [tilespmem:s13+$0x400]  }
0x44: {  	v2 =	vld [tilespmem:s13+$0x410]  }
0x45: {  	v3 =	vld [tilespmem:s13+$0x420]  }
0x46: {  	v4 =	vld [tilespmem:s13+$0x430]  }
0x47: {  	v63 =	vld [tilespmem:s13+$0x440]  }
0x48: {  	v5 =	vld [tilespmem:s13+$0x450]  }
0x49: {  	v6 =	vld [tilespmem:s13+$0x460]  }
0x4a: {  	[tilespmem:s13+$0x8470] =	vst.add.f32.msk $0xffff, v0  }
0x4b: {  	[tilespmem:s13+$0x8400] =	vst.add.f32.msk $0xffff, v1  }
0x4c: {  	[tilespmem:s13+$0x8410] =	vst.add.f32.msk $0xffff, v2  }
0x4d: {  	[tilespmem:s13+$0x8420] =	vst.add.f32.msk $0xffff, v3  }
0x4e: {  	[tilespmem:s13+$0x8430] =	vst.add.f32.msk $0xffff, v4  }
0x4f: {  	[tilespmem:s13+$0x8440] =	vst.add.f32.msk $0xffff, v63  }
0x50: {  	[tilespmem:s13+$0x8450] =	vst.add.f32.msk $0xffff, v5  }
0x51: {  	s14 =	simm.s32 $0x0;
	[tilespmem:s13+$0x8460] =	vst.add.f32.msk $0xffff, v6  }
0x52: {  	[hbm4b:s7+s14] =	stream.linear.scatter [tilespmem:s22], [sflag:$0xA], $0x1000, $0x38;
	[tilespmem:$0x1C400] =	vst v63  }
0x53: {  	s14 =	simm.s32 $0x180  }
0x54: {  	[tilespmem:s18], [sflag:$0x9] =	stream.indirect.gather [hbm4b:s1+s26], $0x80, s14, s26, $0xb8;
	[tilespmem:$0x1C400] =	vst v63  }
0x55: {  	_ =	swait.ge [sflag:s19], $0x3000  }
0x56: {  	[sflag:s19] =	ssyncset.done $0x0  }
0x57: {  	s13 =	simm.s32 $0x0;
	s14 =	simm.s32 $0x200;
	[sflag:s19] =	ssyncadd.s32 $0xFFFFD000  }
.LBB2_4:
0x58: {  	p0 =	sne.s32 s14, $0xBE00;
	v0 =	vld [tilespmem:s13+$0x1470]  }
0x59: {  	v1 =	vld [tilespmem:s13+$0x1400]  }
0x5a: {  	v2 =	vld [tilespmem:s13+$0x1410]  }
0x5b: {  	v3 =	vld [tilespmem:s13+$0x1420]  }
0x5c: {  	v4 =	vld [tilespmem:s13+$0x1430]  }
0x5d: {  	[tilespmem:s13+$0xC470] =	vst.add.f32.msk $0xffff, v0  }
0x5e: {  	v0 =	vld [tilespmem:s13+$0x1440]  }
0x5f: {  	v5 =	vld [tilespmem:s13+$0x1450]  }
0x60: {  	v6 =	vld [tilespmem:s13+$0x1460]  }
0x61: {  	[tilespmem:s13+$0xC400] =	vst.add.f32.msk $0xffff, v1  }
0x62: {  	[tilespmem:s13+$0xC410] =	vst.add.f32.msk $0xffff, v2  }
.Ltmp1:
0x63: {  	[tilespmem:s13+$0xC420] =	vst.add.f32.msk $0xffff, v3;
	(pc) =	sbr.rel @p0 .LBB2_4-.Ltmp1, $4  }
0x64: {  	[tilespmem:s13+$0xC430] =	vst.add.f32.msk $0xffff, v4  }
0x65: {  	[tilespmem:s13+$0xC440] =	vst.add.f32.msk $0xffff, v0  }
0x66: {  	[tilespmem:s13+$0xC450] =	vst.add.f32.msk $0xffff, v5  }
0x67: {  	[tilespmem:s13+$0xC460] =	vst.add.f32.msk $0xffff, v6;
	s13 =	sshra.s32 s14, $0x2;
	s14 =	sadd.s32 $0x200, s14  }
0x68: {  	v0 =	vld [tilespmem:s13+$0x1470]  }
0x69: {  	v1 =	vld [tilespmem:s13+$0x1400]  }
0x6a: {  	v2 =	vld [tilespmem:s13+$0x1410]  }
0x6b: {  	v3 =	vld [tilespmem:s13+$0x1420]  }
0x6c: {  	v4 =	vld [tilespmem:s13+$0x1430]  }
0x6d: {  	v63 =	vld [tilespmem:s13+$0x1440]  }
0x6e: {  	v5 =	vld [tilespmem:s13+$0x1450]  }
0x6f: {  	v6 =	vld [tilespmem:s13+$0x1460]  }
0x70: {  	[tilespmem:s13+$0xC470] =	vst.add.f32.msk $0xffff, v0  }
0x71: {  	[tilespmem:s13+$0xC400] =	vst.add.f32.msk $0xffff, v1  }
0x72: {  	[tilespmem:s13+$0xC410] =	vst.add.f32.msk $0xffff, v2  }
0x73: {  	[tilespmem:s13+$0xC420] =	vst.add.f32.msk $0xffff, v3  }
0x74: {  	[tilespmem:s13+$0xC430] =	vst.add.f32.msk $0xffff, v4  }
0x75: {  	[tilespmem:s13+$0xC440] =	vst.add.f32.msk $0xffff, v63  }
0x76: {  	[tilespmem:s13+$0xC450] =	vst.add.f32.msk $0xffff, v5  }
0x77: {  	s14 =	rddreg [dreg:$0x7];
	[tilespmem:s13+$0xC460] =	vst.add.f32.msk $0xffff, v6;
	s13 =	simm.s32 $0x0  }
0x78: {  	[hbm4b:s14+s13] =	stream.linear.scatter [tilespmem:s25], [sflag:$0xB], $0x3000, $0x38;
	[tilespmem:$0x1C400] =	vst v63  }
0x79: {  	_ =	swait.ge [sflag:s29], $0x1000  }
0x7a: {  	[sflag:s29] =	ssyncset.done $0x0  }
0x7b: {  	s14 =	simm.s32 $0x200;
	[sflag:s29] =	ssyncadd.s32 $0xFFFFF000  }
0x7c: {  	[tilespmem:s22], [sflag:$0x5] =	stream.indirect.gather [hbm4b:s1+s26], $0x80, s14, s26, $0xb8;
	[tilespmem:$0x1C400] =	vst v63  }
0x7d: {  	_ =	swait.ge [sflag:s2], $0x4000  }
0x7e: {  	[sflag:s2] =	ssyncset.done $0x0  }
0x7f: {  	s13 =	simm.s32 $0x0;
	s14 =	simm.s32 $0x200;
	[sflag:s2] =	ssyncadd.s32 $0xFFFFC000  }
.LBB2_6:
0x80: {  	p0 =	sne.s32 s14, $0xFE00;
	v0 =	vld [tilespmem:s13+$0x470]  }
0x81: {  	v1 =	vld [tilespmem:s13+$0x400]  }
0x82: {  	v2 =	vld [tilespmem:s13+$0x410]  }
0x83: {  	v3 =	vld [tilespmem:s13+$0x420]  }
0x84: {  	v4 =	vld [tilespmem:s13+$0x430]  }
0x85: {  	[tilespmem:s13+$0x10470] =	vst.add.f32.msk $0xffff, v0  }
0x86: {  	v0 =	vld [tilespmem:s13+$0x440]  }
0x87: {  	v5 =	vld [tilespmem:s13+$0x450]  }
0x88: {  	v6 =	vld [tilespmem:s13+$0x460]  }
0x89: {  	[tilespmem:s13+$0x10400] =	vst.add.f32.msk $0xffff, v1  }
0x8a: {  	[tilespmem:s13+$0x10410] =	vst.add.f32.msk $0xffff, v2  }
.Ltmp2:
0x8b: {  	[tilespmem:s13+$0x10420] =	vst.add.f32.msk $0xffff, v3;
	(pc) =	sbr.rel @p0 .LBB2_6-.Ltmp2, $4  }
0x8c: {  	[tilespmem:s13+$0x10430] =	vst.add.f32.msk $0xffff, v4  }
0x8d: {  	[tilespmem:s13+$0x10440] =	vst.add.f32.msk $0xffff, v0  }
0x8e: {  	[tilespmem:s13+$0x10450] =	vst.add.f32.msk $0xffff, v5  }
0x8f: {  	[tilespmem:s13+$0x10460] =	vst.add.f32.msk $0xffff, v6;
	s13 =	sshra.s32 s14, $0x2;
	s14 =	sadd.s32 $0x200, s14  }
0x90: {  	v0 =	vld [tilespmem:s13+$0x470]  }
0x91: {  	v1 =	vld [tilespmem:s13+$0x400]  }
0x92: {  	v2 =	vld [tilespmem:s13+$0x410]  }
0x93: {  	v3 =	vld [tilespmem:s13+$0x420]  }
0x94: {  	v4 =	vld [tilespmem:s13+$0x430]  }
0x95: {  	v63 =	vld [tilespmem:s13+$0x440]  }
0x96: {  	v5 =	vld [tilespmem:s13+$0x450]  }
0x97: {  	v6 =	vld [tilespmem:s13+$0x460]  }
0x98: {  	[tilespmem:s13+$0x10470] =	vst.add.f32.msk $0xffff, v0  }
0x99: {  	[tilespmem:s13+$0x10400] =	vst.add.f32.msk $0xffff, v1  }
0x9a: {  	[tilespmem:s13+$0x10410] =	vst.add.f32.msk $0xffff, v2  }
0x9b: {  	[tilespmem:s13+$0x10420] =	vst.add.f32.msk $0xffff, v3  }
0x9c: {  	[tilespmem:s13+$0x10430] =	vst.add.f32.msk $0xffff, v4  }
0x9d: {  	[tilespmem:s13+$0x10440] =	vst.add.f32.msk $0xffff, v63  }
0x9e: {  	[tilespmem:s13+$0x10450] =	vst.add.f32.msk $0xffff, v5  }
0x9f: {  	s14 =	rddreg [dreg:$0x8];
	[tilespmem:s13+$0x10460] =	vst.add.f32.msk $0xffff, v6;
	s13 =	simm.s32 $0x0  }
0xa0: {  	[hbm4b:s14+s13] =	stream.linear.scatter [tilespmem:s28], [sflag:$0xC], $0x4000, $0x38;
	[tilespmem:$0x1C400] =	vst v63  }
0xa1: {  	_ =	swait.ge [sflag:s5], $0x3000  }
0xa2: {  	[sflag:s5] =	ssyncset.done $0x0  }
0xa3: {  	s14 =	simm.s32 $0x280;
	[sflag:s5] =	ssyncadd.s32 $0xFFFFD000  }
0xa4: {  	[tilespmem:s25], [sflag:$0x6] =	stream.indirect.gather [hbm4b:s1+s26], $0x80, s14, s26, $0xb8;
	[tilespmem:$0x1C400] =	vst v63  }
0xa5: {  	_ =	swait.ge [sflag:s6], $0x4000  }
0xa6: {  	[sflag:s6] =	ssyncset.done $0x0  }
0xa7: {  	s13 =	simm.s32 $0x0;
	s14 =	simm.s32 $0x200;
	[sflag:s6] =	ssyncadd.s32 $0xFFFFC000  }
.LBB2_8:
0xa8: {  	p0 =	sne.s32 s14, $0xFE00;
	v0 =	vld [tilespmem:s13+$0x470]  }
0xa9: {  	v1 =	vld [tilespmem:s13+$0x400]  }
0xaa: {  	v2 =	vld [tilespmem:s13+$0x410]  }
0xab: {  	v3 =	vld [tilespmem:s13+$0x420]  }
0xac: {  	v4 =	vld [tilespmem:s13+$0x430]  }
0xad: {  	[tilespmem:s13+$0x14470] =	vst.add.f32.msk $0xffff, v0  }
0xae: {  	v0 =	vld [tilespmem:s13+$0x440]  }
0xaf: {  	v5 =	vld [tilespmem:s13+$0x450]  }
0xb0: {  	v6 =	vld [tilespmem:s13+$0x460]  }
0xb1: {  	[tilespmem:s13+$0x14400] =	vst.add.f32.msk $0xffff, v1  }
0xb2: {  	[tilespmem:s13+$0x14410] =	vst.add.f32.msk $0xffff, v2  }
.Ltmp3:
0xb3: {  	[tilespmem:s13+$0x14420] =	vst.add.f32.msk $0xffff, v3;
	(pc) =	sbr.rel @p0 .LBB2_8-.Ltmp3, $4  }
0xb4: {  	[tilespmem:s13+$0x14430] =	vst.add.f32.msk $0xffff, v4  }
0xb5: {  	[tilespmem:s13+$0x14440] =	vst.add.f32.msk $0xffff, v0  }
0xb6: {  	[tilespmem:s13+$0x14450] =	vst.add.f32.msk $0xffff, v5  }
0xb7: {  	[tilespmem:s13+$0x14460] =	vst.add.f32.msk $0xffff, v6;
	s13 =	sshra.s32 s14, $0x2;
	s14 =	sadd.s32 $0x200, s14  }
0xb8: {  	v0 =	vld [tilespmem:s13+$0x470]  }
0xb9: {  	v1 =	vld [tilespmem:s13+$0x400]  }
0xba: {  	v2 =	vld [tilespmem:s13+$0x410]  }
0xbb: {  	v3 =	vld [tilespmem:s13+$0x420]  }
0xbc: {  	v4 =	vld [tilespmem:s13+$0x430]  }
0xbd: {  	v63 =	vld [tilespmem:s13+$0x440]  }
0xbe: {  	v5 =	vld [tilespmem:s13+$0x450]  }
0xbf: {  	v6 =	vld [tilespmem:s13+$0x460]  }
0xc0: {  	[tilespmem:s13+$0x14470] =	vst.add.f32.msk $0xffff, v0  }
0xc1: {  	[tilespmem:s13+$0x14400] =	vst.add.f32.msk $0xffff, v1  }
0xc2: {  	[tilespmem:s13+$0x14410] =	vst.add.f32.msk $0xffff, v2  }
0xc3: {  	[tilespmem:s13+$0x14420] =	vst.add.f32.msk $0xffff, v3  }
0xc4: {  	[tilespmem:s13+$0x14430] =	vst.add.f32.msk $0xffff, v4  }
0xc5: {  	[tilespmem:s13+$0x14440] =	vst.add.f32.msk $0xffff, v63  }
0xc6: {  	[tilespmem:s13+$0x14450] =	vst.add.f32.msk $0xffff, v5  }
0xc7: {  	s14 =	rddreg [dreg:$0x9];
	[tilespmem:s13+$0x14460] =	vst.add.f32.msk $0xffff, v6;
	s13 =	simm.s32 $0x0  }
0xc8: {  	[hbm4b:s14+s13] =	stream.linear.scatter [tilespmem:s30], [sflag:$0xD], $0x4000, $0x38;
	[tilespmem:$0x1C400] =	vst v63  }
0xc9: {  	_ =	swait.ge [sflag:s8], $0x4000  }
0xca: {  	[sflag:s8] =	ssyncset.done $0x0  }
0xcb: {  	s14 =	simm.s32 $0x300;
	[sflag:s8] =	ssyncadd.s32 $0xFFFFC000  }
0xcc: {  	[tilespmem:s28], [sflag:$0x7] =	stream.indirect.gather [hbm4b:s1+s26], $0x80, s14, s26, $0xb8;
	[tilespmem:$0x1C400] =	vst v63  }
0xcd: {  	_ =	swait.ge [sflag:s9], $0x4000  }
0xce: {  	[sflag:s9] =	ssyncset.done $0x0  }
0xcf: {  	s13 =	simm.s32 $0x0;
	s14 =	simm.s32 $0x200;
	[sflag:s9] =	ssyncadd.s32 $0xFFFFC000  }
.LBB2_10:
0xd0: {  	p0 =	sne.s32 s14, $0xFE00;
	v0 =	vld [tilespmem:s13+$0x470]  }
0xd1: {  	v1 =	vld [tilespmem:s13+$0x400]  }
0xd2: {  	v2 =	vld [tilespmem:s13+$0x410]  }
0xd3: {  	v3 =	vld [tilespmem:s13+$0x420]  }
0xd4: {  	v4 =	vld [tilespmem:s13+$0x430]  }
0xd5: {  	[tilespmem:s13+$0x18470] =	vst.add.f32.msk $0xffff, v0  }
0xd6: {  	v0 =	vld [tilespmem:s13+$0x440]  }
0xd7: {  	v5 =	vld [tilespmem:s13+$0x450]  }
0xd8: {  	v6 =	vld [tilespmem:s13+$0x460]  }
0xd9: {  	[tilespmem:s13+$0x18400] =	vst.add.f32.msk $0xffff, v1  }
0xda: {  	[tilespmem:s13+$0x18410] =	vst.add.f32.msk $0xffff, v2  }
.Ltmp4:
0xdb: {  	[tilespmem:s13+$0x18420] =	vst.add.f32.msk $0xffff, v3;
	(pc) =	sbr.rel @p0 .LBB2_10-.Ltmp4, $4  }
0xdc: {  	[tilespmem:s13+$0x18430] =	vst.add.f32.msk $0xffff, v4  }
0xdd: {  	[tilespmem:s13+$0x18440] =	vst.add.f32.msk $0xffff, v0  }
0xde: {  	[tilespmem:s13+$0x18450] =	vst.add.f32.msk $0xffff, v5  }
0xdf: {  	[tilespmem:s13+$0x18460] =	vst.add.f32.msk $0xffff, v6;
	s13 =	sshra.s32 s14, $0x2;
	s14 =	sadd.s32 $0x200, s14  }
0xe0: {  	v0 =	vld [tilespmem:s13+$0x470]  }
0xe1: {  	v1 =	vld [tilespmem:s13+$0x400]  }
0xe2: {  	v2 =	vld [tilespmem:s13+$0x410]  }
0xe3: {  	v3 =	vld [tilespmem:s13+$0x420]  }
0xe4: {  	v4 =	vld [tilespmem:s13+$0x430]  }
0xe5: {  	v63 =	vld [tilespmem:s13+$0x440]  }
0xe6: {  	v5 =	vld [tilespmem:s13+$0x450]  }
0xe7: {  	v6 =	vld [tilespmem:s13+$0x460]  }
0xe8: {  	[tilespmem:s13+$0x18470] =	vst.add.f32.msk $0xffff, v0  }
0xe9: {  	[tilespmem:s13+$0x18400] =	vst.add.f32.msk $0xffff, v1  }
0xea: {  	[tilespmem:s13+$0x18410] =	vst.add.f32.msk $0xffff, v2  }
0xeb: {  	[tilespmem:s13+$0x18420] =	vst.add.f32.msk $0xffff, v3  }
0xec: {  	[tilespmem:s13+$0x18430] =	vst.add.f32.msk $0xffff, v4  }
0xed: {  	[tilespmem:s13+$0x18440] =	vst.add.f32.msk $0xffff, v63  }
0xee: {  	[tilespmem:s13+$0x18450] =	vst.add.f32.msk $0xffff, v5  }
0xef: {  	s14 =	rddreg [dreg:$0xa];
	[tilespmem:s13+$0x18460] =	vst.add.f32.msk $0xffff, v6;
	s13 =	simm.s32 $0x0  }
0xf0: {  	[hbm4b:s14+s13] =	stream.linear.scatter [tilespmem:s18], [sflag:$0xE], $0x4000, $0x38;
	[tilespmem:$0x1C400] =	vst v63  }
0xf1: {  	_ =	swait.ge [sflag:s10], $0x4000  }
0xf2: {  	[sflag:s10] =	ssyncset.done $0x0  }
0xf3: {  	s13 =	simm.s32 $0x60;
	s14 =	simm.s32 $0x380;
	[sflag:s10] =	ssyncadd.s32 $0xFFFFC000  }
0xf4: {  	[tilespmem:s30], [sflag:$0x8] =	stream.indirect.gather [hbm4b:s1+s13], $0x80, s14, s13, $0xb8;
	[tilespmem:$0x1C400] =	vst v63  }
0xf5: {  	_ =	swait.ge [sflag:s11], $0x4000  }
0xf6: {  	[sflag:s11] =	ssyncset.done $0x0  }
0xf7: {  	[sflag:s11] =	ssyncadd.s32 $0xFFFFC000  }
0xf8: {  	_ =	swait.ge [sflag:s0], $0x4000  }
0xf9: {  	[sflag:s0] =	ssyncset.done $0x0  }
0xfa: {  	s13 =	simm.s32 $0x0;
	s14 =	simm.s32 $0x200;
	[sflag:s0] =	ssyncadd.s32 $0xFFFFC000  }
.LBB2_12:
0xfb: {  	p0 =	sne.s32 s14, $0xFE00;
	v0 =	vld [tilespmem:s13+$0x4470]  }
0xfc: {  	v1 =	vld [tilespmem:s13+$0x4400]  }
0xfd: {  	v2 =	vld [tilespmem:s13+$0x4410]  }
0xfe: {  	v3 =	vld [tilespmem:s13+$0x4420]  }
0xff: {  	v4 =	vld [tilespmem:s13+$0x4430]  }
0x100: {  	[tilespmem:s13+$0x8470] =	vst.add.f32.msk $0xffff, v0  }
0x101: {  	v0 =	vld [tilespmem:s13+$0x4440]  }
0x102: {  	v5 =	vld [tilespmem:s13+$0x4450]  }
0x103: {  	v6 =	vld [tilespmem:s13+$0x4460]  }
0x104: {  	[tilespmem:s13+$0x8400] =	vst.add.f32.msk $0xffff, v1  }
0x105: {  	[tilespmem:s13+$0x8410] =	vst.add.f32.msk $0xffff, v2  }
.Ltmp5:
0x106: {  	[tilespmem:s13+$0x8420] =	vst.add.f32.msk $0xffff, v3;
	(pc) =	sbr.rel @p0 .LBB2_12-.Ltmp5, $4  }
0x107: {  	[tilespmem:s13+$0x8430] =	vst.add.f32.msk $0xffff, v4  }
0x108: {  	[tilespmem:s13+$0x8440] =	vst.add.f32.msk $0xffff, v0  }
0x109: {  	[tilespmem:s13+$0x8450] =	vst.add.f32.msk $0xffff, v5  }
0x10a: {  	[tilespmem:s13+$0x8460] =	vst.add.f32.msk $0xffff, v6;
	s13 =	sshra.s32 s14, $0x2;
	s14 =	sadd.s32 $0x200, s14  }
0x10b: {  	v0 =	vld [tilespmem:s13+$0x4470]  }
0x10c: {  	v1 =	vld [tilespmem:s13+$0x4400]  }
0x10d: {  	v2 =	vld [tilespmem:s13+$0x4410]  }
0x10e: {  	v3 =	vld [tilespmem:s13+$0x4420]  }
0x10f: {  	v4 =	vld [tilespmem:s13+$0x4430]  }
0x110: {  	v63 =	vld [tilespmem:s13+$0x4440]  }
0x111: {  	v5 =	vld [tilespmem:s13+$0x4450]  }
0x112: {  	v6 =	vld [tilespmem:s13+$0x4460]  }
0x113: {  	[tilespmem:s13+$0x8470] =	vst.add.f32.msk $0xffff, v0  }
0x114: {  	[tilespmem:s13+$0x8400] =	vst.add.f32.msk $0xffff, v1  }
0x115: {  	[tilespmem:s13+$0x8410] =	vst.add.f32.msk $0xffff, v2  }
0x116: {  	[tilespmem:s13+$0x8420] =	vst.add.f32.msk $0xffff, v3  }
0x117: {  	[tilespmem:s13+$0x8430] =	vst.add.f32.msk $0xffff, v4  }
0x118: {  	[tilespmem:s13+$0x8440] =	vst.add.f32.msk $0xffff, v63  }
0x119: {  	[tilespmem:s13+$0x8450] =	vst.add.f32.msk $0xffff, v5  }
0x11a: {  	s14 =	rddreg [dreg:$0xb];
	[tilespmem:s13+$0x8460] =	vst.add.f32.msk $0xffff, v6;
	s13 =	simm.s32 $0x0  }
0x11b: {  	[hbm4b:s14+s13] =	stream.linear.scatter [tilespmem:s22], [sflag:$0xA], $0x4000, $0x38;
	[tilespmem:$0x1C400] =	vst v63  }
0x11c: {  	_ =	swait.ge [sflag:s12], $0x4000  }
0x11d: {  	[sflag:s12] =	ssyncset.done $0x0  }
0x11e: {  	s14 =	simm.s32 $0x3E0;
	[sflag:s12] =	ssyncadd.s32 $0xFFFFC000  }
0x11f: {  	[tilespmem:s18], [sflag:$0x9] =	stream.indirect.gather [hbm4b:s1+s21], $0x80, s14, s21, $0xb8;
	[tilespmem:$0x1C400] =	vst v63  }
0x120: {  	_ =	swait.ge [sflag:s19], $0x4000  }
0x121: {  	[sflag:s19] =	ssyncset.done $0x0  }
0x122: {  	s13 =	simm.s32 $0x0;
	s14 =	simm.s32 $0x200;
	[sflag:s19] =	ssyncadd.s32 $0xFFFFC000  }
.LBB2_14:
0x123: {  	p0 =	sne.s32 s14, $0xFE00;
	v0 =	vld [tilespmem:s13+$0x4470]  }
0x124: {  	v1 =	vld [tilespmem:s13+$0x4400]  }
0x125: {  	v2 =	vld [tilespmem:s13+$0x4410]  }
0x126: {  	v3 =	vld [tilespmem:s13+$0x4420]  }
0x127: {  	v4 =	vld [tilespmem:s13+$0x4430]  }
0x128: {  	[tilespmem:s13+$0xC470] =	vst.add.f32.msk $0xffff, v0  }
0x129: {  	v0 =	vld [tilespmem:s13+$0x4440]  }
0x12a: {  	v5 =	vld [tilespmem:s13+$0x4450]  }
0x12b: {  	v6 =	vld [tilespmem:s13+$0x4460]  }
0x12c: {  	[tilespmem:s13+$0xC400] =	vst.add.f32.msk $0xffff, v1  }
0x12d: {  	[tilespmem:s13+$0xC410] =	vst.add.f32.msk $0xffff, v2  }
.Ltmp6:
0x12e: {  	[tilespmem:s13+$0xC420] =	vst.add.f32.msk $0xffff, v3;
	(pc) =	sbr.rel @p0 .LBB2_14-.Ltmp6, $4  }
0x12f: {  	[tilespmem:s13+$0xC430] =	vst.add.f32.msk $0xffff, v4  }
0x130: {  	[tilespmem:s13+$0xC440] =	vst.add.f32.msk $0xffff, v0  }
0x131: {  	[tilespmem:s13+$0xC450] =	vst.add.f32.msk $0xffff, v5  }
0x132: {  	[tilespmem:s13+$0xC460] =	vst.add.f32.msk $0xffff, v6;
	s13 =	sshra.s32 s14, $0x2;
	s14 =	sadd.s32 $0x200, s14  }
0x133: {  	v0 =	vld [tilespmem:s13+$0x4470]  }
0x134: {  	v1 =	vld [tilespmem:s13+$0x4400]  }
0x135: {  	v2 =	vld [tilespmem:s13+$0x4410]  }
0x136: {  	v3 =	vld [tilespmem:s13+$0x4420]  }
0x137: {  	v4 =	vld [tilespmem:s13+$0x4430]  }
0x138: {  	v63 =	vld [tilespmem:s13+$0x4440]  }
0x139: {  	v5 =	vld [tilespmem:s13+$0x4450]  }
0x13a: {  	v6 =	vld [tilespmem:s13+$0x4460]  }
0x13b: {  	[tilespmem:s13+$0xC470] =	vst.add.f32.msk $0xffff, v0  }
0x13c: {  	[tilespmem:s13+$0xC400] =	vst.add.f32.msk $0xffff, v1  }
0x13d: {  	[tilespmem:s13+$0xC410] =	vst.add.f32.msk $0xffff, v2  }
0x13e: {  	[tilespmem:s13+$0xC420] =	vst.add.f32.msk $0xffff, v3  }
0x13f: {  	[tilespmem:s13+$0xC430] =	vst.add.f32.msk $0xffff, v4  }
0x140: {  	[tilespmem:s13+$0xC440] =	vst.add.f32.msk $0xffff, v63  }
0x141: {  	[tilespmem:s13+$0xC450] =	vst.add.f32.msk $0xffff, v5  }
0x142: {  	s14 =	rddreg [dreg:$0xc];
	[tilespmem:s13+$0xC460] =	vst.add.f32.msk $0xffff, v6;
	s13 =	simm.s32 $0x0  }
0x143: {  	[hbm4b:s14+s13] =	stream.linear.scatter [tilespmem:s25], [sflag:$0xB], $0x4000, $0x38;
	[tilespmem:$0x1C400] =	vst v63  }
0x144: {  	_ =	swait.ge [sflag:s2], $0x4000  }
0x145: {  	[sflag:s2] =	ssyncset.done $0x0  }
0x146: {  	s13 =	simm.s32 $0x0;
	s14 =	simm.s32 $0x200;
	[sflag:s2] =	ssyncadd.s32 $0xFFFFC000  }
.LBB2_16:
0x147: {  	p0 =	sne.s32 s14, $0xFE00;
	v0 =	vld [tilespmem:s13+$0x4470]  }
0x148: {  	v1 =	vld [tilespmem:s13+$0x4400]  }
0x149: {  	v2 =	vld [tilespmem:s13+$0x4410]  }
0x14a: {  	v3 =	vld [tilespmem:s13+$0x4420]  }
0x14b: {  	v4 =	vld [tilespmem:s13+$0x4430]  }
0x14c: {  	[tilespmem:s13+$0x10470] =	vst.add.f32.msk $0xffff, v0  }
0x14d: {  	v0 =	vld [tilespmem:s13+$0x4440]  }
0x14e: {  	v5 =	vld [tilespmem:s13+$0x4450]  }
0x14f: {  	v6 =	vld [tilespmem:s13+$0x4460]  }
0x150: {  	[tilespmem:s13+$0x10400] =	vst.add.f32.msk $0xffff, v1  }
0x151: {  	[tilespmem:s13+$0x10410] =	vst.add.f32.msk $0xffff, v2  }
.Ltmp7:
0x152: {  	[tilespmem:s13+$0x10420] =	vst.add.f32.msk $0xffff, v3;
	(pc) =	sbr.rel @p0 .LBB2_16-.Ltmp7, $4  }
0x153: {  	[tilespmem:s13+$0x10430] =	vst.add.f32.msk $0xffff, v4  }
0x154: {  	[tilespmem:s13+$0x10440] =	vst.add.f32.msk $0xffff, v0  }
0x155: {  	[tilespmem:s13+$0x10450] =	vst.add.f32.msk $0xffff, v5  }
0x156: {  	[tilespmem:s13+$0x10460] =	vst.add.f32.msk $0xffff, v6;
	s13 =	sshra.s32 s14, $0x2;
	s14 =	sadd.s32 $0x200, s14  }
0x157: {  	v0 =	vld [tilespmem:s13+$0x4470]  }
0x158: {  	v1 =	vld [tilespmem:s13+$0x4400]  }
0x159: {  	v2 =	vld [tilespmem:s13+$0x4410]  }
0x15a: {  	v3 =	vld [tilespmem:s13+$0x4420]  }
0x15b: {  	v4 =	vld [tilespmem:s13+$0x4430]  }
0x15c: {  	v63 =	vld [tilespmem:s13+$0x4440]  }
0x15d: {  	v5 =	vld [tilespmem:s13+$0x4450]  }
0x15e: {  	v6 =	vld [tilespmem:s13+$0x4460]  }
0x15f: {  	[tilespmem:s13+$0x10470] =	vst.add.f32.msk $0xffff, v0  }
0x160: {  	[tilespmem:s13+$0x10400] =	vst.add.f32.msk $0xffff, v1  }
0x161: {  	[tilespmem:s13+$0x10410] =	vst.add.f32.msk $0xffff, v2  }
0x162: {  	[tilespmem:s13+$0x10420] =	vst.add.f32.msk $0xffff, v3  }
0x163: {  	[tilespmem:s13+$0x10430] =	vst.add.f32.msk $0xffff, v4  }
0x164: {  	[tilespmem:s13+$0x10440] =	vst.add.f32.msk $0xffff, v63  }
0x165: {  	[tilespmem:s13+$0x10450] =	vst.add.f32.msk $0xffff, v5  }
0x166: {  	s14 =	rddreg [dreg:$0xd];
	[tilespmem:s13+$0x10460] =	vst.add.f32.msk $0xffff, v6;
	s13 =	simm.s32 $0x0  }
0x167: {  	[hbm4b:s14+s13] =	stream.linear.scatter [tilespmem:s28], [sflag:$0xC], $0x4000, $0x38;
	[tilespmem:$0x1C400] =	vst v63  }
0x168: {  	_ =	swait.ge [sflag:s6], $0x3000  }
0x169: {  	[sflag:s6] =	ssyncset.done $0x0  }
0x16a: {  	s13 =	simm.s32 $0x0;
	s14 =	simm.s32 $0x200;
	[sflag:s6] =	ssyncadd.s32 $0xFFFFD000  }
.LBB2_18:
0x16b: {  	p0 =	sne.s32 s14, $0xBE00;
	v0 =	vld [tilespmem:s13+$0x4470]  }
0x16c: {  	v1 =	vld [tilespmem:s13+$0x4400]  }
0x16d: {  	v2 =	vld [tilespmem:s13+$0x4410]  }
0x16e: {  	v3 =	vld [tilespmem:s13+$0x4420]  }
0x16f: {  	v4 =	vld [tilespmem:s13+$0x4430]  }
0x170: {  	[tilespmem:s13+$0x14470] =	vst.add.f32.msk $0xffff, v0  }
0x171: {  	v0 =	vld [tilespmem:s13+$0x4440]  }
0x172: {  	v5 =	vld [tilespmem:s13+$0x4450]  }
0x173: {  	v6 =	vld [tilespmem:s13+$0x4460]  }
0x174: {  	[tilespmem:s13+$0x14400] =	vst.add.f32.msk $0xffff, v1  }
0x175: {  	[tilespmem:s13+$0x14410] =	vst.add.f32.msk $0xffff, v2  }
.Ltmp8:
0x176: {  	[tilespmem:s13+$0x14420] =	vst.add.f32.msk $0xffff, v3;
	(pc) =	sbr.rel @p0 .LBB2_18-.Ltmp8, $4  }
0x177: {  	[tilespmem:s13+$0x14430] =	vst.add.f32.msk $0xffff, v4  }
0x178: {  	[tilespmem:s13+$0x14440] =	vst.add.f32.msk $0xffff, v0  }
0x179: {  	[tilespmem:s13+$0x14450] =	vst.add.f32.msk $0xffff, v5  }
0x17a: {  	[tilespmem:s13+$0x14460] =	vst.add.f32.msk $0xffff, v6;
	s13 =	sshra.s32 s14, $0x2;
	s14 =	sadd.s32 $0x200, s14  }
0x17b: {  	v0 =	vld [tilespmem:s13+$0x4470]  }
0x17c: {  	v1 =	vld [tilespmem:s13+$0x4400]  }
0x17d: {  	v2 =	vld [tilespmem:s13+$0x4410]  }
0x17e: {  	v3 =	vld [tilespmem:s13+$0x4420]  }
0x17f: {  	v4 =	vld [tilespmem:s13+$0x4430]  }
0x180: {  	v63 =	vld [tilespmem:s13+$0x4440]  }
0x181: {  	v5 =	vld [tilespmem:s13+$0x4450]  }
0x182: {  	v6 =	vld [tilespmem:s13+$0x4460]  }
0x183: {  	[tilespmem:s13+$0x14470] =	vst.add.f32.msk $0xffff, v0  }
0x184: {  	[tilespmem:s13+$0x14400] =	vst.add.f32.msk $0xffff, v1  }
0x185: {  	[tilespmem:s13+$0x14410] =	vst.add.f32.msk $0xffff, v2  }
0x186: {  	[tilespmem:s13+$0x14420] =	vst.add.f32.msk $0xffff, v3  }
0x187: {  	[tilespmem:s13+$0x14430] =	vst.add.f32.msk $0xffff, v4  }
0x188: {  	[tilespmem:s13+$0x14440] =	vst.add.f32.msk $0xffff, v63  }
0x189: {  	[tilespmem:s13+$0x14450] =	vst.add.f32.msk $0xffff, v5  }
0x18a: {  	s14 =	simm.s32 $0x0;
	[tilespmem:s13+$0x14460] =	vst.add.f32.msk $0xffff, v6  }
0x18b: {  	[hbm4b:s15+s14] =	stream.linear.scatter [tilespmem:s30], [sflag:$0xD], $0x3000, $0x38;
	[tilespmem:$0x1C400] =	vst v63  }
0x18c: {  	_ =	swait.ge [sflag:s9], $0x1000  }
0x18d: {  	[sflag:s9] =	ssyncset.done $0x0  }
0x18e: {  	s13 =	simm.s32 $0x0;
	s14 =	simm.s32 $0x200;
	[sflag:s9] =	ssyncadd.s32 $0xFFFFF000  }
.LBB2_20:
0x18f: {  	p0 =	sne.s32 s14, $0x3E00;
	v0 =	vld [tilespmem:s13+$0x7470]  }
0x190: {  	v1 =	vld [tilespmem:s13+$0x7400]  }
0x191: {  	v2 =	vld [tilespmem:s13+$0x7410]  }
0x192: {  	v3 =	vld [tilespmem:s13+$0x7420]  }
0x193: {  	v4 =	vld [tilespmem:s13+$0x7430]  }
0x194: {  	[tilespmem:s13+$0x18470] =	vst.add.f32.msk $0xffff, v0  }
0x195: {  	v0 =	vld [tilespmem:s13+$0x7440]  }
0x196: {  	v5 =	vld [tilespmem:s13+$0x7450]  }
0x197: {  	v6 =	vld [tilespmem:s13+$0x7460]  }
0x198: {  	[tilespmem:s13+$0x18400] =	vst.add.f32.msk $0xffff, v1  }
0x199: {  	[tilespmem:s13+$0x18410] =	vst.add.f32.msk $0xffff, v2  }
.Ltmp9:
0x19a: {  	[tilespmem:s13+$0x18420] =	vst.add.f32.msk $0xffff, v3;
	(pc) =	sbr.rel @p0 .LBB2_20-.Ltmp9, $4  }
0x19b: {  	[tilespmem:s13+$0x18430] =	vst.add.f32.msk $0xffff, v4  }
0x19c: {  	[tilespmem:s13+$0x18440] =	vst.add.f32.msk $0xffff, v0  }
0x19d: {  	[tilespmem:s13+$0x18450] =	vst.add.f32.msk $0xffff, v5  }
0x19e: {  	[tilespmem:s13+$0x18460] =	vst.add.f32.msk $0xffff, v6;
	s13 =	sshra.s32 s14, $0x2;
	s14 =	sadd.s32 $0x200, s14  }
0x19f: {  	v0 =	vld [tilespmem:s13+$0x7470]  }
0x1a0: {  	v1 =	vld [tilespmem:s13+$0x7400]  }
0x1a1: {  	v2 =	vld [tilespmem:s13+$0x7410]  }
0x1a2: {  	v3 =	vld [tilespmem:s13+$0x7420]  }
0x1a3: {  	v4 =	vld [tilespmem:s13+$0x7430]  }
0x1a4: {  	v63 =	vld [tilespmem:s13+$0x7440]  }
0x1a5: {  	v5 =	vld [tilespmem:s13+$0x7450]  }
0x1a6: {  	v6 =	vld [tilespmem:s13+$0x7460]  }
0x1a7: {  	[tilespmem:s13+$0x18470] =	vst.add.f32.msk $0xffff, v0  }
0x1a8: {  	[tilespmem:s13+$0x18400] =	vst.add.f32.msk $0xffff, v1  }
0x1a9: {  	[tilespmem:s13+$0x18410] =	vst.add.f32.msk $0xffff, v2  }
0x1aa: {  	[tilespmem:s13+$0x18420] =	vst.add.f32.msk $0xffff, v3  }
0x1ab: {  	[tilespmem:s13+$0x18430] =	vst.add.f32.msk $0xffff, v4  }
0x1ac: {  	[tilespmem:s13+$0x18440] =	vst.add.f32.msk $0xffff, v63  }
0x1ad: {  	[tilespmem:s13+$0x18450] =	vst.add.f32.msk $0xffff, v5  }
0x1ae: {  	[tilespmem:s13+$0x18460] =	vst.add.f32.msk $0xffff, v6  }
0x1af: {  	[hbm4b:s16+s3] =	stream.linear.scatter [tilespmem:s18], [sflag:$0xE], $0x1000, $0x38;
	[tilespmem:$0x1C400] =	vst v63  }
0x1b0: {  	_ =	swait.ge [sflag:s29], $0x4000  }
0x1b1: {  	[sflag:s29] =	ssyncset.done $0x0  }
0x1b2: {  	[sflag:s29] =	ssyncadd.s32 $0xFFFFC000  }
0x1b3: {  	_ =	swait.ge [sflag:s5], $0x4000  }
0x1b4: {  	[sflag:s5] =	ssyncset.done $0x0  }
0x1b5: {  	[sflag:s5] =	ssyncadd.s32 $0xFFFFC000  }
0x1b6: {  	_ =	swait.ge [sflag:s8], $0x4000  }
0x1b7: {  	[sflag:s8] =	ssyncset.done $0x0  }
0x1b8: {  	s24 =	sadd.s32 $0x1, s24;
	[sflag:s8] =	ssyncadd.s32 $0xFFFFC000  }
0x1b9: {  	p0 =	sne.s32 s24, s17;
	_ =	swait.ge [sflag:s10], $0x3000  }
.Ltmp10:
0x1ba: {  	[sflag:s10] =	ssyncset.done $0x0;
	(pc) =	sbr.rel @p0 .LBB2_1-.Ltmp10, $4  }
0x1bb: {  	[sflag:s10] =	ssyncadd.s32 $0xFFFFD000  }
0x1bc: {  	_ =	swait.ge [sflag:s12], $0x1000  }
0x1bd: {  	[sflag:s12] =	ssyncset.done $0x0  }
0x1be: {  	[sflag:s12] =	ssyncadd.s32 $0xFFFFF000  }
0x1bf: {  	_ =	sfence.sel $0x180000  }
0x1c0: {  	[bflag:$0x0] =	sbarrier.arrive $0xFFFF  }
0x1c1: {  	_ =	strace $0x90000047  }
0x1c2: {  	s0 =	stileid.u32;
	[bflag:$0x2] =	sbarrier.arrive $0xFFFF  }
0x1c3: {  	p0 =	sne.s32 s0, $0x0;
	s0 =	rddreg [dreg:$0x4]  }
0x1c4: {  	s0 =	sadd.s32 @!p0 $0x100000, s0  }
0x1c5: {  	[sflag:s0] =	ssyncadd.tile.s32 @!p0 $0x1;
	_ =	shalt  }
.Lfunc_end2:
_tile_overlayer_lowered:
.L_overlay_start_2:
0x1c6: {  	(tag) =	ssettag $0x2  }
0x1c7: {  	s0 =	rddreg [dreg:$0x0];
	s2 =	stileid.u32  }
0x1c8: {  	s1 =	rddreg [dreg:$0x1];
	p0 =	sne.s32 s2, $0x0  }
0x1c9: {  	s3 =	rddreg [dreg:$0x2];
	[bflag:$0x3] =	sbarrier.arrive $0xFFFF;
	s2 =	simm.s32 @!p0 $0x1C0F  }
0x1ca: {  	[timem:s3], [sflag:s2] =	dma.local @!p0 [hbm:s0], s1  }
0x1cb: {  	s0 =	simm.s32 @!p0 $0xF  }
0x1cc: {  	_ =	swait.ge @!p0 [sflag:s0], s1  }
0x1cd: {  	s1 =	ssub.s32 @!p0 $0x0, s1;
	[sflag:s0] =	ssyncset.done @!p0 $0x0  }
0x1ce: {  	[sflag:s0] =	ssyncadd.s32 @!p0 s1  }
0x1cf: {  	[bflag:$0x3] =	sbarrier.arrive $0xFFFF  }
0x1d0: {  	_ =	shalt  }

</sc_bundles>
